<compile_context>
chip_gen: v7x
topology: tpu7x:2x2x1
jax: 0.10.2.dev20260603
libtpu: 0.0.44.dev20260713+nightly
codegen_flags: <defaults>
</compile_context>

<pallas_src>
import functools

import jax
import jax.numpy as jnp
from jax import lax
from jax.experimental import pallas as pl
from jax.experimental.pallas import tpu as pltpu
from jax.experimental.pallas import tpu_sc as plsc

N = 10000
E = 320000
FIN = 128
F = 16
C = 4

NC = 2
NS = 16
NW = NC * NS
CHUNK = 80
CPW = 125
EPW = CPW * CHUNK
NPAD = 10240
RPT = NPAD // NS

def _zero_rows(ref, nrows):
    def body(i, _):
        ref[i, :] = jnp.zeros((F,), jnp.float32)
        return 0
    lax.fori_loop(0, nrows, body, 0)


def _sc_degree_body(dst_hbm, out_hbm, dst_v, ones_v, strip_v, acc):
    c = lax.axis_index("c")
    s = lax.axis_index("s")
    wid = c * NS + s

    _zero_rows(strip_v, RPT)

    def ones_row(i, _):
        ones_v[i, :] = jnp.ones((F,), jnp.float32)
        return 0
    lax.fori_loop(0, CHUNK, ones_row, 0)

    pltpu.sync_copy(strip_v, acc.at[pl.ds(s * RPT, RPT)])
    pltpu.sync_copy(dst_hbm.at[wid], dst_v)
    plsc.subcore_barrier()

    def chunk(j, _):
        pltpu.sync_copy(ones_v, acc.at[dst_v.at[j]], add=True)
        return 0
    lax.fori_loop(0, CPW, chunk, 0)

    plsc.subcore_barrier()
    pltpu.sync_copy(acc.at[pl.ds(s * RPT, RPT)], strip_v)
    pltpu.sync_copy(strip_v, out_hbm.at[c, pl.ds(s * RPT, RPT)])


NBUF = 5


def _sc_aggregate_body(table_hbm, src_hbm, dst_hbm, out_hbm,
                       src_v, dst_v, rows_v, strip_v, acc,
                       sem0, sem1, sem2, sem3, sem4):
    c = lax.axis_index("c")
    s = lax.axis_index("s")
    wid = c * NS + s
    sems = (sem0, sem1, sem2, sem3, sem4)

    _zero_rows(strip_v, RPT)
    pltpu.sync_copy(strip_v, acc.at[pl.ds(s * RPT, RPT)])
    pltpu.sync_copy(src_hbm.at[wid], src_v)
    pltpu.sync_copy(dst_hbm.at[wid], dst_v)
    plsc.subcore_barrier()

    def drain(buf, sem):
        pltpu.make_async_copy(table_hbm.at[pl.ds(0, CHUNK)], buf, sem).wait()

    for b in range(NBUF):
        pltpu.async_copy(table_hbm.at[src_v.at[b]], rows_v.at[b], sems[b])

    def step(g, _):
        j0 = NBUF * g
        for b in range(NBUF):
            drain(rows_v.at[b], sems[b])
            pltpu.sync_copy(rows_v.at[b], acc.at[dst_v.at[j0 + b]], add=True)
            pltpu.async_copy(
                table_hbm.at[src_v.at[j0 + b + NBUF]], rows_v.at[b], sems[b])
        return 0

    lax.fori_loop(0, CPW // NBUF - 1, step, 0)

    j0 = CPW - NBUF
    for b in range(NBUF):
        drain(rows_v.at[b], sems[b])
        pltpu.sync_copy(rows_v.at[b], acc.at[dst_v.at[j0 + b]], add=True)

    plsc.subcore_barrier()
    pltpu.sync_copy(acc.at[pl.ds(s * RPT, RPT)], strip_v)
    pltpu.sync_copy(strip_v, out_hbm.at[c, pl.ds(s * RPT, RPT)])


NPK = N // 8
NPADPK = NPAD // 8


def _blockdiag(w, reps, rows, cols):
    t = jnp.tile(w, (reps, reps))
    r = lax.broadcasted_iota(jnp.int32, (reps * rows, reps * cols), 0) // rows
    c = lax.broadcasted_iota(jnp.int32, (reps * rows, reps * cols), 1) // cols
    return jnp.where(r == c, t, 0.0)


def _tc_matmul_body(x_ref, w1_ref, h1_ref):
    w1blk = _blockdiag(w1_ref[...], 8, FIN, F)
    h1_ref[...] = jnp.dot(x_ref[...], w1blk, preferred_element_type=jnp.float32)


def _tc_scale_body(h1_ref, degp_ref, g1_ref, dinv_ref):
    dp = degp_ref[...]
    deg = dp[0, :NPK, :] + dp[1, :NPK, :] + 1.0
    dinv = lax.rsqrt(deg)
    dinv_ref[...] = dinv
    g1_ref[...] = h1_ref[...] * dinv


def _tc_relu_body(sp_ref, g1_ref, dinv_ref, b1_ref, u_ref):
    agg = sp_ref[0, :NPK, :] + sp_ref[1, :NPK, :] + g1_ref[...]
    b1t = jnp.tile(b1_ref[...], (1, 8))
    a = dinv_ref[...] * agg + b1t
    u_ref[...] = dinv_ref[...] * jnp.maximum(a, 0.0)


def _tc_out_body(sp_ref, u_ref, dinv_ref, w2_ref, b2_ref, out_ref):
    vp = dinv_ref[...] * (sp_ref[0, :NPK, :] + sp_ref[1, :NPK, :] + u_ref[...])
    w2blk = _blockdiag(w2_ref[...], 8, F, C)
    g4 = _blockdiag(jnp.ones((C, C), jnp.float32), 8, C, C)
    b2t = jnp.tile(b2_ref[...], (1, 8))
    z = jnp.dot(vp, w2blk, preferred_element_type=jnp.float32) + b2t
    e = jnp.exp(z)
    se = jnp.dot(e, g4, preferred_element_type=jnp.float32)
    out_ref[...] = z - jnp.log(se)


@functools.cache
def _sc_kernels():
    mesh = plsc.VectorSubcoreMesh(
        core_axis_name="c", subcore_axis_name="s",
        num_cores=NC, num_subcores=NS)
    params = pltpu.CompilerParams(use_tc_tiling_on_sc=False)
    degree = pl.kernel(
        _sc_degree_body,
        out_type=jax.ShapeDtypeStruct((NC, NPAD, F), jnp.float32),
        mesh=mesh,
        compiler_params=params,
        scratch_types=[
            pltpu.VMEM((CPW, CHUNK), jnp.int32),
            pltpu.VMEM((CHUNK, F), jnp.float32),
            pltpu.VMEM((RPT, F), jnp.float32),
            pltpu.VMEM_SHARED((NPAD, F), jnp.float32),
        ],
    )
    aggregate = pl.kernel(
        _sc_aggregate_body,
        out_type=jax.ShapeDtypeStruct((NC, NPAD, F), jnp.float32),
        mesh=mesh,
        compiler_params=params,
        scratch_types=[
            pltpu.VMEM((CPW, CHUNK), jnp.int32),
            pltpu.VMEM((CPW, CHUNK), jnp.int32),
            pltpu.VMEM((NBUF, CHUNK, F), jnp.float32),
            pltpu.VMEM((RPT, F), jnp.float32),
            pltpu.VMEM_SHARED((NPAD, F), jnp.float32),
            pltpu.SemaphoreType.DMA,
            pltpu.SemaphoreType.DMA,
            pltpu.SemaphoreType.DMA,
            pltpu.SemaphoreType.DMA,
            pltpu.SemaphoreType.DMA,
        ],
    )
    return degree, aggregate


def kernel(x, edge_index, W1, b1, W2, b2):
    _sc_degree, _sc_aggregate = _sc_kernels()
    srcp = edge_index[0].astype(jnp.int32).reshape(NW, CPW, CHUNK)
    dstp = edge_index[1].astype(jnp.int32).reshape(NW, CPW, CHUNK)

    degp = _sc_degree(dstp).reshape(NC, NPADPK, 128)

    xp = x.reshape(NPK, 8 * FIN)
    h1p = pl.pallas_call(
        _tc_matmul_body,
        out_shape=jax.ShapeDtypeStruct((NPK, 128), jnp.float32),
    )(xp, W1)
    g1p, dinvp = pl.pallas_call(
        _tc_scale_body,
        out_shape=[jax.ShapeDtypeStruct((NPK, 128), jnp.float32),
                   jax.ShapeDtypeStruct((NPK, 128), jnp.float32)],
    )(h1p, degp)

    s1 = _sc_aggregate(g1p.reshape(N, F), srcp, dstp).reshape(NC, NPADPK, 128)

    up = pl.pallas_call(
        _tc_relu_body,
        out_shape=jax.ShapeDtypeStruct((NPK, 128), jnp.float32),
    )(s1, g1p, dinvp, b1.reshape(1, F))

    s2 = _sc_aggregate(up.reshape(N, F), srcp, dstp).reshape(NC, NPADPK, 128)

    outp = pl.pallas_call(
        _tc_out_body,
        out_shape=jax.ShapeDtypeStruct((NPK, 8 * C), jnp.float32),
    )(s2, up, dinvp, W2, b2.reshape(1, C))

    return outp.reshape(N, C)

# --- scband reference (transcript-rebuilt; emitter-appended) ---
"""Pipeline reference for scband-gcn-7808250544218 (READ-ONLY COPY).

The authoritative reference and input builder live on the scoring server;
editing this copy changes nothing except your own understanding.
"""

import jax, jax.numpy as jnp
import numpy as np

N_NODES = 10000
N_EDGES = 320000
F_IN = 128
HIDDEN = 16
NUM_LABELS = 4


def setup_inputs(seed: int = 0) -> dict:
    key = jax.random.key(seed)
    k1, k2, k3, k4, k5, k6 = jax.random.split(key, 6)
    x = jax.random.normal(k1, (N_NODES, F_IN), dtype=jnp.float32)
    edge_index = jax.random.randint(k2, (2, N_EDGES), 0, N_NODES, dtype=jnp.int64)
    # GCNConv learned parameters (glorot-ish init)
    W1 = jax.random.normal(k3, (F_IN, HIDDEN), dtype=jnp.float32) * (1.0 / np.sqrt(F_IN))
    b1 = jnp.zeros((HIDDEN,), dtype=jnp.float32)
    W2 = jax.random.normal(k4, (HIDDEN, NUM_LABELS), dtype=jnp.float32) * (1.0 / np.sqrt(HIDDEN))
    b2 = jnp.zeros((NUM_LABELS,), dtype=jnp.float32)
    return {"x": x, "edge_index": edge_index, "W1": W1, "b1": b1, "W2": W2, "b2": b2}


def _gcn_conv(x, edge_index, W, b):
    # PyG GCNConv: add self-loops, symmetric normalization D^{-1/2}(A+I)D^{-1/2} X W + b
    n = x.shape[0]
    loop = jnp.arange(n, dtype=edge_index.dtype)
    src = jnp.concatenate([edge_index[0], loop])
    dst = jnp.concatenate([edge_index[1], loop])
    deg = jnp.zeros((n,), dtype=x.dtype).at[dst].add(1.0)
    deg_inv_sqrt = jnp.where(deg > 0, 1.0 / jnp.sqrt(deg), 0.0)
    norm = deg_inv_sqrt[src] * deg_inv_sqrt[dst]
    h = x @ W
    msg = h[src] * norm[:, None]
    out = jnp.zeros((n, h.shape[1]), dtype=h.dtype).at[dst].add(msg)
    return out + b


def reference(x, edge_index, W1, b1, W2, b2):
    h = _gcn_conv(x, edge_index, W1, b1)
    h = jax.nn.relu(h)
    # dropout is identity in eval mode
    h = _gcn_conv(h, edge_index, W2, b2)
    return jax.nn.log_softmax(h, axis=1)

if __name__ == "__main__":
    import jax
    _d = setup_inputs()
    print(jax.jit(kernel)(*tuple(_d.values())))

</pallas_src>

<mosaic_0001>
#map = affine_map<(d0, d1) -> (0, 0)>
#map1 = affine_map<(d0, d1) -> (0, 0, 0)>
module attributes {stable_mosaic.version = 14 : i64} {
  func.func @_sc_aggregate_body(%arg0: i32, %arg1: i32, %arg2: memref<10000x16xf32, #tpu.memory_space<hbm>>, %arg3: memref<32x125x80xi32, #tpu.memory_space<hbm>>, %arg4: memref<32x125x80xi32, #tpu.memory_space<hbm>>, %arg5: memref<2x10240x16xf32, #tpu.memory_space<hbm>>, %arg6: memref<125x80xi32, #tpu.memory_space<vmem>>, %arg7: memref<125x80xi32, #tpu.memory_space<vmem>>, %arg8: memref<5x80x16xf32, #tpu.memory_space<vmem>>, %arg9: memref<640x16xf32, #tpu.memory_space<vmem>>, %arg10: memref<10240x16xf32, #tpu.memory_space<vmem_shared>>, %arg11: memref<!tpu.dma_semaphore, #tpu.memory_space<semaphore_mem>>, %arg12: memref<!tpu.dma_semaphore, #tpu.memory_space<semaphore_mem>>, %arg13: memref<!tpu.dma_semaphore, #tpu.memory_space<semaphore_mem>>, %arg14: memref<!tpu.dma_semaphore, #tpu.memory_space<semaphore_mem>>, %arg15: memref<!tpu.dma_semaphore, #tpu.memory_space<semaphore_mem>>) attributes {dimension_semantics = [#tpu.dimension_semantics<core_parallel>, #tpu.dimension_semantics<subcore_parallel>], iteration_bounds = array<i64: 2, 16>, scalar_prefetch = 0 : i64, scratch_operands = 10 : i64, tpu.core_type = #tpu.core_type<sc_vector_subcore>, window_params = [{transform_indices = #map}, {transform_indices = #map1}, {transform_indices = #map1}, {transform_indices = #map1}]} {
    %mul3A = arith.constant 16 : i32
    %mul3A_0 = arith.muli %arg0, %mul3A : i32
    %add3A = arith.addi %mul3A_0, %arg1 : i32
    %scan3A = arith.constant 0 : i32
    %scan3A_1 = arith.constant 0 : i32
    %scan3A_2 = arith.constant 640 : i32
    %scan3A_3 = arith.addi %scan3A_1, %scan3A_2 : i32
    %scan3A_4 = arith.constant 1 : i32
    %scan3A_5 = scf.for %scan3A_163 = %scan3A_1 to %scan3A_3 step %scan3A_4 iter_args(%scan3A_164 = %scan3A) -> (i32)  : i32 {
      %broadcast_in_dim3A = arith.constant 0.000000e+00 : f32
      %broadcast_in_dim3A_165 = vector.broadcast %broadcast_in_dim3A : f32 to vector<16xf32>
      %swap3A = arith.index_cast %scan3A_163 : i32 to index
      %swap3A_166 = arith.constant 0 : index
      %swap3A_167 = tpu.vector_load %arg9[%swap3A, %swap3A_166] {strides = array<i32>} : memref<640x16xf32, #tpu.memory_space<vmem>>, vector<1x16xf32>,
      %swap3A_168 = vector.shape_cast %swap3A_167 : vector<1x16xf32> to vector<16xf32>
      %swap3A_169 = vector.shape_cast %broadcast_in_dim3A_165 : vector<16xf32> to vector<1x16xf32>
      tpu.vector_store %arg9[%swap3A, %swap3A_166], %swap3A_169 {strides = array<i32>} : memref<640x16xf32, #tpu.memory_space<vmem>>, vector<1x16xf32>,
      %scan3A_170 = arith.constant 0 : i32
      scf.yield %scan3A_170 : i32
    }
    %scan3A_6 = arith.constant 640 : i32
    %mul3A_7 = arith.constant 640 : i32
    %mul3A_8 = arith.muli %arg1, %mul3A_7 : i32
    "tpu.region"() ({
      %run_scoped3A_163 = tpu.sem_alloc : memref<!tpu.dma_semaphore, #tpu.memory_space<semaphore_mem>>
      %dma_start3A_164 = arith.constant 0 : i32
      %dma_start3A_165 = tpu.memref_slice %arg10[%mul3A_8, %dma_start3A_164] : memref<10240x16xf32, #tpu.memory_space<vmem_shared>> -> memref<640x16xf32, #tpu.memory_space<vmem_shared>>
      %dma_start3A_166 = arith.constant 0 : i32
      %dma_start3A_167 = tpu.memref_slice %arg10[%mul3A_8, %dma_start3A_166] : memref<10240x16xf32, #tpu.memory_space<vmem_shared>> -> memref<640x16xf32, #tpu.memory_space<vmem_shared>>
      tpu.enqueue_dma source(%arg9 : memref<640x16xf32, #tpu.memory_space<vmem>>) target(%dma_start3A_167 : memref<640x16xf32, #tpu.memory_space<vmem_shared>>) target_semaphore(%run_scoped3A_163 : memref<!tpu.dma_semaphore, #tpu.memory_space<semaphore_mem>>)
      %dma_wait3A_168 = arith.constant 0 : i32
      %dma_wait3A_169 = tpu.memref_slice %arg10[%mul3A_8, %dma_wait3A_168] : memref<10240x16xf32, #tpu.memory_space<vmem_shared>> -> memref<640x16xf32, #tpu.memory_space<vmem_shared>>
      %dma_wait3A_170 = arith.constant 0 : i32
      %dma_wait3A_171 = tpu.memref_slice %arg10[%mul3A_8, %dma_wait3A_170] : memref<10240x16xf32, #tpu.memory_space<vmem_shared>> -> memref<640x16xf32, #tpu.memory_space<vmem_shared>>
      tpu.wait_dma2 semaphore(%run_scoped3A_163 : memref<!tpu.dma_semaphore, #tpu.memory_space<semaphore_mem>>) src(%arg9 : memref<640x16xf32, #tpu.memory_space<vmem>>) dst(%dma_wait3A_171 : memref<640x16xf32, #tpu.memory_space<vmem_shared>>)
      tpu.yield
    }) : () -> ()
    "tpu.region"() ({
      %run_scoped3A_163 = tpu.sem_alloc : memref<!tpu.dma_semaphore, #tpu.memory_space<semaphore_mem>>
      %dma_start3A_164 = arith.constant 0 : i32
      %dma_start3A_165 = arith.constant 0 : i32
      %dma_start3A_166 = tpu.memref_slice %arg3[%add3A, %dma_start3A_164, %dma_start3A_165] : memref<32x125x80xi32, #tpu.memory_space<hbm>> -> memref<1x125x80xi32, #tpu.memory_space<hbm>>
      %dma_start3A_167 = tpu.memref_squeeze %dma_start3A_166 : memref<1x125x80xi32, #tpu.memory_space<hbm>> -> memref<125x80xi32, #tpu.memory_space<hbm>>
      %dma_start3A_168 = arith.constant 0 : i32
      %dma_start3A_169 = arith.constant 0 : i32
      %dma_start3A_170 = tpu.memref_slice %arg3[%add3A, %dma_start3A_168, %dma_start3A_169] : memref<32x125x80xi32, #tpu.memory_space<hbm>> -> memref<1x125x80xi32, #tpu.memory_space<hbm>>
      %dma_start3A_171 = tpu.memref_squeeze %dma_start3A_170 : memref<1x125x80xi32, #tpu.memory_space<hbm>> -> memref<125x80xi32, #tpu.memory_space<hbm>>
      tpu.enqueue_dma source(%dma_start3A_171 : memref<125x80xi32, #tpu.memory_space<hbm>>) target(%arg6 : memref<125x80xi32, #tpu.memory_space<vmem>>) target_semaphore(%run_scoped3A_163 : memref<!tpu.dma_semaphore, #tpu.memory_space<semaphore_mem>>)
      %dma_wait3A_172 = arith.constant 0 : i32
      %dma_wait3A_173 = arith.constant 0 : i32
      %dma_wait3A_174 = tpu.memref_slice %arg3[%add3A, %dma_wait3A_172, %dma_wait3A_173] : memref<32x125x80xi32, #tpu.memory_space<hbm>> -> memref<1x125x80xi32, #tpu.memory_space<hbm>>
      %dma_wait3A_175 = tpu.memref_squeeze %dma_wait3A_174 : memref<1x125x80xi32, #tpu.memory_space<hbm>> -> memref<125x80xi32, #tpu.memory_space<hbm>>
      %dma_wait3A_176 = arith.constant 0 : i32
      %dma_wait3A_177 = arith.constant 0 : i32
      %dma_wait3A_178 = tpu.memref_slice %arg3[%add3A, %dma_wait3A_176, %dma_wait3A_177] : memref<32x125x80xi32, #tpu.memory_space<hbm>> -> memref<1x125x80xi32, #tpu.memory_space<hbm>>
      %dma_wait3A_179 = tpu.memref_squeeze %dma_wait3A_178 : memref<1x125x80xi32, #tpu.memory_space<hbm>> -> memref<125x80xi32, #tpu.memory_space<hbm>>
      tpu.wait_dma2 semaphore(%run_scoped3A_163 : memref<!tpu.dma_semaphore, #tpu.memory_space<semaphore_mem>>) src(%dma_wait3A_179 : memref<125x80xi32, #tpu.memory_space<hbm>>) dst(%arg6 : memref<125x80xi32, #tpu.memory_space<vmem>>)
      tpu.yield
    }) : () -> ()
    "tpu.region"() ({
      %run_scoped3A_163 = tpu.sem_alloc : memref<!tpu.dma_semaphore, #tpu.memory_space<semaphore_mem>>
      %dma_start3A_164 = arith.constant 0 : i32
      %dma_start3A_165 = arith.constant 0 : i32
      %dma_start3A_166 = tpu.memref_slice %arg4[%add3A, %dma_start3A_164, %dma_start3A_165] : memref<32x125x80xi32, #tpu.memory_space<hbm>> -> memref<1x125x80xi32, #tpu.memory_space<hbm>>
      %dma_start3A_167 = tpu.memref_squeeze %dma_start3A_166 : memref<1x125x80xi32, #tpu.memory_space<hbm>> -> memref<125x80xi32, #tpu.memory_space<hbm>>
      %dma_start3A_168 = arith.constant 0 : i32
      %dma_start3A_169 = arith.constant 0 : i32
      %dma_start3A_170 = tpu.memref_slice %arg4[%add3A, %dma_start3A_168, %dma_start3A_169] : memref<32x125x80xi32, #tpu.memory_space<hbm>> -> memref<1x125x80xi32, #tpu.memory_space<hbm>>
      %dma_start3A_171 = tpu.memref_squeeze %dma_start3A_170 : memref<1x125x80xi32, #tpu.memory_space<hbm>> -> memref<125x80xi32, #tpu.memory_space<hbm>>
      tpu.enqueue_dma source(%dma_start3A_171 : memref<125x80xi32, #tpu.memory_space<hbm>>) target(%arg7 : memref<125x80xi32, #tpu.memory_space<vmem>>) target_semaphore(%run_scoped3A_163 : memref<!tpu.dma_semaphore, #tpu.memory_space<semaphore_mem>>)
      %dma_wait3A_172 = arith.constant 0 : i32
      %dma_wait3A_173 = arith.constant 0 : i32
      %dma_wait3A_174 = tpu.memref_slice %arg4[%add3A, %dma_wait3A_172, %dma_wait3A_173] : memref<32x125x80xi32, #tpu.memory_space<hbm>> -> memref<1x125x80xi32, #tpu.memory_space<hbm>>
      %dma_wait3A_175 = tpu.memref_squeeze %dma_wait3A_174 : memref<1x125x80xi32, #tpu.memory_space<hbm>> -> memref<125x80xi32, #tpu.memory_space<hbm>>
      %dma_wait3A_176 = arith.constant 0 : i32
      %dma_wait3A_177 = arith.constant 0 : i32
      %dma_wait3A_178 = tpu.memref_slice %arg4[%add3A, %dma_wait3A_176, %dma_wait3A_177] : memref<32x125x80xi32, #tpu.memory_space<hbm>> -> memref<1x125x80xi32, #tpu.memory_space<hbm>>
      %dma_wait3A_179 = tpu.memref_squeeze %dma_wait3A_178 : memref<1x125x80xi32, #tpu.memory_space<hbm>> -> memref<125x80xi32, #tpu.memory_space<hbm>>
      tpu.wait_dma2 semaphore(%run_scoped3A_163 : memref<!tpu.dma_semaphore, #tpu.memory_space<semaphore_mem>>) src(%dma_wait3A_179 : memref<125x80xi32, #tpu.memory_space<hbm>>) dst(%arg7 : memref<125x80xi32, #tpu.memory_space<vmem>>)
      tpu.yield
    }) : () -> ()
    %barrier3A = arith.constant 0 : index
    tpu.barrier barrier_id(%barrier3A)
    %dma_start3A = arith.constant 0 : i32
    %dma_start3A_9 = arith.constant 0 : i32
    %dma_start3A_10 = arith.constant 0 : i32
    %dma_start3A_11 = arith.constant 0 : i32
    %dma_start3A_12 = tpu.memref_slice %arg8[%dma_start3A_9, %dma_start3A_10, %dma_start3A_11] : memref<5x80x16xf32, #tpu.memory_space<vmem>> -> memref<1x80x16xf32, #tpu.memory_space<vmem>>
    %dma_start3A_13 = tpu.memref_squeeze %dma_start3A_12 : memref<1x80x16xf32, #tpu.memory_space<vmem>> -> memref<80x16xf32, #tpu.memory_space<vmem>>
    %dma_start3A_14 = arith.constant 0 : i32
    %dma_start3A_15 = tpu.memref_slice %arg6[%dma_start3A, %dma_start3A_14] : memref<125x80xi32, #tpu.memory_space<vmem>> -> memref<1x80xi32, #tpu.memory_space<vmem>>
    %dma_start3A_16 = tpu.memref_squeeze %dma_start3A_15 : memref<1x80xi32, #tpu.memory_space<vmem>> -> memref<80xi32, #tpu.memory_space<vmem>>
    %dma_start3A_17 = arith.constant 0 : i32
    %dma_start3A_18 = arith.constant 0 : i32
    %dma_start3A_19 = tpu.memref_slice %arg2[%dma_start3A_17, %dma_start3A_18] : memref<10000x16xf32, #tpu.memory_space<hbm>> -> memref<10000x16xf32, #tpu.memory_space<hbm>>
    tpu.enqueue_indirect_dma source(%dma_start3A_19 : memref<10000x16xf32, #tpu.memory_space<hbm>>) target(%dma_start3A_13 : memref<80x16xf32, #tpu.memory_space<vmem>>) offsets(%dma_start3A_16 : memref<80xi32, #tpu.memory_space<vmem>>) semaphore(%arg11 : memref<!tpu.dma_semaphore, #tpu.memory_space<semaphore_mem>>)
    %dma_start3A_20 = arith.constant 1 : i32
    %dma_start3A_21 = arith.constant 1 : i32
    %dma_start3A_22 = arith.constant 0 : i32
    %dma_start3A_23 = arith.constant 0 : i32
    %dma_start3A_24 = tpu.memref_slice %arg8[%dma_start3A_21, %dma_start3A_22, %dma_start3A_23] : memref<5x80x16xf32, #tpu.memory_space<vmem>> -> memref<1x80x16xf32, #tpu.memory_space<vmem>>
    %dma_start3A_25 = tpu.memref_squeeze %dma_start3A_24 : memref<1x80x16xf32, #tpu.memory_space<vmem>> -> memref<80x16xf32, #tpu.memory_space<vmem>>
    %dma_start3A_26 = arith.constant 0 : i32
    %dma_start3A_27 = tpu.memref_slice %arg6[%dma_start3A_20, %dma_start3A_26] : memref<125x80xi32, #tpu.memory_space<vmem>> -> memref<1x80xi32, #tpu.memory_space<vmem>>
    %dma_start3A_28 = tpu.memref_squeeze %dma_start3A_27 : memref<1x80xi32, #tpu.memory_space<vmem>> -> memref<80xi32, #tpu.memory_space<vmem>>
    %dma_start3A_29 = arith.constant 0 : i32
    %dma_start3A_30 = arith.constant 0 : i32
    %dma_start3A_31 = tpu.memref_slice %arg2[%dma_start3A_29, %dma_start3A_30] : memref<10000x16xf32, #tpu.memory_space<hbm>> -> memref<10000x16xf32, #tpu.memory_space<hbm>>
    tpu.enqueue_indirect_dma source(%dma_start3A_31 : memref<10000x16xf32, #tpu.memory_space<hbm>>) target(%dma_start3A_25 : memref<80x16xf32, #tpu.memory_space<vmem>>) offsets(%dma_start3A_28 : memref<80xi32, #tpu.memory_space<vmem>>) semaphore(%arg12 : memref<!tpu.dma_semaphore, #tpu.memory_space<semaphore_mem>>)
    %dma_start3A_32 = arith.constant 2 : i32
    %dma_start3A_33 = arith.constant 2 : i32
    %dma_start3A_34 = arith.constant 0 : i32
    %dma_start3A_35 = arith.constant 0 : i32
    %dma_start3A_36 = tpu.memref_slice %arg8[%dma_start3A_33, %dma_start3A_34, %dma_start3A_35] : memref<5x80x16xf32, #tpu.memory_space<vmem>> -> memref<1x80x16xf32, #tpu.memory_space<vmem>>
    %dma_start3A_37 = tpu.memref_squeeze %dma_start3A_36 : memref<1x80x16xf32, #tpu.memory_space<vmem>> -> memref<80x16xf32, #tpu.memory_space<vmem>>
    %dma_start3A_38 = arith.constant 0 : i32
    %dma_start3A_39 = tpu.memref_slice %arg6[%dma_start3A_32, %dma_start3A_38] : memref<125x80xi32, #tpu.memory_space<vmem>> -> memref<1x80xi32, #tpu.memory_space<vmem>>
    %dma_start3A_40 = tpu.memref_squeeze %dma_start3A_39 : memref<1x80xi32, #tpu.memory_space<vmem>> -> memref<80xi32, #tpu.memory_space<vmem>>
    %dma_start3A_41 = arith.constant 0 : i32
    %dma_start3A_42 = arith.constant 0 : i32
    %dma_start3A_43 = tpu.memref_slice %arg2[%dma_start3A_41, %dma_start3A_42] : memref<10000x16xf32, #tpu.memory_space<hbm>> -> memref<10000x16xf32, #tpu.memory_space<hbm>>
    tpu.enqueue_indirect_dma source(%dma_start3A_43 : memref<10000x16xf32, #tpu.memory_space<hbm>>) target(%dma_start3A_37 : memref<80x16xf32, #tpu.memory_space<vmem>>) offsets(%dma_start3A_40 : memref<80xi32, #tpu.memory_space<vmem>>) semaphore(%arg13 : memref<!tpu.dma_semaphore, #tpu.memory_space<semaphore_mem>>)
    %dma_start3A_44 = arith.constant 3 : i32
    %dma_start3A_45 = arith.constant 3 : i32
    %dma_start3A_46 = arith.constant 0 : i32
    %dma_start3A_47 = arith.constant 0 : i32
    %dma_start3A_48 = tpu.memref_slice %arg8[%dma_start3A_45, %dma_start3A_46, %dma_start3A_47] : memref<5x80x16xf32, #tpu.memory_space<vmem>> -> memref<1x80x16xf32, #tpu.memory_space<vmem>>
    %dma_start3A_49 = tpu.memref_squeeze %dma_start3A_48 : memref<1x80x16xf32, #tpu.memory_space<vmem>> -> memref<80x16xf32, #tpu.memory_space<vmem>>
    %dma_start3A_50 = arith.constant 0 : i32
    %dma_start3A_51 = tpu.memref_slice %arg6[%dma_start3A_44, %dma_start3A_50] : memref<125x80xi32, #tpu.memory_space<vmem>> -> memref<1x80xi32, #tpu.memory_space<vmem>>
    %dma_start3A_52 = tpu.memref_squeeze %dma_start3A_51 : memref<1x80xi32, #tpu.memory_space<vmem>> -> memref<80xi32, #tpu.memory_space<vmem>>
    %dma_start3A_53 = arith.constant 0 : i32
    %dma_start3A_54 = arith.constant 0 : i32
    %dma_start3A_55 = tpu.memref_slice %arg2[%dma_start3A_53, %dma_start3A_54] : memref<10000x16xf32, #tpu.memory_space<hbm>> -> memref<10000x16xf32, #tpu.memory_space<hbm>>
    tpu.enqueue_indirect_dma source(%dma_start3A_55 : memref<10000x16xf32, #tpu.memory_space<hbm>>) target(%dma_start3A_49 : memref<80x16xf32, #tpu.memory_space<vmem>>) offsets(%dma_start3A_52 : memref<80xi32, #tpu.memory_space<vmem>>) semaphore(%arg14 : memref<!tpu.dma_semaphore, #tpu.memory_space<semaphore_mem>>)
    %dma_start3A_56 = arith.constant 4 : i32
    %dma_start3A_57 = arith.constant 4 : i32
    %dma_start3A_58 = arith.constant 0 : i32
    %dma_start3A_59 = arith.constant 0 : i32
    %dma_start3A_60 = tpu.memref_slice %arg8[%dma_start3A_57, %dma_start3A_58, %dma_start3A_59] : memref<5x80x16xf32, #tpu.memory_space<vmem>> -> memref<1x80x16xf32, #tpu.memory_space<vmem>>
    %dma_start3A_61 = tpu.memref_squeeze %dma_start3A_60 : memref<1x80x16xf32, #tpu.memory_space<vmem>> -> memref<80x16xf32, #tpu.memory_space<vmem>>
    %dma_start3A_62 = arith.constant 0 : i32
    %dma_start3A_63 = tpu.memref_slice %arg6[%dma_start3A_56, %dma_start3A_62] : memref<125x80xi32, #tpu.memory_space<vmem>> -> memref<1x80xi32, #tpu.memory_space<vmem>>
    %dma_start3A_64 = tpu.memref_squeeze %dma_start3A_63 : memref<1x80xi32, #tpu.memory_space<vmem>> -> memref<80xi32, #tpu.memory_space<vmem>>
    %dma_start3A_65 = arith.constant 0 : i32
    %dma_start3A_66 = arith.constant 0 : i32
    %dma_start3A_67 = tpu.memref_slice %arg2[%dma_start3A_65, %dma_start3A_66] : memref<10000x16xf32, #tpu.memory_space<hbm>> -> memref<10000x16xf32, #tpu.memory_space<hbm>>
    tpu.enqueue_indirect_dma source(%dma_start3A_67 : memref<10000x16xf32, #tpu.memory_space<hbm>>) target(%dma_start3A_61 : memref<80x16xf32, #tpu.memory_space<vmem>>) offsets(%dma_start3A_64 : memref<80xi32, #tpu.memory_space<vmem>>) semaphore(%arg15 : memref<!tpu.dma_semaphore, #tpu.memory_space<semaphore_mem>>)
    %scan3A_68 = arith.constant 0 : i32
    %scan3A_69 = arith.constant 0 : i32
    %scan3A_70 = arith.constant 24 : i32
    %scan3A_71 = arith.addi %scan3A_69, %scan3A_70 : i32
    %scan3A_72 = arith.constant 1 : i32
    %scan3A_73 = scf.for %scan3A_163 = %scan3A_69 to %scan3A_71 step %scan3A_72 iter_args(%scan3A_164 = %scan3A_68) -> (i32)  : i32 {
      %mul3A_165 = arith.constant 5 : i32
      %mul3A_166 = arith.muli %mul3A_165, %scan3A_163 : i32
      %dma_wait3A_167 = arith.constant 0 : i32
      %dma_wait3A_168 = arith.constant 0 : i32
      %dma_wait3A_169 = arith.constant 0 : i32
      %dma_wait3A_170 = tpu.memref_slice %arg8[%dma_wait3A_167, %dma_wait3A_168, %dma_wait3A_169] : memref<5x80x16xf32, #tpu.memory_space<vmem>> -> memref<1x80x16xf32, #tpu.memory_space<vmem>>
      %dma_wait3A_171 = tpu.memref_squeeze %dma_wait3A_170 : memref<1x80x16xf32, #tpu.memory_space<vmem>> -> memref<80x16xf32, #tpu.memory_space<vmem>>
      %dma_wait3A_172 = arith.constant 0 : i32
      %dma_wait3A_173 = arith.constant 0 : i32
      %dma_wait3A_174 = tpu.memref_slice %arg2[%dma_wait3A_172, %dma_wait3A_173] : memref<10000x16xf32, #tpu.memory_space<hbm>> -> memref<80x16xf32, #tpu.memory_space<hbm>>
      %dma_wait3A_175 = arith.constant 0 : i32
      %dma_wait3A_176 = arith.constant 0 : i32
      %dma_wait3A_177 = tpu.memref_slice %arg8[%dma_wait3A_167, %dma_wait3A_175, %dma_wait3A_176] : memref<5x80x16xf32, #tpu.memory_space<vmem>> -> memref<1x80x16xf32, #tpu.memory_space<vmem>>
      %dma_wait3A_178 = tpu.memref_squeeze %dma_wait3A_177 : memref<1x80x16xf32, #tpu.memory_space<vmem>> -> memref<80x16xf32, #tpu.memory_space<vmem>>
      %dma_wait3A_179 = arith.constant 0 : i32
      %dma_wait3A_180 = arith.constant 0 : i32
      %dma_wait3A_181 = tpu.memref_slice %arg2[%dma_wait3A_179, %dma_wait3A_180] : memref<10000x16xf32, #tpu.memory_space<hbm>> -> memref<80x16xf32, #tpu.memory_space<hbm>>
      tpu.wait_dma2 semaphore(%arg11 : memref<!tpu.dma_semaphore, #tpu.memory_space<semaphore_mem>>) src(%dma_wait3A_181 : memref<80x16xf32, #tpu.memory_space<hbm>>) dst(%dma_wait3A_178 : memref<80x16xf32, #tpu.memory_space<vmem>>)
      %add3A_182 = arith.constant 0 : i32
      %add3A_183 = arith.addi %mul3A_166, %add3A_182 : i32
      %run_scoped3A_184 = arith.constant 0 : i32
      "tpu.region"() ({
        %run_scoped3A_333 = tpu.sem_alloc : memref<!tpu.dma_semaphore, #tpu.memory_space<semaphore_mem>>
        %dma_start3A_334 = arith.constant 0 : i32
        %dma_start3A_335 = arith.constant 0 : i32
        %dma_start3A_336 = tpu.memref_slice %arg8[%run_scoped3A_184, %dma_start3A_334, %dma_start3A_335] : memref<5x80x16xf32, #tpu.memory_space<vmem>> -> memref<1x80x16xf32, #tpu.memory_space<vmem>>
        %dma_start3A_337 = tpu.memref_squeeze %dma_start3A_336 : memref<1x80x16xf32, #tpu.memory_space<vmem>> -> memref<80x16xf32, #tpu.memory_space<vmem>>
        %dma_start3A_338 = arith.constant 0 : i32
        %dma_start3A_339 = tpu.memref_slice %arg7[%add3A_183, %dma_start3A_338] : memref<125x80xi32, #tpu.memory_space<vmem>> -> memref<1x80xi32, #tpu.memory_space<vmem>>
        %dma_start3A_340 = tpu.memref_squeeze %dma_start3A_339 : memref<1x80xi32, #tpu.memory_space<vmem>> -> memref<80xi32, #tpu.memory_space<vmem>>
        %dma_start3A_341 = arith.constant 0 : i32
        %dma_start3A_342 = arith.constant 0 : i32
        %dma_start3A_343 = tpu.memref_slice %arg10[%dma_start3A_341, %dma_start3A_342] : memref<10240x16xf32, #tpu.memory_space<vmem_shared>> -> memref<10240x16xf32, #tpu.memory_space<vmem_shared>>
        tpu.enqueue_indirect_dma source(%dma_start3A_337 : memref<80x16xf32, #tpu.memory_space<vmem>>) target(%dma_start3A_343 : memref<10240x16xf32, #tpu.memory_space<vmem_shared>>) offsets(%dma_start3A_340 : memref<80xi32, #tpu.memory_space<vmem>>) semaphore(%run_scoped3A_333 : memref<!tpu.dma_semaphore, #tpu.memory_space<semaphore_mem>>) {add = true}
        %dma_wait3A_344 = arith.constant 0 : i32
        %dma_wait3A_345 = arith.constant 0 : i32
        %dma_wait3A_346 = tpu.memref_slice %arg8[%run_scoped3A_184, %dma_wait3A_344, %dma_wait3A_345] : memref<5x80x16xf32, #tpu.memory_space<vmem>> -> memref<1x80x16xf32, #tpu.memory_space<vmem>>
        %dma_wait3A_347 = tpu.memref_squeeze %dma_wait3A_346 : memref<1x80x16xf32, #tpu.memory_space<vmem>> -> memref<80x16xf32, #tpu.memory_space<vmem>>
        %dma_wait3A_348 = arith.constant 0 : i32
        %dma_wait3A_349 = tpu.memref_slice %arg7[%add3A_183, %dma_wait3A_348] : memref<125x80xi32, #tpu.memory_space<vmem>> -> memref<1x80xi32, #tpu.memory_space<vmem>>
        %dma_wait3A_350 = tpu.memref_squeeze %dma_wait3A_349 : memref<1x80xi32, #tpu.memory_space<vmem>> -> memref<80xi32, #tpu.memory_space<vmem>>
        %dma_wait3A_351 = arith.constant 0 : i32
        %dma_wait3A_352 = arith.constant 0 : i32
        %dma_wait3A_353 = tpu.memref_slice %arg10[%dma_wait3A_351, %dma_wait3A_352] : memref<10240x16xf32, #tpu.memory_space<vmem_shared>> -> memref<10240x16xf32, #tpu.memory_space<vmem_shared>>
        tpu.wait_indirect_dma semaphore(%run_scoped3A_333 : memref<!tpu.dma_semaphore, #tpu.memory_space<semaphore_mem>>) src(%dma_wait3A_347 : memref<80x16xf32, #tpu.memory_space<vmem>>) dst(%dma_wait3A_353 : memref<10240x16xf32, #tpu.memory_space<vmem_shared>>)
        tpu.yield
      }) : () -> ()
      %add3A_185 = arith.constant 0 : i32
      %add3A_186 = arith.addi %mul3A_166, %add3A_185 : i32
      %add3A_187 = arith.constant 5 : i32
      %add3A_188 = arith.addi %add3A_186, %add3A_187 : i32
      %dma_start3A_189 = arith.constant 0 : i32
      %dma_start3A_190 = arith.constant 0 : i32
      %dma_start3A_191 = arith.constant 0 : i32
      %dma_start3A_192 = tpu.memref_slice %arg8[%dma_start3A_189, %dma_start3A_190, %dma_start3A_191] : memref<5x80x16xf32, #tpu.memory_space<vmem>> -> memref<1x80x16xf32, #tpu.memory_space<vmem>>
      %dma_start3A_193 = tpu.memref_squeeze %dma_start3A_192 : memref<1x80x16xf32, #tpu.memory_space<vmem>> -> memref<80x16xf32, #tpu.memory_space<vmem>>
      %dma_start3A_194 = arith.constant 0 : i32
      %dma_start3A_195 = tpu.memref_slice %arg6[%add3A_188, %dma_start3A_194] : memref<125x80xi32, #tpu.memory_space<vmem>> -> memref<1x80xi32, #tpu.memory_space<vmem>>
      %dma_start3A_196 = tpu.memref_squeeze %dma_start3A_195 : memref<1x80xi32, #tpu.memory_space<vmem>> -> memref<80xi32, #tpu.memory_space<vmem>>
      %dma_start3A_197 = arith.constant 0 : i32
      %dma_start3A_198 = arith.constant 0 : i32
      %dma_start3A_199 = tpu.memref_slice %arg2[%dma_start3A_197, %dma_start3A_198] : memref<10000x16xf32, #tpu.memory_space<hbm>> -> memref<10000x16xf32, #tpu.memory_space<hbm>>
      tpu.enqueue_indirect_dma source(%dma_start3A_199 : memref<10000x16xf32, #tpu.memory_space<hbm>>) target(%dma_start3A_193 : memref<80x16xf32, #tpu.memory_space<vmem>>) offsets(%dma_start3A_196 : memref<80xi32, #tpu.memory_space<vmem>>) semaphore(%arg11 : memref<!tpu.dma_semaphore, #tpu.memory_space<semaphore_mem>>)
      %dma_wait3A_200 = arith.constant 1 : i32
      %dma_wait3A_201 = arith.constant 0 : i32
      %dma_wait3A_202 = arith.constant 0 : i32
      %dma_wait3A_203 = tpu.memref_slice %arg8[%dma_wait3A_200, %dma_wait3A_201, %dma_wait3A_202] : memref<5x80x16xf32, #tpu.memory_space<vmem>> -> memref<1x80x16xf32, #tpu.memory_space<vmem>>
      %dma_wait3A_204 = tpu.memref_squeeze %dma_wait3A_203 : memref<1x80x16xf32, #tpu.memory_space<vmem>> -> memref<80x16xf32, #tpu.memory_space<vmem>>
      %dma_wait3A_205 = arith.constant 0 : i32
      %dma_wait3A_206 = arith.constant 0 : i32
      %dma_wait3A_207 = tpu.memref_slice %arg2[%dma_wait3A_205, %dma_wait3A_206] : memref<10000x16xf32, #tpu.memory_space<hbm>> -> memref<80x16xf32, #tpu.memory_space<hbm>>
      %dma_wait3A_208 = arith.constant 0 : i32
      %dma_wait3A_209 = arith.constant 0 : i32
      %dma_wait3A_210 = tpu.memref_slice %arg8[%dma_wait3A_200, %dma_wait3A_208, %dma_wait3A_209] : memref<5x80x16xf32, #tpu.memory_space<vmem>> -> memref<1x80x16xf32, #tpu.memory_space<vmem>>
      %dma_wait3A_211 = tpu.memref_squeeze %dma_wait3A_210 : memref<1x80x16xf32, #tpu.memory_space<vmem>> -> memref<80x16xf32, #tpu.memory_space<vmem>>
      %dma_wait3A_212 = arith.constant 0 : i32
      %dma_wait3A_213 = arith.constant 0 : i32
      %dma_wait3A_214 = tpu.memref_slice %arg2[%dma_wait3A_212, %dma_wait3A_213] : memref<10000x16xf32, #tpu.memory_space<hbm>> -> memref<80x16xf32, #tpu.memory_space<hbm>>
      tpu.wait_dma2 semaphore(%arg12 : memref<!tpu.dma_semaphore, #tpu.memory_space<semaphore_mem>>) src(%dma_wait3A_214 : memref<80x16xf32, #tpu.memory_space<hbm>>) dst(%dma_wait3A_211 : memref<80x16xf32, #tpu.memory_space<vmem>>)
      %add3A_215 = arith.constant 1 : i32
      %add3A_216 = arith.addi %mul3A_166, %add3A_215 : i32
      %run_scoped3A_217 = arith.constant 1 : i32
      "tpu.region"() ({
        %run_scoped3A_333 = tpu.sem_alloc : memref<!tpu.dma_semaphore, #tpu.memory_space<semaphore_mem>>
        %dma_start3A_334 = arith.constant 0 : i32
        %dma_start3A_335 = arith.constant 0 : i32
        %dma_start3A_336 = tpu.memref_slice %arg8[%run_scoped3A_217, %dma_start3A_334, %dma_start3A_335] : memref<5x80x16xf32, #tpu.memory_space<vmem>> -> memref<1x80x16xf32, #tpu.memory_space<vmem>>
        %dma_start3A_337 = tpu.memref_squeeze %dma_start3A_336 : memref<1x80x16xf32, #tpu.memory_space<vmem>> -> memref<80x16xf32, #tpu.memory_space<vmem>>
        %dma_start3A_338 = arith.constant 0 : i32
        %dma_start3A_339 = tpu.memref_slice %arg7[%add3A_216, %dma_start3A_338] : memref<125x80xi32, #tpu.memory_space<vmem>> -> memref<1x80xi32, #tpu.memory_space<vmem>>
        %dma_start3A_340 = tpu.memref_squeeze %dma_start3A_339 : memref<1x80xi32, #tpu.memory_space<vmem>> -> memref<80xi32, #tpu.memory_space<vmem>>
        %dma_start3A_341 = arith.constant 0 : i32
        %dma_start3A_342 = arith.constant 0 : i32
        %dma_start3A_343 = tpu.memref_slice %arg10[%dma_start3A_341, %dma_start3A_342] : memref<10240x16xf32, #tpu.memory_space<vmem_shared>> -> memref<10240x16xf32, #tpu.memory_space<vmem_shared>>
        tpu.enqueue_indirect_dma source(%dma_start3A_337 : memref<80x16xf32, #tpu.memory_space<vmem>>) target(%dma_start3A_343 : memref<10240x16xf32, #tpu.memory_space<vmem_shared>>) offsets(%dma_start3A_340 : memref<80xi32, #tpu.memory_space<vmem>>) semaphore(%run_scoped3A_333 : memref<!tpu.dma_semaphore, #tpu.memory_space<semaphore_mem>>) {add = true}
        %dma_wait3A_344 = arith.constant 0 : i32
        %dma_wait3A_345 = arith.constant 0 : i32
        %dma_wait3A_346 = tpu.memref_slice %arg8[%run_scoped3A_217, %dma_wait3A_344, %dma_wait3A_345] : memref<5x80x16xf32, #tpu.memory_space<vmem>> -> memref<1x80x16xf32, #tpu.memory_space<vmem>>
        %dma_wait3A_347 = tpu.memref_squeeze %dma_wait3A_346 : memref<1x80x16xf32, #tpu.memory_space<vmem>> -> memref<80x16xf32, #tpu.memory_space<vmem>>
        %dma_wait3A_348 = arith.constant 0 : i32
        %dma_wait3A_349 = tpu.memref_slice %arg7[%add3A_216, %dma_wait3A_348] : memref<125x80xi32, #tpu.memory_space<vmem>> -> memref<1x80xi32, #tpu.memory_space<vmem>>
        %dma_wait3A_350 = tpu.memref_squeeze %dma_wait3A_349 : memref<1x80xi32, #tpu.memory_space<vmem>> -> memref<80xi32, #tpu.memory_space<vmem>>
        %dma_wait3A_351 = arith.constant 0 : i32
        %dma_wait3A_352 = arith.constant 0 : i32
        %dma_wait3A_353 = tpu.memref_slice %arg10[%dma_wait3A_351, %dma_wait3A_352] : memref<10240x16xf32, #tpu.memory_space<vmem_shared>> -> memref<10240x16xf32, #tpu.memory_space<vmem_shared>>
        tpu.wait_indirect_dma semaphore(%run_scoped3A_333 : memref<!tpu.dma_semaphore, #tpu.memory_space<semaphore_mem>>) src(%dma_wait3A_347 : memref<80x16xf32, #tpu.memory_space<vmem>>) dst(%dma_wait3A_353 : memref<10240x16xf32, #tpu.memory_space<vmem_shared>>)
        tpu.yield
      }) : () -> ()
      %add3A_218 = arith.constant 1 : i32
      %add3A_219 = arith.addi %mul3A_166, %add3A_218 : i32
      %add3A_220 = arith.constant 5 : i32
      %add3A_221 = arith.addi %add3A_219, %add3A_220 : i32
      %dma_start3A_222 = arith.constant 1 : i32
      %dma_start3A_223 = arith.constant 0 : i32
      %dma_start3A_224 = arith.constant 0 : i32
      %dma_start3A_225 = tpu.memref_slice %arg8[%dma_start3A_222, %dma_start3A_223, %dma_start3A_224] : memref<5x80x16xf32, #tpu.memory_space<vmem>> -> memref<1x80x16xf32, #tpu.memory_space<vmem>>
      %dma_start3A_226 = tpu.memref_squeeze %dma_start3A_225 : memref<1x80x16xf32, #tpu.memory_space<vmem>> -> memref<80x16xf32, #tpu.memory_space<vmem>>
      %dma_start3A_227 = arith.constant 0 : i32
      %dma_start3A_228 = tpu.memref_slice %arg6[%add3A_221, %dma_start3A_227] : memref<125x80xi32, #tpu.memory_space<vmem>> -> memref<1x80xi32, #tpu.memory_space<vmem>>
      %dma_start3A_229 = tpu.memref_squeeze %dma_start3A_228 : memref<1x80xi32, #tpu.memory_space<vmem>> -> memref<80xi32, #tpu.memory_space<vmem>>
      %dma_start3A_230 = arith.constant 0 : i32
      %dma_start3A_231 = arith.constant 0 : i32
      %dma_start3A_232 = tpu.memref_slice %arg2[%dma_start3A_230, %dma_start3A_231] : memref<10000x16xf32, #tpu.memory_space<hbm>> -> memref<10000x16xf32, #tpu.memory_space<hbm>>
      tpu.enqueue_indirect_dma source(%dma_start3A_232 : memref<10000x16xf32, #tpu.memory_space<hbm>>) target(%dma_start3A_226 : memref<80x16xf32, #tpu.memory_space<vmem>>) offsets(%dma_start3A_229 : memref<80xi32, #tpu.memory_space<vmem>>) semaphore(%arg12 : memref<!tpu.dma_semaphore, #tpu.memory_space<semaphore_mem>>)
      %dma_wait3A_233 = arith.constant 2 : i32
      %dma_wait3A_234 = arith.constant 0 : i32
      %dma_wait3A_235 = arith.constant 0 : i32
      %dma_wait3A_236 = tpu.memref_slice %arg8[%dma_wait3A_233, %dma_wait3A_234, %dma_wait3A_235] : memref<5x80x16xf32, #tpu.memory_space<vmem>> -> memref<1x80x16xf32, #tpu.memory_space<vmem>>
      %dma_wait3A_237 = tpu.memref_squeeze %dma_wait3A_236 : memref<1x80x16xf32, #tpu.memory_space<vmem>> -> memref<80x16xf32, #tpu.memory_space<vmem>>
      %dma_wait3A_238 = arith.constant 0 : i32
      %dma_wait3A_239 = arith.constant 0 : i32
      %dma_wait3A_240 = tpu.memref_slice %arg2[%dma_wait3A_238, %dma_wait3A_239] : memref<10000x16xf32, #tpu.memory_space<hbm>> -> memref<80x16xf32, #tpu.memory_space<hbm>>
      %dma_wait3A_241 = arith.constant 0 : i32
      %dma_wait3A_242 = arith.constant 0 : i32
      %dma_wait3A_243 = tpu.memref_slice %arg8[%dma_wait3A_233, %dma_wait3A_241, %dma_wait3A_242] : memref<5x80x16xf32, #tpu.memory_space<vmem>> -> memref<1x80x16xf32, #tpu.memory_space<vmem>>
      %dma_wait3A_244 = tpu.memref_squeeze %dma_wait3A_243 : memref<1x80x16xf32, #tpu.memory_space<vmem>> -> memref<80x16xf32, #tpu.memory_space<vmem>>
      %dma_wait3A_245 = arith.constant 0 : i32
      %dma_wait3A_246 = arith.constant 0 : i32
      %dma_wait3A_247 = tpu.memref_slice %arg2[%dma_wait3A_245, %dma_wait3A_246] : memref<10000x16xf32, #tpu.memory_space<hbm>> -> memref<80x16xf32, #tpu.memory_space<hbm>>
      tpu.wait_dma2 semaphore(%arg13 : memref<!tpu.dma_semaphore, #tpu.memory_space<semaphore_mem>>) src(%dma_wait3A_247 : memref<80x16xf32, #tpu.memory_space<hbm>>) dst(%dma_wait3A_244 : memref<80x16xf32, #tpu.memory_space<vmem>>)
      %add3A_248 = arith.constant 2 : i32
      %add3A_249 = arith.addi %mul3A_166, %add3A_248 : i32
      %run_scoped3A_250 = arith.constant 2 : i32
      "tpu.region"() ({
        %run_scoped3A_333 = tpu.sem_alloc : memref<!tpu.dma_semaphore, #tpu.memory_space<semaphore_mem>>
        %dma_start3A_334 = arith.constant 0 : i32
        %dma_start3A_335 = arith.constant 0 : i32
        %dma_start3A_336 = tpu.memref_slice %arg8[%run_scoped3A_250, %dma_start3A_334, %dma_start3A_335] : memref<5x80x16xf32, #tpu.memory_space<vmem>> -> memref<1x80x16xf32, #tpu.memory_space<vmem>>
        %dma_start3A_337 = tpu.memref_squeeze %dma_start3A_336 : memref<1x80x16xf32, #tpu.memory_space<vmem>> -> memref<80x16xf32, #tpu.memory_space<vmem>>
        %dma_start3A_338 = arith.constant 0 : i32
        %dma_start3A_339 = tpu.memref_slice %arg7[%add3A_249, %dma_start3A_338] : memref<125x80xi32, #tpu.memory_space<vmem>> -> memref<1x80xi32, #tpu.memory_space<vmem>>
        %dma_start3A_340 = tpu.memref_squeeze %dma_start3A_339 : memref<1x80xi32, #tpu.memory_space<vmem>> -> memref<80xi32, #tpu.memory_space<vmem>>
        %dma_start3A_341 = arith.constant 0 : i32
        %dma_start3A_342 = arith.constant 0 : i32
        %dma_start3A_343 = tpu.memref_slice %arg10[%dma_start3A_341, %dma_start3A_342] : memref<10240x16xf32, #tpu.memory_space<vmem_shared>> -> memref<10240x16xf32, #tpu.memory_space<vmem_shared>>
        tpu.enqueue_indirect_dma source(%dma_start3A_337 : memref<80x16xf32, #tpu.memory_space<vmem>>) target(%dma_start3A_343 : memref<10240x16xf32, #tpu.memory_space<vmem_shared>>) offsets(%dma_start3A_340 : memref<80xi32, #tpu.memory_space<vmem>>) semaphore(%run_scoped3A_333 : memref<!tpu.dma_semaphore, #tpu.memory_space<semaphore_mem>>) {add = true}
        %dma_wait3A_344 = arith.constant 0 : i32
        %dma_wait3A_345 = arith.constant 0 : i32
        %dma_wait3A_346 = tpu.memref_slice %arg8[%run_scoped3A_250, %dma_wait3A_344, %dma_wait3A_345] : memref<5x80x16xf32, #tpu.memory_space<vmem>> -> memref<1x80x16xf32, #tpu.memory_space<vmem>>
        %dma_wait3A_347 = tpu.memref_squeeze %dma_wait3A_346 : memref<1x80x16xf32, #tpu.memory_space<vmem>> -> memref<80x16xf32, #tpu.memory_space<vmem>>
        %dma_wait3A_348 = arith.constant 0 : i32
        %dma_wait3A_349 = tpu.memref_slice %arg7[%add3A_249, %dma_wait3A_348] : memref<125x80xi32, #tpu.memory_space<vmem>> -> memref<1x80xi32, #tpu.memory_space<vmem>>
        %dma_wait3A_350 = tpu.memref_squeeze %dma_wait3A_349 : memref<1x80xi32, #tpu.memory_space<vmem>> -> memref<80xi32, #tpu.memory_space<vmem>>
        %dma_wait3A_351 = arith.constant 0 : i32
        %dma_wait3A_352 = arith.constant 0 : i32
        %dma_wait3A_353 = tpu.memref_slice %arg10[%dma_wait3A_351, %dma_wait3A_352] : memref<10240x16xf32, #tpu.memory_space<vmem_shared>> -> memref<10240x16xf32, #tpu.memory_space<vmem_shared>>
        tpu.wait_indirect_dma semaphore(%run_scoped3A_333 : memref<!tpu.dma_semaphore, #tpu.memory_space<semaphore_mem>>) src(%dma_wait3A_347 : memref<80x16xf32, #tpu.memory_space<vmem>>) dst(%dma_wait3A_353 : memref<10240x16xf32, #tpu.memory_space<vmem_shared>>)
        tpu.yield
      }) : () -> ()
      %add3A_251 = arith.constant 2 : i32
      %add3A_252 = arith.addi %mul3A_166, %add3A_251 : i32
      %add3A_253 = arith.constant 5 : i32
      %add3A_254 = arith.addi %add3A_252, %add3A_253 : i32
      %dma_start3A_255 = arith.constant 2 : i32
      %dma_start3A_256 = arith.constant 0 : i32
      %dma_start3A_257 = arith.constant 0 : i32
      %dma_start3A_258 = tpu.memref_slice %arg8[%dma_start3A_255, %dma_start3A_256, %dma_start3A_257] : memref<5x80x16xf32, #tpu.memory_space<vmem>> -> memref<1x80x16xf32, #tpu.memory_space<vmem>>
      %dma_start3A_259 = tpu.memref_squeeze %dma_start3A_258 : memref<1x80x16xf32, #tpu.memory_space<vmem>> -> memref<80x16xf32, #tpu.memory_space<vmem>>
      %dma_start3A_260 = arith.constant 0 : i32
      %dma_start3A_261 = tpu.memref_slice %arg6[%add3A_254, %dma_start3A_260] : memref<125x80xi32, #tpu.memory_space<vmem>> -> memref<1x80xi32, #tpu.memory_space<vmem>>
      %dma_start3A_262 = tpu.memref_squeeze %dma_start3A_261 : memref<1x80xi32, #tpu.memory_space<vmem>> -> memref<80xi32, #tpu.memory_space<vmem>>
      %dma_start3A_263 = arith.constant 0 : i32
      %dma_start3A_264 = arith.constant 0 : i32
      %dma_start3A_265 = tpu.memref_slice %arg2[%dma_start3A_263, %dma_start3A_264] : memref<10000x16xf32, #tpu.memory_space<hbm>> -> memref<10000x16xf32, #tpu.memory_space<hbm>>
      tpu.enqueue_indirect_dma source(%dma_start3A_265 : memref<10000x16xf32, #tpu.memory_space<hbm>>) target(%dma_start3A_259 : memref<80x16xf32, #tpu.memory_space<vmem>>) offsets(%dma_start3A_262 : memref<80xi32, #tpu.memory_space<vmem>>) semaphore(%arg13 : memref<!tpu.dma_semaphore, #tpu.memory_space<semaphore_mem>>)
      %dma_wait3A_266 = arith.constant 3 : i32
      %dma_wait3A_267 = arith.constant 0 : i32
      %dma_wait3A_268 = arith.constant 0 : i32
      %dma_wait3A_269 = tpu.memref_slice %arg8[%dma_wait3A_266, %dma_wait3A_267, %dma_wait3A_268] : memref<5x80x16xf32, #tpu.memory_space<vmem>> -> memref<1x80x16xf32, #tpu.memory_space<vmem>>
      %dma_wait3A_270 = tpu.memref_squeeze %dma_wait3A_269 : memref<1x80x16xf32, #tpu.memory_space<vmem>> -> memref<80x16xf32, #tpu.memory_space<vmem>>
      %dma_wait3A_271 = arith.constant 0 : i32
      %dma_wait3A_272 = arith.constant 0 : i32
      %dma_wait3A_273 = tpu.memref_slice %arg2[%dma_wait3A_271, %dma_wait3A_272] : memref<10000x16xf32, #tpu.memory_space<hbm>> -> memref<80x16xf32, #tpu.memory_space<hbm>>
      %dma_wait3A_274 = arith.constant 0 : i32
      %dma_wait3A_275 = arith.constant 0 : i32
      %dma_wait3A_276 = tpu.memref_slice %arg8[%dma_wait3A_266, %dma_wait3A_274, %dma_wait3A_275] : memref<5x80x16xf32, #tpu.memory_space<vmem>> -> memref<1x80x16xf32, #tpu.memory_space<vmem>>
      %dma_wait3A_277 = tpu.memref_squeeze %dma_wait3A_276 : memref<1x80x16xf32, #tpu.memory_space<vmem>> -> memref<80x16xf32, #tpu.memory_space<vmem>>
      %dma_wait3A_278 = arith.constant 0 : i32
      %dma_wait3A_279 = arith.constant 0 : i32
      %dma_wait3A_280 = tpu.memref_slice %arg2[%dma_wait3A_278, %dma_wait3A_279] : memref<10000x16xf32, #tpu.memory_space<hbm>> -> memref<80x16xf32, #tpu.memory_space<hbm>>
      tpu.wait_dma2 semaphore(%arg14 : memref<!tpu.dma_semaphore, #tpu.memory_space<semaphore_mem>>) src(%dma_wait3A_280 : memref<80x16xf32, #tpu.memory_space<hbm>>) dst(%dma_wait3A_277 : memref<80x16xf32, #tpu.memory_space<vmem>>)
      %add3A_281 = arith.constant 3 : i32
      %add3A_282 = arith.addi %mul3A_166, %add3A_281 : i32
      %run_scoped3A_283 = arith.constant 3 : i32
      "tpu.region"() ({
        %run_scoped3A_333 = tpu.sem_alloc : memref<!tpu.dma_semaphore, #tpu.memory_space<semaphore_mem>>
        %dma_start3A_334 = arith.constant 0 : i32
        %dma_start3A_335 = arith.constant 0 : i32
        %dma_start3A_336 = tpu.memref_slice %arg8[%run_scoped3A_283, %dma_start3A_334, %dma_start3A_335] : memref<5x80x16xf32, #tpu.memory_space<vmem>> -> memref<1x80x16xf32, #tpu.memory_space<vmem>>
        %dma_start3A_337 = tpu.memref_squeeze %dma_start3A_336 : memref<1x80x16xf32, #tpu.memory_space<vmem>> -> memref<80x16xf32, #tpu.memory_space<vmem>>
        %dma_start3A_338 = arith.constant 0 : i32
        %dma_start3A_339 = tpu.memref_slice %arg7[%add3A_282, %dma_start3A_338] : memref<125x80xi32, #tpu.memory_space<vmem>> -> memref<1x80xi32, #tpu.memory_space<vmem>>
        %dma_start3A_340 = tpu.memref_squeeze %dma_start3A_339 : memref<1x80xi32, #tpu.memory_space<vmem>> -> memref<80xi32, #tpu.memory_space<vmem>>
        %dma_start3A_341 = arith.constant 0 : i32
        %dma_start3A_342 = arith.constant 0 : i32
        %dma_start3A_343 = tpu.memref_slice %arg10[%dma_start3A_341, %dma_start3A_342] : memref<10240x16xf32, #tpu.memory_space<vmem_shared>> -> memref<10240x16xf32, #tpu.memory_space<vmem_shared>>
        tpu.enqueue_indirect_dma source(%dma_start3A_337 : memref<80x16xf32, #tpu.memory_space<vmem>>) target(%dma_start3A_343 : memref<10240x16xf32, #tpu.memory_space<vmem_shared>>) offsets(%dma_start3A_340 : memref<80xi32, #tpu.memory_space<vmem>>) semaphore(%run_scoped3A_333 : memref<!tpu.dma_semaphore, #tpu.memory_space<semaphore_mem>>) {add = true}
        %dma_wait3A_344 = arith.constant 0 : i32
        %dma_wait3A_345 = arith.constant 0 : i32
        %dma_wait3A_346 = tpu.memref_slice %arg8[%run_scoped3A_283, %dma_wait3A_344, %dma_wait3A_345] : memref<5x80x16xf32, #tpu.memory_space<vmem>> -> memref<1x80x16xf32, #tpu.memory_space<vmem>>
        %dma_wait3A_347 = tpu.memref_squeeze %dma_wait3A_346 : memref<1x80x16xf32, #tpu.memory_space<vmem>> -> memref<80x16xf32, #tpu.memory_space<vmem>>
        %dma_wait3A_348 = arith.constant 0 : i32
        %dma_wait3A_349 = tpu.memref_slice %arg7[%add3A_282, %dma_wait3A_348] : memref<125x80xi32, #tpu.memory_space<vmem>> -> memref<1x80xi32, #tpu.memory_space<vmem>>
        %dma_wait3A_350 = tpu.memref_squeeze %dma_wait3A_349 : memref<1x80xi32, #tpu.memory_space<vmem>> -> memref<80xi32, #tpu.memory_space<vmem>>
        %dma_wait3A_351 = arith.constant 0 : i32
        %dma_wait3A_352 = arith.constant 0 : i32
        %dma_wait3A_353 = tpu.memref_slice %arg10[%dma_wait3A_351, %dma_wait3A_352] : memref<10240x16xf32, #tpu.memory_space<vmem_shared>> -> memref<10240x16xf32, #tpu.memory_space<vmem_shared>>
        tpu.wait_indirect_dma semaphore(%run_scoped3A_333 : memref<!tpu.dma_semaphore, #tpu.memory_space<semaphore_mem>>) src(%dma_wait3A_347 : memref<80x16xf32, #tpu.memory_space<vmem>>) dst(%dma_wait3A_353 : memref<10240x16xf32, #tpu.memory_space<vmem_shared>>)
        tpu.yield
      }) : () -> ()
      %add3A_284 = arith.constant 3 : i32
      %add3A_285 = arith.addi %mul3A_166, %add3A_284 : i32
      %add3A_286 = arith.constant 5 : i32
      %add3A_287 = arith.addi %add3A_285, %add3A_286 : i32
      %dma_start3A_288 = arith.constant 3 : i32
      %dma_start3A_289 = arith.constant 0 : i32
      %dma_start3A_290 = arith.constant 0 : i32
      %dma_start3A_291 = tpu.memref_slice %arg8[%dma_start3A_288, %dma_start3A_289, %dma_start3A_290] : memref<5x80x16xf32, #tpu.memory_space<vmem>> -> memref<1x80x16xf32, #tpu.memory_space<vmem>>
      %dma_start3A_292 = tpu.memref_squeeze %dma_start3A_291 : memref<1x80x16xf32, #tpu.memory_space<vmem>> -> memref<80x16xf32, #tpu.memory_space<vmem>>
      %dma_start3A_293 = arith.constant 0 : i32
      %dma_start3A_294 = tpu.memref_slice %arg6[%add3A_287, %dma_start3A_293] : memref<125x80xi32, #tpu.memory_space<vmem>> -> memref<1x80xi32, #tpu.memory_space<vmem>>
      %dma_start3A_295 = tpu.memref_squeeze %dma_start3A_294 : memref<1x80xi32, #tpu.memory_space<vmem>> -> memref<80xi32, #tpu.memory_space<vmem>>
      %dma_start3A_296 = arith.constant 0 : i32
      %dma_start3A_297 = arith.constant 0 : i32
      %dma_start3A_298 = tpu.memref_slice %arg2[%dma_start3A_296, %dma_start3A_297] : memref<10000x16xf32, #tpu.memory_space<hbm>> -> memref<10000x16xf32, #tpu.memory_space<hbm>>
      tpu.enqueue_indirect_dma source(%dma_start3A_298 : memref<10000x16xf32, #tpu.memory_space<hbm>>) target(%dma_start3A_292 : memref<80x16xf32, #tpu.memory_space<vmem>>) offsets(%dma_start3A_295 : memref<80xi32, #tpu.memory_space<vmem>>) semaphore(%arg14 : memref<!tpu.dma_semaphore, #tpu.memory_space<semaphore_mem>>)
      %dma_wait3A_299 = arith.constant 4 : i32
      %dma_wait3A_300 = arith.constant 0 : i32
      %dma_wait3A_301 = arith.constant 0 : i32
      %dma_wait3A_302 = tpu.memref_slice %arg8[%dma_wait3A_299, %dma_wait3A_300, %dma_wait3A_301] : memref<5x80x16xf32, #tpu.memory_space<vmem>> -> memref<1x80x16xf32, #tpu.memory_space<vmem>>
      %dma_wait3A_303 = tpu.memref_squeeze %dma_wait3A_302 : memref<1x80x16xf32, #tpu.memory_space<vmem>> -> memref<80x16xf32, #tpu.memory_space<vmem>>
      %dma_wait3A_304 = arith.constant 0 : i32
      %dma_wait3A_305 = arith.constant 0 : i32
      %dma_wait3A_306 = tpu.memref_slice %arg2[%dma_wait3A_304, %dma_wait3A_305] : memref<10000x16xf32, #tpu.memory_space<hbm>> -> memref<80x16xf32, #tpu.memory_space<hbm>>
      %dma_wait3A_307 = arith.constant 0 : i32
      %dma_wait3A_308 = arith.constant 0 : i32
      %dma_wait3A_309 = tpu.memref_slice %arg8[%dma_wait3A_299, %dma_wait3A_307, %dma_wait3A_308] : memref<5x80x16xf32, #tpu.memory_space<vmem>> -> memref<1x80x16xf32, #tpu.memory_space<vmem>>
      %dma_wait3A_310 = tpu.memref_squeeze %dma_wait3A_309 : memref<1x80x16xf32, #tpu.memory_space<vmem>> -> memref<80x16xf32, #tpu.memory_space<vmem>>
      %dma_wait3A_311 = arith.constant 0 : i32
      %dma_wait3A_312 = arith.constant 0 : i32
      %dma_wait3A_313 = tpu.memref_slice %arg2[%dma_wait3A_311, %dma_wait3A_312] : memref<10000x16xf32, #tpu.memory_space<hbm>> -> memref<80x16xf32, #tpu.memory_space<hbm>>
      tpu.wait_dma2 semaphore(%arg15 : memref<!tpu.dma_semaphore, #tpu.memory_space<semaphore_mem>>) src(%dma_wait3A_313 : memref<80x16xf32, #tpu.memory_space<hbm>>) dst(%dma_wait3A_310 : memref<80x16xf32, #tpu.memory_space<vmem>>)
      %add3A_314 = arith.constant 4 : i32
      %add3A_315 = arith.addi %mul3A_166, %add3A_314 : i32
      %run_scoped3A_316 = arith.constant 4 : i32
      "tpu.region"() ({
        %run_scoped3A_333 = tpu.sem_alloc : memref<!tpu.dma_semaphore, #tpu.memory_space<semaphore_mem>>
        %dma_start3A_334 = arith.constant 0 : i32
        %dma_start3A_335 = arith.constant 0 : i32
        %dma_start3A_336 = tpu.memref_slice %arg8[%run_scoped3A_316, %dma_start3A_334, %dma_start3A_335] : memref<5x80x16xf32, #tpu.memory_space<vmem>> -> memref<1x80x16xf32, #tpu.memory_space<vmem>>
        %dma_start3A_337 = tpu.memref_squeeze %dma_start3A_336 : memref<1x80x16xf32, #tpu.memory_space<vmem>> -> memref<80x16xf32, #tpu.memory_space<vmem>>
        %dma_start3A_338 = arith.constant 0 : i32
        %dma_start3A_339 = tpu.memref_slice %arg7[%add3A_315, %dma_start3A_338] : memref<125x80xi32, #tpu.memory_space<vmem>> -> memref<1x80xi32, #tpu.memory_space<vmem>>
        %dma_start3A_340 = tpu.memref_squeeze %dma_start3A_339 : memref<1x80xi32, #tpu.memory_space<vmem>> -> memref<80xi32, #tpu.memory_space<vmem>>
        %dma_start3A_341 = arith.constant 0 : i32
        %dma_start3A_342 = arith.constant 0 : i32
        %dma_start3A_343 = tpu.memref_slice %arg10[%dma_start3A_341, %dma_start3A_342] : memref<10240x16xf32, #tpu.memory_space<vmem_shared>> -> memref<10240x16xf32, #tpu.memory_space<vmem_shared>>
        tpu.enqueue_indirect_dma source(%dma_start3A_337 : memref<80x16xf32, #tpu.memory_space<vmem>>) target(%dma_start3A_343 : memref<10240x16xf32, #tpu.memory_space<vmem_shared>>) offsets(%dma_start3A_340 : memref<80xi32, #tpu.memory_space<vmem>>) semaphore(%run_scoped3A_333 : memref<!tpu.dma_semaphore, #tpu.memory_space<semaphore_mem>>) {add = true}
        %dma_wait3A_344 = arith.constant 0 : i32
        %dma_wait3A_345 = arith.constant 0 : i32
        %dma_wait3A_346 = tpu.memref_slice %arg8[%run_scoped3A_316, %dma_wait3A_344, %dma_wait3A_345] : memref<5x80x16xf32, #tpu.memory_space<vmem>> -> memref<1x80x16xf32, #tpu.memory_space<vmem>>
        %dma_wait3A_347 = tpu.memref_squeeze %dma_wait3A_346 : memref<1x80x16xf32, #tpu.memory_space<vmem>> -> memref<80x16xf32, #tpu.memory_space<vmem>>
        %dma_wait3A_348 = arith.constant 0 : i32
        %dma_wait3A_349 = tpu.memref_slice %arg7[%add3A_315, %dma_wait3A_348] : memref<125x80xi32, #tpu.memory_space<vmem>> -> memref<1x80xi32, #tpu.memory_space<vmem>>
        %dma_wait3A_350 = tpu.memref_squeeze %dma_wait3A_349 : memref<1x80xi32, #tpu.memory_space<vmem>> -> memref<80xi32, #tpu.memory_space<vmem>>
        %dma_wait3A_351 = arith.constant 0 : i32
        %dma_wait3A_352 = arith.constant 0 : i32
        %dma_wait3A_353 = tpu.memref_slice %arg10[%dma_wait3A_351, %dma_wait3A_352] : memref<10240x16xf32, #tpu.memory_space<vmem_shared>> -> memref<10240x16xf32, #tpu.memory_space<vmem_shared>>
        tpu.wait_indirect_dma semaphore(%run_scoped3A_333 : memref<!tpu.dma_semaphore, #tpu.memory_space<semaphore_mem>>) src(%dma_wait3A_347 : memref<80x16xf32, #tpu.memory_space<vmem>>) dst(%dma_wait3A_353 : memref<10240x16xf32, #tpu.memory_space<vmem_shared>>)
        tpu.yield
      }) : () -> ()
      %add3A_317 = arith.constant 4 : i32
      %add3A_318 = arith.addi %mul3A_166, %add3A_317 : i32
      %add3A_319 = arith.constant 5 : i32
      %add3A_320 = arith.addi %add3A_318, %add3A_319 : i32
      %dma_start3A_321 = arith.constant 4 : i32
      %dma_start3A_322 = arith.constant 0 : i32
      %dma_start3A_323 = arith.constant 0 : i32
      %dma_start3A_324 = tpu.memref_slice %arg8[%dma_start3A_321, %dma_start3A_322, %dma_start3A_323] : memref<5x80x16xf32, #tpu.memory_space<vmem>> -> memref<1x80x16xf32, #tpu.memory_space<vmem>>
      %dma_start3A_325 = tpu.memref_squeeze %dma_start3A_324 : memref<1x80x16xf32, #tpu.memory_space<vmem>> -> memref<80x16xf32, #tpu.memory_space<vmem>>
      %dma_start3A_326 = arith.constant 0 : i32
      %dma_start3A_327 = tpu.memref_slice %arg6[%add3A_320, %dma_start3A_326] : memref<125x80xi32, #tpu.memory_space<vmem>> -> memref<1x80xi32, #tpu.memory_space<vmem>>
      %dma_start3A_328 = tpu.memref_squeeze %dma_start3A_327 : memref<1x80xi32, #tpu.memory_space<vmem>> -> memref<80xi32, #tpu.memory_space<vmem>>
      %dma_start3A_329 = arith.constant 0 : i32
      %dma_start3A_330 = arith.constant 0 : i32
      %dma_start3A_331 = tpu.memref_slice %arg2[%dma_start3A_329, %dma_start3A_330] : memref<10000x16xf32, #tpu.memory_space<hbm>> -> memref<10000x16xf32, #tpu.memory_space<hbm>>
      tpu.enqueue_indirect_dma source(%dma_start3A_331 : memref<10000x16xf32, #tpu.memory_space<hbm>>) target(%dma_start3A_325 : memref<80x16xf32, #tpu.memory_space<vmem>>) offsets(%dma_start3A_328 : memref<80xi32, #tpu.memory_space<vmem>>) semaphore(%arg15 : memref<!tpu.dma_semaphore, #tpu.memory_space<semaphore_mem>>)
      %scan3A_332 = arith.constant 0 : i32
      scf.yield %scan3A_332 : i32
    }
    %scan3A_74 = arith.constant 24 : i32
    %dma_wait3A = arith.constant 0 : i32
    %dma_wait3A_75 = arith.constant 0 : i32
    %dma_wait3A_76 = arith.constant 0 : i32
    %dma_wait3A_77 = tpu.memref_slice %arg8[%dma_wait3A, %dma_wait3A_75, %dma_wait3A_76] : memref<5x80x16xf32, #tpu.memory_space<vmem>> -> memref<1x80x16xf32, #tpu.memory_space<vmem>>
    %dma_wait3A_78 = tpu.memref_squeeze %dma_wait3A_77 : memref<1x80x16xf32, #tpu.memory_space<vmem>> -> memref<80x16xf32, #tpu.memory_space<vmem>>
    %dma_wait3A_79 = arith.constant 0 : i32
    %dma_wait3A_80 = arith.constant 0 : i32
    %dma_wait3A_81 = tpu.memref_slice %arg2[%dma_wait3A_79, %dma_wait3A_80] : memref<10000x16xf32, #tpu.memory_space<hbm>> -> memref<80x16xf32, #tpu.memory_space<hbm>>
    %dma_wait3A_82 = arith.constant 0 : i32
    %dma_wait3A_83 = arith.constant 0 : i32
    %dma_wait3A_84 = tpu.memref_slice %arg8[%dma_wait3A, %dma_wait3A_82, %dma_wait3A_83] : memref<5x80x16xf32, #tpu.memory_space<vmem>> -> memref<1x80x16xf32, #tpu.memory_space<vmem>>
    %dma_wait3A_85 = tpu.memref_squeeze %dma_wait3A_84 : memref<1x80x16xf32, #tpu.memory_space<vmem>> -> memref<80x16xf32, #tpu.memory_space<vmem>>
    %dma_wait3A_86 = arith.constant 0 : i32
    %dma_wait3A_87 = arith.constant 0 : i32
    %dma_wait3A_88 = tpu.memref_slice %arg2[%dma_wait3A_86, %dma_wait3A_87] : memref<10000x16xf32, #tpu.memory_space<hbm>> -> memref<80x16xf32, #tpu.memory_space<hbm>>
    tpu.wait_dma2 semaphore(%arg11 : memref<!tpu.dma_semaphore, #tpu.memory_space<semaphore_mem>>) src(%dma_wait3A_88 : memref<80x16xf32, #tpu.memory_space<hbm>>) dst(%dma_wait3A_85 : memref<80x16xf32, #tpu.memory_space<vmem>>)
    %run_scoped3A = arith.constant 0 : i32
    %run_scoped3A_89 = arith.constant 120 : i32
    "tpu.region"() ({
      %run_scoped3A_163 = tpu.sem_alloc : memref<!tpu.dma_semaphore, #tpu.memory_space<semaphore_mem>>
      %dma_start3A_164 = arith.constant 0 : i32
      %dma_start3A_165 = arith.constant 0 : i32
      %dma_start3A_166 = tpu.memref_slice %arg8[%run_scoped3A, %dma_start3A_164, %dma_start3A_165] : memref<5x80x16xf32, #tpu.memory_space<vmem>> -> memref<1x80x16xf32, #tpu.memory_space<vmem>>
      %dma_start3A_167 = tpu.memref_squeeze %dma_start3A_166 : memref<1x80x16xf32, #tpu.memory_space<vmem>> -> memref<80x16xf32, #tpu.memory_space<vmem>>
      %dma_start3A_168 = arith.constant 0 : i32
      %dma_start3A_169 = tpu.memref_slice %arg7[%run_scoped3A_89, %dma_start3A_168] : memref<125x80xi32, #tpu.memory_space<vmem>> -> memref<1x80xi32, #tpu.memory_space<vmem>>
      %dma_start3A_170 = tpu.memref_squeeze %dma_start3A_169 : memref<1x80xi32, #tpu.memory_space<vmem>> -> memref<80xi32, #tpu.memory_space<vmem>>
      %dma_start3A_171 = arith.constant 0 : i32
      %dma_start3A_172 = arith.constant 0 : i32
      %dma_start3A_173 = tpu.memref_slice %arg10[%dma_start3A_171, %dma_start3A_172] : memref<10240x16xf32, #tpu.memory_space<vmem_shared>> -> memref<10240x16xf32, #tpu.memory_space<vmem_shared>>
      tpu.enqueue_indirect_dma source(%dma_start3A_167 : memref<80x16xf32, #tpu.memory_space<vmem>>) target(%dma_start3A_173 : memref<10240x16xf32, #tpu.memory_space<vmem_shared>>) offsets(%dma_start3A_170 : memref<80xi32, #tpu.memory_space<vmem>>) semaphore(%run_scoped3A_163 : memref<!tpu.dma_semaphore, #tpu.memory_space<semaphore_mem>>) {add = true}
      %dma_wait3A_174 = arith.constant 0 : i32
      %dma_wait3A_175 = arith.constant 0 : i32
      %dma_wait3A_176 = tpu.memref_slice %arg8[%run_scoped3A, %dma_wait3A_174, %dma_wait3A_175] : memref<5x80x16xf32, #tpu.memory_space<vmem>> -> memref<1x80x16xf32, #tpu.memory_space<vmem>>
      %dma_wait3A_177 = tpu.memref_squeeze %dma_wait3A_176 : memref<1x80x16xf32, #tpu.memory_space<vmem>> -> memref<80x16xf32, #tpu.memory_space<vmem>>
      %dma_wait3A_178 = arith.constant 0 : i32
      %dma_wait3A_179 = tpu.memref_slice %arg7[%run_scoped3A_89, %dma_wait3A_178] : memref<125x80xi32, #tpu.memory_space<vmem>> -> memref<1x80xi32, #tpu.memory_space<vmem>>
      %dma_wait3A_180 = tpu.memref_squeeze %dma_wait3A_179 : memref<1x80xi32, #tpu.memory_space<vmem>> -> memref<80xi32, #tpu.memory_space<vmem>>
      %dma_wait3A_181 = arith.constant 0 : i32
      %dma_wait3A_182 = arith.constant 0 : i32
      %dma_wait3A_183 = tpu.memref_slice %arg10[%dma_wait3A_181, %dma_wait3A_182] : memref<10240x16xf32, #tpu.memory_space<vmem_shared>> -> memref<10240x16xf32, #tpu.memory_space<vmem_shared>>
      tpu.wait_indirect_dma semaphore(%run_scoped3A_163 : memref<!tpu.dma_semaphore, #tpu.memory_space<semaphore_mem>>) src(%dma_wait3A_177 : memref<80x16xf32, #tpu.memory_space<vmem>>) dst(%dma_wait3A_183 : memref<10240x16xf32, #tpu.memory_space<vmem_shared>>)
      tpu.yield
    }) : () -> ()
    %dma_wait3A_90 = arith.constant 1 : i32
    %dma_wait3A_91 = arith.constant 0 : i32
    %dma_wait3A_92 = arith.constant 0 : i32
    %dma_wait3A_93 = tpu.memref_slice %arg8[%dma_wait3A_90, %dma_wait3A_91, %dma_wait3A_92] : memref<5x80x16xf32, #tpu.memory_space<vmem>> -> memref<1x80x16xf32, #tpu.memory_space<vmem>>
    %dma_wait3A_94 = tpu.memref_squeeze %dma_wait3A_93 : memref<1x80x16xf32, #tpu.memory_space<vmem>> -> memref<80x16xf32, #tpu.memory_space<vmem>>
    %dma_wait3A_95 = arith.constant 0 : i32
    %dma_wait3A_96 = arith.constant 0 : i32
    %dma_wait3A_97 = tpu.memref_slice %arg2[%dma_wait3A_95, %dma_wait3A_96] : memref<10000x16xf32, #tpu.memory_space<hbm>> -> memref<80x16xf32, #tpu.memory_space<hbm>>
    %dma_wait3A_98 = arith.constant 0 : i32
    %dma_wait3A_99 = arith.constant 0 : i32
    %dma_wait3A_100 = tpu.memref_slice %arg8[%dma_wait3A_90, %dma_wait3A_98, %dma_wait3A_99] : memref<5x80x16xf32, #tpu.memory_space<vmem>> -> memref<1x80x16xf32, #tpu.memory_space<vmem>>
    %dma_wait3A_101 = tpu.memref_squeeze %dma_wait3A_100 : memref<1x80x16xf32, #tpu.memory_space<vmem>> -> memref<80x16xf32, #tpu.memory_space<vmem>>
    %dma_wait3A_102 = arith.constant 0 : i32
    %dma_wait3A_103 = arith.constant 0 : i32
    %dma_wait3A_104 = tpu.memref_slice %arg2[%dma_wait3A_102, %dma_wait3A_103] : memref<10000x16xf32, #tpu.memory_space<hbm>> -> memref<80x16xf32, #tpu.memory_space<hbm>>
    tpu.wait_dma2 semaphore(%arg12 : memref<!tpu.dma_semaphore, #tpu.memory_space<semaphore_mem>>) src(%dma_wait3A_104 : memref<80x16xf32, #tpu.memory_space<hbm>>) dst(%dma_wait3A_101 : memref<80x16xf32, #tpu.memory_space<vmem>>)
    %run_scoped3A_105 = arith.constant 1 : i32
    %run_scoped3A_106 = arith.constant 121 : i32
    "tpu.region"() ({
      %run_scoped3A_163 = tpu.sem_alloc : memref<!tpu.dma_semaphore, #tpu.memory_space<semaphore_mem>>
      %dma_start3A_164 = arith.constant 0 : i32
      %dma_start3A_165 = arith.constant 0 : i32
      %dma_start3A_166 = tpu.memref_slice %arg8[%run_scoped3A_105, %dma_start3A_164, %dma_start3A_165] : memref<5x80x16xf32, #tpu.memory_space<vmem>> -> memref<1x80x16xf32, #tpu.memory_space<vmem>>
      %dma_start3A_167 = tpu.memref_squeeze %dma_start3A_166 : memref<1x80x16xf32, #tpu.memory_space<vmem>> -> memref<80x16xf32, #tpu.memory_space<vmem>>
      %dma_start3A_168 = arith.constant 0 : i32
      %dma_start3A_169 = tpu.memref_slice %arg7[%run_scoped3A_106, %dma_start3A_168] : memref<125x80xi32, #tpu.memory_space<vmem>> -> memref<1x80xi32, #tpu.memory_space<vmem>>
      %dma_start3A_170 = tpu.memref_squeeze %dma_start3A_169 : memref<1x80xi32, #tpu.memory_space<vmem>> -> memref<80xi32, #tpu.memory_space<vmem>>
      %dma_start3A_171 = arith.constant 0 : i32
      %dma_start3A_172 = arith.constant 0 : i32
      %dma_start3A_173 = tpu.memref_slice %arg10[%dma_start3A_171, %dma_start3A_172] : memref<10240x16xf32, #tpu.memory_space<vmem_shared>> -> memref<10240x16xf32, #tpu.memory_space<vmem_shared>>
      tpu.enqueue_indirect_dma source(%dma_start3A_167 : memref<80x16xf32, #tpu.memory_space<vmem>>) target(%dma_start3A_173 : memref<10240x16xf32, #tpu.memory_space<vmem_shared>>) offsets(%dma_start3A_170 : memref<80xi32, #tpu.memory_space<vmem>>) semaphore(%run_scoped3A_163 : memref<!tpu.dma_semaphore, #tpu.memory_space<semaphore_mem>>) {add = true}
      %dma_wait3A_174 = arith.constant 0 : i32
      %dma_wait3A_175 = arith.constant 0 : i32
      %dma_wait3A_176 = tpu.memref_slice %arg8[%run_scoped3A_105, %dma_wait3A_174, %dma_wait3A_175] : memref<5x80x16xf32, #tpu.memory_space<vmem>> -> memref<1x80x16xf32, #tpu.memory_space<vmem>>
      %dma_wait3A_177 = tpu.memref_squeeze %dma_wait3A_176 : memref<1x80x16xf32, #tpu.memory_space<vmem>> -> memref<80x16xf32, #tpu.memory_space<vmem>>
      %dma_wait3A_178 = arith.constant 0 : i32
      %dma_wait3A_179 = tpu.memref_slice %arg7[%run_scoped3A_106, %dma_wait3A_178] : memref<125x80xi32, #tpu.memory_space<vmem>> -> memref<1x80xi32, #tpu.memory_space<vmem>>
      %dma_wait3A_180 = tpu.memref_squeeze %dma_wait3A_179 : memref<1x80xi32, #tpu.memory_space<vmem>> -> memref<80xi32, #tpu.memory_space<vmem>>
      %dma_wait3A_181 = arith.constant 0 : i32
      %dma_wait3A_182 = arith.constant 0 : i32
      %dma_wait3A_183 = tpu.memref_slice %arg10[%dma_wait3A_181, %dma_wait3A_182] : memref<10240x16xf32, #tpu.memory_space<vmem_shared>> -> memref<10240x16xf32, #tpu.memory_space<vmem_shared>>
      tpu.wait_indirect_dma semaphore(%run_scoped3A_163 : memref<!tpu.dma_semaphore, #tpu.memory_space<semaphore_mem>>) src(%dma_wait3A_177 : memref<80x16xf32, #tpu.memory_space<vmem>>) dst(%dma_wait3A_183 : memref<10240x16xf32, #tpu.memory_space<vmem_shared>>)
      tpu.yield
    }) : () -> ()
    %dma_wait3A_107 = arith.constant 2 : i32
    %dma_wait3A_108 = arith.constant 0 : i32
    %dma_wait3A_109 = arith.constant 0 : i32
    %dma_wait3A_110 = tpu.memref_slice %arg8[%dma_wait3A_107, %dma_wait3A_108, %dma_wait3A_109] : memref<5x80x16xf32, #tpu.memory_space<vmem>> -> memref<1x80x16xf32, #tpu.memory_space<vmem>>
    %dma_wait3A_111 = tpu.memref_squeeze %dma_wait3A_110 : memref<1x80x16xf32, #tpu.memory_space<vmem>> -> memref<80x16xf32, #tpu.memory_space<vmem>>
    %dma_wait3A_112 = arith.constant 0 : i32
    %dma_wait3A_113 = arith.constant 0 : i32
    %dma_wait3A_114 = tpu.memref_slice %arg2[%dma_wait3A_112, %dma_wait3A_113] : memref<10000x16xf32, #tpu.memory_space<hbm>> -> memref<80x16xf32, #tpu.memory_space<hbm>>
    %dma_wait3A_115 = arith.constant 0 : i32
    %dma_wait3A_116 = arith.constant 0 : i32
    %dma_wait3A_117 = tpu.memref_slice %arg8[%dma_wait3A_107, %dma_wait3A_115, %dma_wait3A_116] : memref<5x80x16xf32, #tpu.memory_space<vmem>> -> memref<1x80x16xf32, #tpu.memory_space<vmem>>
    %dma_wait3A_118 = tpu.memref_squeeze %dma_wait3A_117 : memref<1x80x16xf32, #tpu.memory_space<vmem>> -> memref<80x16xf32, #tpu.memory_space<vmem>>
    %dma_wait3A_119 = arith.constant 0 : i32
    %dma_wait3A_120 = arith.constant 0 : i32
    %dma_wait3A_121 = tpu.memref_slice %arg2[%dma_wait3A_119, %dma_wait3A_120] : memref<10000x16xf32, #tpu.memory_space<hbm>> -> memref<80x16xf32, #tpu.memory_space<hbm>>
    tpu.wait_dma2 semaphore(%arg13 : memref<!tpu.dma_semaphore, #tpu.memory_space<semaphore_mem>>) src(%dma_wait3A_121 : memref<80x16xf32, #tpu.memory_space<hbm>>) dst(%dma_wait3A_118 : memref<80x16xf32, #tpu.memory_space<vmem>>)
    %run_scoped3A_122 = arith.constant 2 : i32
    %run_scoped3A_123 = arith.constant 122 : i32
    "tpu.region"() ({
      %run_scoped3A_163 = tpu.sem_alloc : memref<!tpu.dma_semaphore, #tpu.memory_space<semaphore_mem>>
      %dma_start3A_164 = arith.constant 0 : i32
      %dma_start3A_165 = arith.constant 0 : i32
      %dma_start3A_166 = tpu.memref_slice %arg8[%run_scoped3A_122, %dma_start3A_164, %dma_start3A_165] : memref<5x80x16xf32, #tpu.memory_space<vmem>> -> memref<1x80x16xf32, #tpu.memory_space<vmem>>
      %dma_start3A_167 = tpu.memref_squeeze %dma_start3A_166 : memref<1x80x16xf32, #tpu.memory_space<vmem>> -> memref<80x16xf32, #tpu.memory_space<vmem>>
      %dma_start3A_168 = arith.constant 0 : i32
      %dma_start3A_169 = tpu.memref_slice %arg7[%run_scoped3A_123, %dma_start3A_168] : memref<125x80xi32, #tpu.memory_space<vmem>> -> memref<1x80xi32, #tpu.memory_space<vmem>>
      %dma_start3A_170 = tpu.memref_squeeze %dma_start3A_169 : memref<1x80xi32, #tpu.memory_space<vmem>> -> memref<80xi32, #tpu.memory_space<vmem>>
      %dma_start3A_171 = arith.constant 0 : i32
      %dma_start3A_172 = arith.constant 0 : i32
      %dma_start3A_173 = tpu.memref_slice %arg10[%dma_start3A_171, %dma_start3A_172] : memref<10240x16xf32, #tpu.memory_space<vmem_shared>> -> memref<10240x16xf32, #tpu.memory_space<vmem_shared>>
      tpu.enqueue_indirect_dma source(%dma_start3A_167 : memref<80x16xf32, #tpu.memory_space<vmem>>) target(%dma_start3A_173 : memref<10240x16xf32, #tpu.memory_space<vmem_shared>>) offsets(%dma_start3A_170 : memref<80xi32, #tpu.memory_space<vmem>>) semaphore(%run_scoped3A_163 : memref<!tpu.dma_semaphore, #tpu.memory_space<semaphore_mem>>) {add = true}
      %dma_wait3A_174 = arith.constant 0 : i32
      %dma_wait3A_175 = arith.constant 0 : i32
      %dma_wait3A_176 = tpu.memref_slice %arg8[%run_scoped3A_122, %dma_wait3A_174, %dma_wait3A_175] : memref<5x80x16xf32, #tpu.memory_space<vmem>> -> memref<1x80x16xf32, #tpu.memory_space<vmem>>
      %dma_wait3A_177 = tpu.memref_squeeze %dma_wait3A_176 : memref<1x80x16xf32, #tpu.memory_space<vmem>> -> memref<80x16xf32, #tpu.memory_space<vmem>>
      %dma_wait3A_178 = arith.constant 0 : i32
      %dma_wait3A_179 = tpu.memref_slice %arg7[%run_scoped3A_123, %dma_wait3A_178] : memref<125x80xi32, #tpu.memory_space<vmem>> -> memref<1x80xi32, #tpu.memory_space<vmem>>
      %dma_wait3A_180 = tpu.memref_squeeze %dma_wait3A_179 : memref<1x80xi32, #tpu.memory_space<vmem>> -> memref<80xi32, #tpu.memory_space<vmem>>
      %dma_wait3A_181 = arith.constant 0 : i32
      %dma_wait3A_182 = arith.constant 0 : i32
      %dma_wait3A_183 = tpu.memref_slice %arg10[%dma_wait3A_181, %dma_wait3A_182] : memref<10240x16xf32, #tpu.memory_space<vmem_shared>> -> memref<10240x16xf32, #tpu.memory_space<vmem_shared>>
      tpu.wait_indirect_dma semaphore(%run_scoped3A_163 : memref<!tpu.dma_semaphore, #tpu.memory_space<semaphore_mem>>) src(%dma_wait3A_177 : memref<80x16xf32, #tpu.memory_space<vmem>>) dst(%dma_wait3A_183 : memref<10240x16xf32, #tpu.memory_space<vmem_shared>>)
      tpu.yield
    }) : () -> ()
    %dma_wait3A_124 = arith.constant 3 : i32
    %dma_wait3A_125 = arith.constant 0 : i32
    %dma_wait3A_126 = arith.constant 0 : i32
    %dma_wait3A_127 = tpu.memref_slice %arg8[%dma_wait3A_124, %dma_wait3A_125, %dma_wait3A_126] : memref<5x80x16xf32, #tpu.memory_space<vmem>> -> memref<1x80x16xf32, #tpu.memory_space<vmem>>
    %dma_wait3A_128 = tpu.memref_squeeze %dma_wait3A_127 : memref<1x80x16xf32, #tpu.memory_space<vmem>> -> memref<80x16xf32, #tpu.memory_space<vmem>>
    %dma_wait3A_129 = arith.constant 0 : i32
    %dma_wait3A_130 = arith.constant 0 : i32
    %dma_wait3A_131 = tpu.memref_slice %arg2[%dma_wait3A_129, %dma_wait3A_130] : memref<10000x16xf32, #tpu.memory_space<hbm>> -> memref<80x16xf32, #tpu.memory_space<hbm>>
    %dma_wait3A_132 = arith.constant 0 : i32
    %dma_wait3A_133 = arith.constant 0 : i32
    %dma_wait3A_134 = tpu.memref_slice %arg8[%dma_wait3A_124, %dma_wait3A_132, %dma_wait3A_133] : memref<5x80x16xf32, #tpu.memory_space<vmem>> -> memref<1x80x16xf32, #tpu.memory_space<vmem>>
    %dma_wait3A_135 = tpu.memref_squeeze %dma_wait3A_134 : memref<1x80x16xf32, #tpu.memory_space<vmem>> -> memref<80x16xf32, #tpu.memory_space<vmem>>
    %dma_wait3A_136 = arith.constant 0 : i32
    %dma_wait3A_137 = arith.constant 0 : i32
    %dma_wait3A_138 = tpu.memref_slice %arg2[%dma_wait3A_136, %dma_wait3A_137] : memref<10000x16xf32, #tpu.memory_space<hbm>> -> memref<80x16xf32, #tpu.memory_space<hbm>>
    tpu.wait_dma2 semaphore(%arg14 : memref<!tpu.dma_semaphore, #tpu.memory_space<semaphore_mem>>) src(%dma_wait3A_138 : memref<80x16xf32, #tpu.memory_space<hbm>>) dst(%dma_wait3A_135 : memref<80x16xf32, #tpu.memory_space<vmem>>)
    %run_scoped3A_139 = arith.constant 3 : i32
    %run_scoped3A_140 = arith.constant 123 : i32
    "tpu.region"() ({
      %run_scoped3A_163 = tpu.sem_alloc : memref<!tpu.dma_semaphore, #tpu.memory_space<semaphore_mem>>
      %dma_start3A_164 = arith.constant 0 : i32
      %dma_start3A_165 = arith.constant 0 : i32
      %dma_start3A_166 = tpu.memref_slice %arg8[%run_scoped3A_139, %dma_start3A_164, %dma_start3A_165] : memref<5x80x16xf32, #tpu.memory_space<vmem>> -> memref<1x80x16xf32, #tpu.memory_space<vmem>>
      %dma_start3A_167 = tpu.memref_squeeze %dma_start3A_166 : memref<1x80x16xf32, #tpu.memory_space<vmem>> -> memref<80x16xf32, #tpu.memory_space<vmem>>
      %dma_start3A_168 = arith.constant 0 : i32
      %dma_start3A_169 = tpu.memref_slice %arg7[%run_scoped3A_140, %dma_start3A_168] : memref<125x80xi32, #tpu.memory_space<vmem>> -> memref<1x80xi32, #tpu.memory_space<vmem>>
      %dma_start3A_170 = tpu.memref_squeeze %dma_start3A_169 : memref<1x80xi32, #tpu.memory_space<vmem>> -> memref<80xi32, #tpu.memory_space<vmem>>
      %dma_start3A_171 = arith.constant 0 : i32
      %dma_start3A_172 = arith.constant 0 : i32
      %dma_start3A_173 = tpu.memref_slice %arg10[%dma_start3A_171, %dma_start3A_172] : memref<10240x16xf32, #tpu.memory_space<vmem_shared>> -> memref<10240x16xf32, #tpu.memory_space<vmem_shared>>
      tpu.enqueue_indirect_dma source(%dma_start3A_167 : memref<80x16xf32, #tpu.memory_space<vmem>>) target(%dma_start3A_173 : memref<10240x16xf32, #tpu.memory_space<vmem_shared>>) offsets(%dma_start3A_170 : memref<80xi32, #tpu.memory_space<vmem>>) semaphore(%run_scoped3A_163 : memref<!tpu.dma_semaphore, #tpu.memory_space<semaphore_mem>>) {add = true}
      %dma_wait3A_174 = arith.constant 0 : i32
      %dma_wait3A_175 = arith.constant 0 : i32
      %dma_wait3A_176 = tpu.memref_slice %arg8[%run_scoped3A_139, %dma_wait3A_174, %dma_wait3A_175] : memref<5x80x16xf32, #tpu.memory_space<vmem>> -> memref<1x80x16xf32, #tpu.memory_space<vmem>>
      %dma_wait3A_177 = tpu.memref_squeeze %dma_wait3A_176 : memref<1x80x16xf32, #tpu.memory_space<vmem>> -> memref<80x16xf32, #tpu.memory_space<vmem>>
      %dma_wait3A_178 = arith.constant 0 : i32
      %dma_wait3A_179 = tpu.memref_slice %arg7[%run_scoped3A_140, %dma_wait3A_178] : memref<125x80xi32, #tpu.memory_space<vmem>> -> memref<1x80xi32, #tpu.memory_space<vmem>>
      %dma_wait3A_180 = tpu.memref_squeeze %dma_wait3A_179 : memref<1x80xi32, #tpu.memory_space<vmem>> -> memref<80xi32, #tpu.memory_space<vmem>>
      %dma_wait3A_181 = arith.constant 0 : i32
      %dma_wait3A_182 = arith.constant 0 : i32
      %dma_wait3A_183 = tpu.memref_slice %arg10[%dma_wait3A_181, %dma_wait3A_182] : memref<10240x16xf32, #tpu.memory_space<vmem_shared>> -> memref<10240x16xf32, #tpu.memory_space<vmem_shared>>
      tpu.wait_indirect_dma semaphore(%run_scoped3A_163 : memref<!tpu.dma_semaphore, #tpu.memory_space<semaphore_mem>>) src(%dma_wait3A_177 : memref<80x16xf32, #tpu.memory_space<vmem>>) dst(%dma_wait3A_183 : memref<10240x16xf32, #tpu.memory_space<vmem_shared>>)
      tpu.yield
    }) : () -> ()
    %dma_wait3A_141 = arith.constant 4 : i32
    %dma_wait3A_142 = arith.constant 0 : i32
    %dma_wait3A_143 = arith.constant 0 : i32
    %dma_wait3A_144 = tpu.memref_slice %arg8[%dma_wait3A_141, %dma_wait3A_142, %dma_wait3A_143] : memref<5x80x16xf32, #tpu.memory_space<vmem>> -> memref<1x80x16xf32, #tpu.memory_space<vmem>>
    %dma_wait3A_145 = tpu.memref_squeeze %dma_wait3A_144 : memref<1x80x16xf32, #tpu.memory_space<vmem>> -> memref<80x16xf32, #tpu.memory_space<vmem>>
    %dma_wait3A_146 = arith.constant 0 : i32
    %dma_wait3A_147 = arith.constant 0 : i32
    %dma_wait3A_148 = tpu.memref_slice %arg2[%dma_wait3A_146, %dma_wait3A_147] : memref<10000x16xf32, #tpu.memory_space<hbm>> -> memref<80x16xf32, #tpu.memory_space<hbm>>
    %dma_wait3A_149 = arith.constant 0 : i32
    %dma_wait3A_150 = arith.constant 0 : i32
    %dma_wait3A_151 = tpu.memref_slice %arg8[%dma_wait3A_141, %dma_wait3A_149, %dma_wait3A_150] : memref<5x80x16xf32, #tpu.memory_space<vmem>> -> memref<1x80x16xf32, #tpu.memory_space<vmem>>
    %dma_wait3A_152 = tpu.memref_squeeze %dma_wait3A_151 : memref<1x80x16xf32, #tpu.memory_space<vmem>> -> memref<80x16xf32, #tpu.memory_space<vmem>>
    %dma_wait3A_153 = arith.constant 0 : i32
    %dma_wait3A_154 = arith.constant 0 : i32
    %dma_wait3A_155 = tpu.memref_slice %arg2[%dma_wait3A_153, %dma_wait3A_154] : memref<10000x16xf32, #tpu.memory_space<hbm>> -> memref<80x16xf32, #tpu.memory_space<hbm>>
    tpu.wait_dma2 semaphore(%arg15 : memref<!tpu.dma_semaphore, #tpu.memory_space<semaphore_mem>>) src(%dma_wait3A_155 : memref<80x16xf32, #tpu.memory_space<hbm>>) dst(%dma_wait3A_152 : memref<80x16xf32, #tpu.memory_space<vmem>>)
    %run_scoped3A_156 = arith.constant 4 : i32
    %run_scoped3A_157 = arith.constant 124 : i32
    "tpu.region"() ({
      %run_scoped3A_163 = tpu.sem_alloc : memref<!tpu.dma_semaphore, #tpu.memory_space<semaphore_mem>>
      %dma_start3A_164 = arith.constant 0 : i32
      %dma_start3A_165 = arith.constant 0 : i32
      %dma_start3A_166 = tpu.memref_slice %arg8[%run_scoped3A_156, %dma_start3A_164, %dma_start3A_165] : memref<5x80x16xf32, #tpu.memory_space<vmem>> -> memref<1x80x16xf32, #tpu.memory_space<vmem>>
      %dma_start3A_167 = tpu.memref_squeeze %dma_start3A_166 : memref<1x80x16xf32, #tpu.memory_space<vmem>> -> memref<80x16xf32, #tpu.memory_space<vmem>>
      %dma_start3A_168 = arith.constant 0 : i32
      %dma_start3A_169 = tpu.memref_slice %arg7[%run_scoped3A_157, %dma_start3A_168] : memref<125x80xi32, #tpu.memory_space<vmem>> -> memref<1x80xi32, #tpu.memory_space<vmem>>
      %dma_start3A_170 = tpu.memref_squeeze %dma_start3A_169 : memref<1x80xi32, #tpu.memory_space<vmem>> -> memref<80xi32, #tpu.memory_space<vmem>>
      %dma_start3A_171 = arith.constant 0 : i32
      %dma_start3A_172 = arith.constant 0 : i32
      %dma_start3A_173 = tpu.memref_slice %arg10[%dma_start3A_171, %dma_start3A_172] : memref<10240x16xf32, #tpu.memory_space<vmem_shared>> -> memref<10240x16xf32, #tpu.memory_space<vmem_shared>>
      tpu.enqueue_indirect_dma source(%dma_start3A_167 : memref<80x16xf32, #tpu.memory_space<vmem>>) target(%dma_start3A_173 : memref<10240x16xf32, #tpu.memory_space<vmem_shared>>) offsets(%dma_start3A_170 : memref<80xi32, #tpu.memory_space<vmem>>) semaphore(%run_scoped3A_163 : memref<!tpu.dma_semaphore, #tpu.memory_space<semaphore_mem>>) {add = true}
      %dma_wait3A_174 = arith.constant 0 : i32
      %dma_wait3A_175 = arith.constant 0 : i32
      %dma_wait3A_176 = tpu.memref_slice %arg8[%run_scoped3A_156, %dma_wait3A_174, %dma_wait3A_175] : memref<5x80x16xf32, #tpu.memory_space<vmem>> -> memref<1x80x16xf32, #tpu.memory_space<vmem>>
      %dma_wait3A_177 = tpu.memref_squeeze %dma_wait3A_176 : memref<1x80x16xf32, #tpu.memory_space<vmem>> -> memref<80x16xf32, #tpu.memory_space<vmem>>
      %dma_wait3A_178 = arith.constant 0 : i32
      %dma_wait3A_179 = tpu.memref_slice %arg7[%run_scoped3A_157, %dma_wait3A_178] : memref<125x80xi32, #tpu.memory_space<vmem>> -> memref<1x80xi32, #tpu.memory_space<vmem>>
      %dma_wait3A_180 = tpu.memref_squeeze %dma_wait3A_179 : memref<1x80xi32, #tpu.memory_space<vmem>> -> memref<80xi32, #tpu.memory_space<vmem>>
      %dma_wait3A_181 = arith.constant 0 : i32
      %dma_wait3A_182 = arith.constant 0 : i32
      %dma_wait3A_183 = tpu.memref_slice %arg10[%dma_wait3A_181, %dma_wait3A_182] : memref<10240x16xf32, #tpu.memory_space<vmem_shared>> -> memref<10240x16xf32, #tpu.memory_space<vmem_shared>>
      tpu.wait_indirect_dma semaphore(%run_scoped3A_163 : memref<!tpu.dma_semaphore, #tpu.memory_space<semaphore_mem>>) src(%dma_wait3A_177 : memref<80x16xf32, #tpu.memory_space<vmem>>) dst(%dma_wait3A_183 : memref<10240x16xf32, #tpu.memory_space<vmem_shared>>)
      tpu.yield
    }) : () -> ()
    %barrier3A_158 = arith.constant 0 : index
    tpu.barrier barrier_id(%barrier3A_158)
    %mul3A_159 = arith.constant 640 : i32
    %mul3A_160 = arith.muli %arg1, %mul3A_159 : i32
    "tpu.region"() ({
      %run_scoped3A_163 = tpu.sem_alloc : memref<!tpu.dma_semaphore, #tpu.memory_space<semaphore_mem>>
      %dma_start3A_164 = arith.constant 0 : i32
      %dma_start3A_165 = tpu.memref_slice %arg10[%mul3A_160, %dma_start3A_164] : memref<10240x16xf32, #tpu.memory_space<vmem_shared>> -> memref<640x16xf32, #tpu.memory_space<vmem_shared>>
      %dma_start3A_166 = arith.constant 0 : i32
      %dma_start3A_167 = tpu.memref_slice %arg10[%mul3A_160, %dma_start3A_166] : memref<10240x16xf32, #tpu.memory_space<vmem_shared>> -> memref<640x16xf32, #tpu.memory_space<vmem_shared>>
      tpu.enqueue_dma source(%dma_start3A_167 : memref<640x16xf32, #tpu.memory_space<vmem_shared>>) target(%arg9 : memref<640x16xf32, #tpu.memory_space<vmem>>) target_semaphore(%run_scoped3A_163 : memref<!tpu.dma_semaphore, #tpu.memory_space<semaphore_mem>>)
      %dma_wait3A_168 = arith.constant 0 : i32
      %dma_wait3A_169 = tpu.memref_slice %arg10[%mul3A_160, %dma_wait3A_168] : memref<10240x16xf32, #tpu.memory_space<vmem_shared>> -> memref<640x16xf32, #tpu.memory_space<vmem_shared>>
      %dma_wait3A_170 = arith.constant 0 : i32
      %dma_wait3A_171 = tpu.memref_slice %arg10[%mul3A_160, %dma_wait3A_170] : memref<10240x16xf32, #tpu.memory_space<vmem_shared>> -> memref<640x16xf32, #tpu.memory_space<vmem_shared>>
      tpu.wait_dma2 semaphore(%run_scoped3A_163 : memref<!tpu.dma_semaphore, #tpu.memory_space<semaphore_mem>>) src(%dma_wait3A_171 : memref<640x16xf32, #tpu.memory_space<vmem_shared>>) dst(%arg9 : memref<640x16xf32, #tpu.memory_space<vmem>>)
      tpu.yield
    }) : () -> ()
    %mul3A_161 = arith.constant 640 : i32
    %mul3A_162 = arith.muli %arg1, %mul3A_161 : i32
    "tpu.region"() ({
      %run_scoped3A_163 = tpu.sem_alloc : memref<!tpu.dma_semaphore, #tpu.memory_space<semaphore_mem>>
      %dma_start3A_164 = arith.constant 0 : i32
      %dma_start3A_165 = tpu.memref_slice %arg5[%arg0, %mul3A_162, %dma_start3A_164] : memref<2x10240x16xf32, #tpu.memory_space<hbm>> -> memref<1x640x16xf32, #tpu.memory_space<hbm>>
      %dma_start3A_166 = tpu.memref_squeeze %dma_start3A_165 : memref<1x640x16xf32, #tpu.memory_space<hbm>> -> memref<640x16xf32, #tpu.memory_space<hbm>>
      %dma_start3A_167 = arith.constant 0 : i32
      %dma_start3A_168 = tpu.memref_slice %arg5[%arg0, %mul3A_162, %dma_start3A_167] : memref<2x10240x16xf32, #tpu.memory_space<hbm>> -> memref<1x640x16xf32, #tpu.memory_space<hbm>>
      %dma_start3A_169 = tpu.memref_squeeze %dma_start3A_168 : memref<1x640x16xf32, #tpu.memory_space<hbm>> -> memref<640x16xf32, #tpu.memory_space<hbm>>
      tpu.enqueue_dma source(%arg9 : memref<640x16xf32, #tpu.memory_space<vmem>>) target(%dma_start3A_169 : memref<640x16xf32, #tpu.memory_space<hbm>>) target_semaphore(%run_scoped3A_163 : memref<!tpu.dma_semaphore, #tpu.memory_space<semaphore_mem>>)
      %dma_wait3A_170 = arith.constant 0 : i32
      %dma_wait3A_171 = tpu.memref_slice %arg5[%arg0, %mul3A_162, %dma_wait3A_170] : memref<2x10240x16xf32, #tpu.memory_space<hbm>> -> memref<1x640x16xf32, #tpu.memory_space<hbm>>
      %dma_wait3A_172 = tpu.memref_squeeze %dma_wait3A_171 : memref<1x640x16xf32, #tpu.memory_space<hbm>> -> memref<640x16xf32, #tpu.memory_space<hbm>>
      %dma_wait3A_173 = arith.constant 0 : i32
      %dma_wait3A_174 = tpu.memref_slice %arg5[%arg0, %mul3A_162, %dma_wait3A_173] : memref<2x10240x16xf32, #tpu.memory_space<hbm>> -> memref<1x640x16xf32, #tpu.memory_space<hbm>>
      %dma_wait3A_175 = tpu.memref_squeeze %dma_wait3A_174 : memref<1x640x16xf32, #tpu.memory_space<hbm>> -> memref<640x16xf32, #tpu.memory_space<hbm>>
      tpu.wait_dma2 semaphore(%run_scoped3A_163 : memref<!tpu.dma_semaphore, #tpu.memory_space<semaphore_mem>>) src(%arg9 : memref<640x16xf32, #tpu.memory_space<vmem>>) dst(%dma_wait3A_175 : memref<640x16xf32, #tpu.memory_space<hbm>>)
      tpu.yield
    }) : () -> ()
    return
  }
}

#map = affine_map<(d0, d1) -> (0, 0, 0)>
module attributes {stable_mosaic.version = 14 : i64} {
  func.func @_sc_degree_body(%arg0: i32, %arg1: i32, %arg2: memref<32x125x80xi32, #tpu.memory_space<hbm>>, %arg3: memref<2x10240x16xf32, #tpu.memory_space<hbm>>, %arg4: memref<125x80xi32, #tpu.memory_space<vmem>>, %arg5: memref<80x16xf32, #tpu.memory_space<vmem>>, %arg6: memref<640x16xf32, #tpu.memory_space<vmem>>, %arg7: memref<10240x16xf32, #tpu.memory_space<vmem_shared>>) attributes {dimension_semantics = [#tpu.dimension_semantics<core_parallel>, #tpu.dimension_semantics<subcore_parallel>], iteration_bounds = array<i64: 2, 16>, scalar_prefetch = 0 : i64, scratch_operands = 4 : i64, tpu.core_type = #tpu.core_type<sc_vector_subcore>, window_params = [{transform_indices = #map}, {transform_indices = #map}]} {
    %mul3A = arith.constant 16 : i32
    %mul3A_0 = arith.muli %arg0, %mul3A : i32
    %add3A = arith.addi %mul3A_0, %arg1 : i32
    %scan3A = arith.constant 0 : i32
    %scan3A_1 = arith.constant 0 : i32
    %scan3A_2 = arith.constant 640 : i32
    %scan3A_3 = arith.addi %scan3A_1, %scan3A_2 : i32
    %scan3A_4 = arith.constant 1 : i32
    %scan3A_5 = scf.for %scan3A_28 = %scan3A_1 to %scan3A_3 step %scan3A_4 iter_args(%scan3A_29 = %scan3A) -> (i32)  : i32 {
      %broadcast_in_dim3A = arith.constant 0.000000e+00 : f32
      %broadcast_in_dim3A_30 = vector.broadcast %broadcast_in_dim3A : f32 to vector<16xf32>
      %swap3A = arith.index_cast %scan3A_28 : i32 to index
      %swap3A_31 = arith.constant 0 : index
      %swap3A_32 = tpu.vector_load %arg6[%swap3A, %swap3A_31] {strides = array<i32>} : memref<640x16xf32, #tpu.memory_space<vmem>>, vector<1x16xf32>,
      %swap3A_33 = vector.shape_cast %swap3A_32 : vector<1x16xf32> to vector<16xf32>
      %swap3A_34 = vector.shape_cast %broadcast_in_dim3A_30 : vector<16xf32> to vector<1x16xf32>
      tpu.vector_store %arg6[%swap3A, %swap3A_31], %swap3A_34 {strides = array<i32>} : memref<640x16xf32, #tpu.memory_space<vmem>>, vector<1x16xf32>,
      %scan3A_35 = arith.constant 0 : i32
      scf.yield %scan3A_35 : i32
    }
    %scan3A_6 = arith.constant 640 : i32
    %scan3A_7 = arith.constant 0 : i32
    %scan3A_8 = arith.constant 0 : i32
    %scan3A_9 = arith.constant 80 : i32
    %scan3A_10 = arith.addi %scan3A_8, %scan3A_9 : i32
    %scan3A_11 = arith.constant 1 : i32
    %scan3A_12 = scf.for %scan3A_28 = %scan3A_8 to %scan3A_10 step %scan3A_11 iter_args(%scan3A_29 = %scan3A_7) -> (i32)  : i32 {
      %broadcast_in_dim3A = arith.constant 1.000000e+00 : f32
      %broadcast_in_dim3A_30 = vector.broadcast %broadcast_in_dim3A : f32 to vector<16xf32>
      %swap3A = arith.index_cast %scan3A_28 : i32 to index
      %swap3A_31 = arith.constant 0 : index
      %swap3A_32 = tpu.vector_load %arg5[%swap3A, %swap3A_31] {strides = array<i32>} : memref<80x16xf32, #tpu.memory_space<vmem>>, vector<1x16xf32>,
      %swap3A_33 = vector.shape_cast %swap3A_32 : vector<1x16xf32> to vector<16xf32>
      %swap3A_34 = vector.shape_cast %broadcast_in_dim3A_30 : vector<16xf32> to vector<1x16xf32>
      tpu.vector_store %arg5[%swap3A, %swap3A_31], %swap3A_34 {strides = array<i32>} : memref<80x16xf32, #tpu.memory_space<vmem>>, vector<1x16xf32>,
      %scan3A_35 = arith.constant 0 : i32
      scf.yield %scan3A_35 : i32
    }
    %scan3A_13 = arith.constant 80 : i32
    %mul3A_14 = arith.constant 640 : i32
    %mul3A_15 = arith.muli %arg1, %mul3A_14 : i32
    "tpu.region"() ({
      %run_scoped3A = tpu.sem_alloc : memref<!tpu.dma_semaphore, #tpu.memory_space<semaphore_mem>>
      %dma_start3A = arith.constant 0 : i32
      %dma_start3A_28 = tpu.memref_slice %arg7[%mul3A_15, %dma_start3A] : memref<10240x16xf32, #tpu.memory_space<vmem_shared>> -> memref<640x16xf32, #tpu.memory_space<vmem_shared>>
      %dma_start3A_29 = arith.constant 0 : i32
      %dma_start3A_30 = tpu.memref_slice %arg7[%mul3A_15, %dma_start3A_29] : memref<10240x16xf32, #tpu.memory_space<vmem_shared>> -> memref<640x16xf32, #tpu.memory_space<vmem_shared>>
      tpu.enqueue_dma source(%arg6 : memref<640x16xf32, #tpu.memory_space<vmem>>) target(%dma_start3A_30 : memref<640x16xf32, #tpu.memory_space<vmem_shared>>) target_semaphore(%run_scoped3A : memref<!tpu.dma_semaphore, #tpu.memory_space<semaphore_mem>>)
      %dma_wait3A = arith.constant 0 : i32
      %dma_wait3A_31 = tpu.memref_slice %arg7[%mul3A_15, %dma_wait3A] : memref<10240x16xf32, #tpu.memory_space<vmem_shared>> -> memref<640x16xf32, #tpu.memory_space<vmem_shared>>
      %dma_wait3A_32 = arith.constant 0 : i32
      %dma_wait3A_33 = tpu.memref_slice %arg7[%mul3A_15, %dma_wait3A_32] : memref<10240x16xf32, #tpu.memory_space<vmem_shared>> -> memref<640x16xf32, #tpu.memory_space<vmem_shared>>
      tpu.wait_dma2 semaphore(%run_scoped3A : memref<!tpu.dma_semaphore, #tpu.memory_space<semaphore_mem>>) src(%arg6 : memref<640x16xf32, #tpu.memory_space<vmem>>) dst(%dma_wait3A_33 : memref<640x16xf32, #tpu.memory_space<vmem_shared>>)
      tpu.yield
    }) : () -> ()
    "tpu.region"() ({
      %run_scoped3A = tpu.sem_alloc : memref<!tpu.dma_semaphore, #tpu.memory_space<semaphore_mem>>
      %dma_start3A = arith.constant 0 : i32
      %dma_start3A_28 = arith.constant 0 : i32
      %dma_start3A_29 = tpu.memref_slice %arg2[%add3A, %dma_start3A, %dma_start3A_28] : memref<32x125x80xi32, #tpu.memory_space<hbm>> -> memref<1x125x80xi32, #tpu.memory_space<hbm>>
      %dma_start3A_30 = tpu.memref_squeeze %dma_start3A_29 : memref<1x125x80xi32, #tpu.memory_space<hbm>> -> memref<125x80xi32, #tpu.memory_space<hbm>>
      %dma_start3A_31 = arith.constant 0 : i32
      %dma_start3A_32 = arith.constant 0 : i32
      %dma_start3A_33 = tpu.memref_slice %arg2[%add3A, %dma_start3A_31, %dma_start3A_32] : memref<32x125x80xi32, #tpu.memory_space<hbm>> -> memref<1x125x80xi32, #tpu.memory_space<hbm>>
      %dma_start3A_34 = tpu.memref_squeeze %dma_start3A_33 : memref<1x125x80xi32, #tpu.memory_space<hbm>> -> memref<125x80xi32, #tpu.memory_space<hbm>>
      tpu.enqueue_dma source(%dma_start3A_34 : memref<125x80xi32, #tpu.memory_space<hbm>>) target(%arg4 : memref<125x80xi32, #tpu.memory_space<vmem>>) target_semaphore(%run_scoped3A : memref<!tpu.dma_semaphore, #tpu.memory_space<semaphore_mem>>)
      %dma_wait3A = arith.constant 0 : i32
      %dma_wait3A_35 = arith.constant 0 : i32
      %dma_wait3A_36 = tpu.memref_slice %arg2[%add3A, %dma_wait3A, %dma_wait3A_35] : memref<32x125x80xi32, #tpu.memory_space<hbm>> -> memref<1x125x80xi32, #tpu.memory_space<hbm>>
      %dma_wait3A_37 = tpu.memref_squeeze %dma_wait3A_36 : memref<1x125x80xi32, #tpu.memory_space<hbm>> -> memref<125x80xi32, #tpu.memory_space<hbm>>
      %dma_wait3A_38 = arith.constant 0 : i32
      %dma_wait3A_39 = arith.constant 0 : i32
      %dma_wait3A_40 = tpu.memref_slice %arg2[%add3A, %dma_wait3A_38, %dma_wait3A_39] : memref<32x125x80xi32, #tpu.memory_space<hbm>> -> memref<1x125x80xi32, #tpu.memory_space<hbm>>
      %dma_wait3A_41 = tpu.memref_squeeze %dma_wait3A_40 : memref<1x125x80xi32, #tpu.memory_space<hbm>> -> memref<125x80xi32, #tpu.memory_space<hbm>>
      tpu.wait_dma2 semaphore(%run_scoped3A : memref<!tpu.dma_semaphore, #tpu.memory_space<semaphore_mem>>) src(%dma_wait3A_41 : memref<125x80xi32, #tpu.memory_space<hbm>>) dst(%arg4 : memref<125x80xi32, #tpu.memory_space<vmem>>)
      tpu.yield
    }) : () -> ()
    %barrier3A = arith.constant 0 : index
    tpu.barrier barrier_id(%barrier3A)
    %scan3A_16 = arith.constant 0 : i32
    %scan3A_17 = arith.constant 0 : i32
    %scan3A_18 = arith.constant 125 : i32
    %scan3A_19 = arith.addi %scan3A_17, %scan3A_18 : i32
    %scan3A_20 = arith.constant 1 : i32
    %scan3A_21 = scf.for %scan3A_28 = %scan3A_17 to %scan3A_19 step %scan3A_20 iter_args(%scan3A_29 = %scan3A_16) -> (i32)  : i32 {
      "tpu.region"() ({
        %run_scoped3A = tpu.sem_alloc : memref<!tpu.dma_semaphore, #tpu.memory_space<semaphore_mem>>
        %dma_start3A = arith.constant 0 : i32
        %dma_start3A_31 = tpu.memref_slice %arg4[%scan3A_28, %dma_start3A] : memref<125x80xi32, #tpu.memory_space<vmem>> -> memref<1x80xi32, #tpu.memory_space<vmem>>
        %dma_start3A_32 = tpu.memref_squeeze %dma_start3A_31 : memref<1x80xi32, #tpu.memory_space<vmem>> -> memref<80xi32, #tpu.memory_space<vmem>>
        %dma_start3A_33 = arith.constant 0 : i32
        %dma_start3A_34 = arith.constant 0 : i32
        %dma_start3A_35 = tpu.memref_slice %arg7[%dma_start3A_33, %dma_start3A_34] : memref<10240x16xf32, #tpu.memory_space<vmem_shared>> -> memref<10240x16xf32, #tpu.memory_space<vmem_shared>>
        tpu.enqueue_indirect_dma source(%arg5 : memref<80x16xf32, #tpu.memory_space<vmem>>) target(%dma_start3A_35 : memref<10240x16xf32, #tpu.memory_space<vmem_shared>>) offsets(%dma_start3A_32 : memref<80xi32, #tpu.memory_space<vmem>>) semaphore(%run_scoped3A : memref<!tpu.dma_semaphore, #tpu.memory_space<semaphore_mem>>) {add = true}
        %dma_wait3A = arith.constant 0 : i32
        %dma_wait3A_36 = tpu.memref_slice %arg4[%scan3A_28, %dma_wait3A] : memref<125x80xi32, #tpu.memory_space<vmem>> -> memref<1x80xi32, #tpu.memory_space<vmem>>
        %dma_wait3A_37 = tpu.memref_squeeze %dma_wait3A_36 : memref<1x80xi32, #tpu.memory_space<vmem>> -> memref<80xi32, #tpu.memory_space<vmem>>
        %dma_wait3A_38 = arith.constant 0 : i32
        %dma_wait3A_39 = arith.constant 0 : i32
        %dma_wait3A_40 = tpu.memref_slice %arg7[%dma_wait3A_38, %dma_wait3A_39] : memref<10240x16xf32, #tpu.memory_space<vmem_shared>> -> memref<10240x16xf32, #tpu.memory_space<vmem_shared>>
        tpu.wait_indirect_dma semaphore(%run_scoped3A : memref<!tpu.dma_semaphore, #tpu.memory_space<semaphore_mem>>) src(%arg5 : memref<80x16xf32, #tpu.memory_space<vmem>>) dst(%dma_wait3A_40 : memref<10240x16xf32, #tpu.memory_space<vmem_shared>>)
        tpu.yield
      }) : () -> ()
      %scan3A_30 = arith.constant 0 : i32
      scf.yield %scan3A_30 : i32
    }
    %scan3A_22 = arith.constant 125 : i32
    %barrier3A_23 = arith.constant 0 : index
    tpu.barrier barrier_id(%barrier3A_23)
    %mul3A_24 = arith.constant 640 : i32
    %mul3A_25 = arith.muli %arg1, %mul3A_24 : i32
    "tpu.region"() ({
      %run_scoped3A = tpu.sem_alloc : memref<!tpu.dma_semaphore, #tpu.memory_space<semaphore_mem>>
      %dma_start3A = arith.constant 0 : i32
      %dma_start3A_28 = tpu.memref_slice %arg7[%mul3A_25, %dma_start3A] : memref<10240x16xf32, #tpu.memory_space<vmem_shared>> -> memref<640x16xf32, #tpu.memory_space<vmem_shared>>
      %dma_start3A_29 = arith.constant 0 : i32
      %dma_start3A_30 = tpu.memref_slice %arg7[%mul3A_25, %dma_start3A_29] : memref<10240x16xf32, #tpu.memory_space<vmem_shared>> -> memref<640x16xf32, #tpu.memory_space<vmem_shared>>
      tpu.enqueue_dma source(%dma_start3A_30 : memref<640x16xf32, #tpu.memory_space<vmem_shared>>) target(%arg6 : memref<640x16xf32, #tpu.memory_space<vmem>>) target_semaphore(%run_scoped3A : memref<!tpu.dma_semaphore, #tpu.memory_space<semaphore_mem>>)
      %dma_wait3A = arith.constant 0 : i32
      %dma_wait3A_31 = tpu.memref_slice %arg7[%mul3A_25, %dma_wait3A] : memref<10240x16xf32, #tpu.memory_space<vmem_shared>> -> memref<640x16xf32, #tpu.memory_space<vmem_shared>>
      %dma_wait3A_32 = arith.constant 0 : i32
      %dma_wait3A_33 = tpu.memref_slice %arg7[%mul3A_25, %dma_wait3A_32] : memref<10240x16xf32, #tpu.memory_space<vmem_shared>> -> memref<640x16xf32, #tpu.memory_space<vmem_shared>>
      tpu.wait_dma2 semaphore(%run_scoped3A : memref<!tpu.dma_semaphore, #tpu.memory_space<semaphore_mem>>) src(%dma_wait3A_33 : memref<640x16xf32, #tpu.memory_space<vmem_shared>>) dst(%arg6 : memref<640x16xf32, #tpu.memory_space<vmem>>)
      tpu.yield
    }) : () -> ()
    %mul3A_26 = arith.constant 640 : i32
    %mul3A_27 = arith.muli %arg1, %mul3A_26 : i32
    "tpu.region"() ({
      %run_scoped3A = tpu.sem_alloc : memref<!tpu.dma_semaphore, #tpu.memory_space<semaphore_mem>>
      %dma_start3A = arith.constant 0 : i32
      %dma_start3A_28 = tpu.memref_slice %arg3[%arg0, %mul3A_27, %dma_start3A] : memref<2x10240x16xf32, #tpu.memory_space<hbm>> -> memref<1x640x16xf32, #tpu.memory_space<hbm>>
      %dma_start3A_29 = tpu.memref_squeeze %dma_start3A_28 : memref<1x640x16xf32, #tpu.memory_space<hbm>> -> memref<640x16xf32, #tpu.memory_space<hbm>>
      %dma_start3A_30 = arith.constant 0 : i32
      %dma_start3A_31 = tpu.memref_slice %arg3[%arg0, %mul3A_27, %dma_start3A_30] : memref<2x10240x16xf32, #tpu.memory_space<hbm>> -> memref<1x640x16xf32, #tpu.memory_space<hbm>>
      %dma_start3A_32 = tpu.memref_squeeze %dma_start3A_31 : memref<1x640x16xf32, #tpu.memory_space<hbm>> -> memref<640x16xf32, #tpu.memory_space<hbm>>
      tpu.enqueue_dma source(%arg6 : memref<640x16xf32, #tpu.memory_space<vmem>>) target(%dma_start3A_32 : memref<640x16xf32, #tpu.memory_space<hbm>>) target_semaphore(%run_scoped3A : memref<!tpu.dma_semaphore, #tpu.memory_space<semaphore_mem>>)
      %dma_wait3A = arith.constant 0 : i32
      %dma_wait3A_33 = tpu.memref_slice %arg3[%arg0, %mul3A_27, %dma_wait3A] : memref<2x10240x16xf32, #tpu.memory_space<hbm>> -> memref<1x640x16xf32, #tpu.memory_space<hbm>>
      %dma_wait3A_34 = tpu.memref_squeeze %dma_wait3A_33 : memref<1x640x16xf32, #tpu.memory_space<hbm>> -> memref<640x16xf32, #tpu.memory_space<hbm>>
      %dma_wait3A_35 = arith.constant 0 : i32
      %dma_wait3A_36 = tpu.memref_slice %arg3[%arg0, %mul3A_27, %dma_wait3A_35] : memref<2x10240x16xf32, #tpu.memory_space<hbm>> -> memref<1x640x16xf32, #tpu.memory_space<hbm>>
      %dma_wait3A_37 = tpu.memref_squeeze %dma_wait3A_36 : memref<1x640x16xf32, #tpu.memory_space<hbm>> -> memref<640x16xf32, #tpu.memory_space<hbm>>
      tpu.wait_dma2 semaphore(%run_scoped3A : memref<!tpu.dma_semaphore, #tpu.memory_space<semaphore_mem>>) src(%arg6 : memref<640x16xf32, #tpu.memory_space<vmem>>) dst(%dma_wait3A_37 : memref<640x16xf32, #tpu.memory_space<hbm>>)
      tpu.yield
    }) : () -> ()
    return
  }
}

#map = affine_map<(d0, d1) -> (0, 0)>
#map1 = affine_map<(d0, d1) -> (0, 0, 0)>
module attributes {stable_mosaic.version = 14 : i64} {
  func.func @_sc_aggregate_body(%arg0: i32, %arg1: i32, %arg2: memref<10000x16xf32, #tpu.memory_space<hbm>>, %arg3: memref<32x125x80xi32, #tpu.memory_space<hbm>>, %arg4: memref<32x125x80xi32, #tpu.memory_space<hbm>>, %arg5: memref<2x10240x16xf32, #tpu.memory_space<hbm>>, %arg6: memref<125x80xi32, #tpu.memory_space<vmem>>, %arg7: memref<125x80xi32, #tpu.memory_space<vmem>>, %arg8: memref<5x80x16xf32, #tpu.memory_space<vmem>>, %arg9: memref<640x16xf32, #tpu.memory_space<vmem>>, %arg10: memref<10240x16xf32, #tpu.memory_space<vmem_shared>>, %arg11: memref<!tpu.dma_semaphore, #tpu.memory_space<semaphore_mem>>, %arg12: memref<!tpu.dma_semaphore, #tpu.memory_space<semaphore_mem>>, %arg13: memref<!tpu.dma_semaphore, #tpu.memory_space<semaphore_mem>>, %arg14: memref<!tpu.dma_semaphore, #tpu.memory_space<semaphore_mem>>, %arg15: memref<!tpu.dma_semaphore, #tpu.memory_space<semaphore_mem>>) attributes {dimension_semantics = [#tpu.dimension_semantics<core_parallel>, #tpu.dimension_semantics<subcore_parallel>], iteration_bounds = array<i64: 2, 16>, scalar_prefetch = 0 : i64, scratch_operands = 10 : i64, tpu.core_type = #tpu.core_type<sc_vector_subcore>, window_params = [{transform_indices = #map}, {transform_indices = #map1}, {transform_indices = #map1}, {transform_indices = #map1}]} {
    %mul3A = arith.constant 16 : i32
    %mul3A_0 = arith.muli %arg0, %mul3A : i32
    %add3A = arith.addi %mul3A_0, %arg1 : i32
    %scan3A = arith.constant 0 : i32
    %scan3A_1 = arith.constant 0 : i32
    %scan3A_2 = arith.constant 640 : i32
    %scan3A_3 = arith.addi %scan3A_1, %scan3A_2 : i32
    %scan3A_4 = arith.constant 1 : i32
    %scan3A_5 = scf.for %scan3A_163 = %scan3A_1 to %scan3A_3 step %scan3A_4 iter_args(%scan3A_164 = %scan3A) -> (i32)  : i32 {
      %broadcast_in_dim3A = arith.constant 0.000000e+00 : f32
      %broadcast_in_dim3A_165 = vector.broadcast %broadcast_in_dim3A : f32 to vector<16xf32>
      %swap3A = arith.index_cast %scan3A_163 : i32 to index
      %swap3A_166 = arith.constant 0 : index
      %swap3A_167 = tpu.vector_load %arg9[%swap3A, %swap3A_166] {strides = array<i32>} : memref<640x16xf32, #tpu.memory_space<vmem>>, vector<1x16xf32>,
      %swap3A_168 = vector.shape_cast %swap3A_167 : vector<1x16xf32> to vector<16xf32>
      %swap3A_169 = vector.shape_cast %broadcast_in_dim3A_165 : vector<16xf32> to vector<1x16xf32>
      tpu.vector_store %arg9[%swap3A, %swap3A_166], %swap3A_169 {strides = array<i32>} : memref<640x16xf32, #tpu.memory_space<vmem>>, vector<1x16xf32>,
      %scan3A_170 = arith.constant 0 : i32
      scf.yield %scan3A_170 : i32
    }
    %scan3A_6 = arith.constant 640 : i32
    %mul3A_7 = arith.constant 640 : i32
    %mul3A_8 = arith.muli %arg1, %mul3A_7 : i32
    "tpu.region"() ({
      %run_scoped3A_163 = tpu.sem_alloc : memref<!tpu.dma_semaphore, #tpu.memory_space<semaphore_mem>>
      %dma_start3A_164 = arith.constant 0 : i32
      %dma_start3A_165 = tpu.memref_slice %arg10[%mul3A_8, %dma_start3A_164] : memref<10240x16xf32, #tpu.memory_space<vmem_shared>> -> memref<640x16xf32, #tpu.memory_space<vmem_shared>>
      %dma_start3A_166 = arith.constant 0 : i32
      %dma_start3A_167 = tpu.memref_slice %arg10[%mul3A_8, %dma_start3A_166] : memref<10240x16xf32, #tpu.memory_space<vmem_shared>> -> memref<640x16xf32, #tpu.memory_space<vmem_shared>>
      tpu.enqueue_dma source(%arg9 : memref<640x16xf32, #tpu.memory_space<vmem>>) target(%dma_start3A_167 : memref<640x16xf32, #tpu.memory_space<vmem_shared>>) target_semaphore(%run_scoped3A_163 : memref<!tpu.dma_semaphore, #tpu.memory_space<semaphore_mem>>)
      %dma_wait3A_168 = arith.constant 0 : i32
      %dma_wait3A_169 = tpu.memref_slice %arg10[%mul3A_8, %dma_wait3A_168] : memref<10240x16xf32, #tpu.memory_space<vmem_shared>> -> memref<640x16xf32, #tpu.memory_space<vmem_shared>>
      %dma_wait3A_170 = arith.constant 0 : i32
      %dma_wait3A_171 = tpu.memref_slice %arg10[%mul3A_8, %dma_wait3A_170] : memref<10240x16xf32, #tpu.memory_space<vmem_shared>> -> memref<640x16xf32, #tpu.memory_space<vmem_shared>>
      tpu.wait_dma2 semaphore(%run_scoped3A_163 : memref<!tpu.dma_semaphore, #tpu.memory_space<semaphore_mem>>) src(%arg9 : memref<640x16xf32, #tpu.memory_space<vmem>>) dst(%dma_wait3A_171 : memref<640x16xf32, #tpu.memory_space<vmem_shared>>)
      tpu.yield
    }) : () -> ()
    "tpu.region"() ({
      %run_scoped3A_163 = tpu.sem_alloc : memref<!tpu.dma_semaphore, #tpu.memory_space<semaphore_mem>>
      %dma_start3A_164 = arith.constant 0 : i32
      %dma_start3A_165 = arith.constant 0 : i32
      %dma_start3A_166 = tpu.memref_slice %arg3[%add3A, %dma_start3A_164, %dma_start3A_165] : memref<32x125x80xi32, #tpu.memory_space<hbm>> -> memref<1x125x80xi32, #tpu.memory_space<hbm>>
      %dma_start3A_167 = tpu.memref_squeeze %dma_start3A_166 : memref<1x125x80xi32, #tpu.memory_space<hbm>> -> memref<125x80xi32, #tpu.memory_space<hbm>>
      %dma_start3A_168 = arith.constant 0 : i32
      %dma_start3A_169 = arith.constant 0 : i32
      %dma_start3A_170 = tpu.memref_slice %arg3[%add3A, %dma_start3A_168, %dma_start3A_169] : memref<32x125x80xi32, #tpu.memory_space<hbm>> -> memref<1x125x80xi32, #tpu.memory_space<hbm>>
      %dma_start3A_171 = tpu.memref_squeeze %dma_start3A_170 : memref<1x125x80xi32, #tpu.memory_space<hbm>> -> memref<125x80xi32, #tpu.memory_space<hbm>>
      tpu.enqueue_dma source(%dma_start3A_171 : memref<125x80xi32, #tpu.memory_space<hbm>>) target(%arg6 : memref<125x80xi32, #tpu.memory_space<vmem>>) target_semaphore(%run_scoped3A_163 : memref<!tpu.dma_semaphore, #tpu.memory_space<semaphore_mem>>)
      %dma_wait3A_172 = arith.constant 0 : i32
      %dma_wait3A_173 = arith.constant 0 : i32
      %dma_wait3A_174 = tpu.memref_slice %arg3[%add3A, %dma_wait3A_172, %dma_wait3A_173] : memref<32x125x80xi32, #tpu.memory_space<hbm>> -> memref<1x125x80xi32, #tpu.memory_space<hbm>>
      %dma_wait3A_175 = tpu.memref_squeeze %dma_wait3A_174 : memref<1x125x80xi32, #tpu.memory_space<hbm>> -> memref<125x80xi32, #tpu.memory_space<hbm>>
      %dma_wait3A_176 = arith.constant 0 : i32
      %dma_wait3A_177 = arith.constant 0 : i32
      %dma_wait3A_178 = tpu.memref_slice %arg3[%add3A, %dma_wait3A_176, %dma_wait3A_177] : memref<32x125x80xi32, #tpu.memory_space<hbm>> -> memref<1x125x80xi32, #tpu.memory_space<hbm>>
      %dma_wait3A_179 = tpu.memref_squeeze %dma_wait3A_178 : memref<1x125x80xi32, #tpu.memory_space<hbm>> -> memref<125x80xi32, #tpu.memory_space<hbm>>
      tpu.wait_dma2 semaphore(%run_scoped3A_163 : memref<!tpu.dma_semaphore, #tpu.memory_space<semaphore_mem>>) src(%dma_wait3A_179 : memref<125x80xi32, #tpu.memory_space<hbm>>) dst(%arg6 : memref<125x80xi32, #tpu.memory_space<vmem>>)
      tpu.yield
    }) : () -> ()
    "tpu.region"() ({
      %run_scoped3A_163 = tpu.sem_alloc : memref<!tpu.dma_semaphore, #tpu.memory_space<semaphore_mem>>
      %dma_start3A_164 = arith.constant 0 : i32
      %dma_start3A_165 = arith.constant 0 : i32
      %dma_start3A_166 = tpu.memref_slice %arg4[%add3A, %dma_start3A_164, %dma_start3A_165] : memref<32x125x80xi32, #tpu.memory_space<hbm>> -> memref<1x125x80xi32, #tpu.memory_space<hbm>>
      %dma_start3A_167 = tpu.memref_squeeze %dma_start3A_166 : memref<1x125x80xi32, #tpu.memory_space<hbm>> -> memref<125x80xi32, #tpu.memory_space<hbm>>
      %dma_start3A_168 = arith.constant 0 : i32
      %dma_start3A_169 = arith.constant 0 : i32
      %dma_start3A_170 = tpu.memref_slice %arg4[%add3A, %dma_start3A_168, %dma_start3A_169] : memref<32x125x80xi32, #tpu.memory_space<hbm>> -> memref<1x125x80xi32, #tpu.memory_space<hbm>>
      %dma_start3A_171 = tpu.memref_squeeze %dma_start3A_170 : memref<1x125x80xi32, #tpu.memory_space<hbm>> -> memref<125x80xi32, #tpu.memory_space<hbm>>
      tpu.enqueue_dma source(%dma_start3A_171 : memref<125x80xi32, #tpu.memory_space<hbm>>) target(%arg7 : memref<125x80xi32, #tpu.memory_space<vmem>>) target_semaphore(%run_scoped3A_163 : memref<!tpu.dma_semaphore, #tpu.memory_space<semaphore_mem>>)
      %dma_wait3A_172 = arith.constant 0 : i32
      %dma_wait3A_173 = arith.constant 0 : i32
      %dma_wait3A_174 = tpu.memref_slice %arg4[%add3A, %dma_wait3A_172, %dma_wait3A_173] : memref<32x125x80xi32, #tpu.memory_space<hbm>> -> memref<1x125x80xi32, #tpu.memory_space<hbm>>
      %dma_wait3A_175 = tpu.memref_squeeze %dma_wait3A_174 : memref<1x125x80xi32, #tpu.memory_space<hbm>> -> memref<125x80xi32, #tpu.memory_space<hbm>>
      %dma_wait3A_176 = arith.constant 0 : i32
      %dma_wait3A_177 = arith.constant 0 : i32
      %dma_wait3A_178 = tpu.memref_slice %arg4[%add3A, %dma_wait3A_176, %dma_wait3A_177] : memref<32x125x80xi32, #tpu.memory_space<hbm>> -> memref<1x125x80xi32, #tpu.memory_space<hbm>>
      %dma_wait3A_179 = tpu.memref_squeeze %dma_wait3A_178 : memref<1x125x80xi32, #tpu.memory_space<hbm>> -> memref<125x80xi32, #tpu.memory_space<hbm>>
      tpu.wait_dma2 semaphore(%run_scoped3A_163 : memref<!tpu.dma_semaphore, #tpu.memory_space<semaphore_mem>>) src(%dma_wait3A_179 : memref<125x80xi32, #tpu.memory_space<hbm>>) dst(%arg7 : memref<125x80xi32, #tpu.memory_space<vmem>>)
      tpu.yield
    }) : () -> ()
    %barrier3A = arith.constant 0 : index
    tpu.barrier barrier_id(%barrier3A)
    %dma_start3A = arith.constant 0 : i32
    %dma_start3A_9 = arith.constant 0 : i32
    %dma_start3A_10 = arith.constant 0 : i32
    %dma_start3A_11 = arith.constant 0 : i32
    %dma_start3A_12 = tpu.memref_slice %arg8[%dma_start3A_9, %dma_start3A_10, %dma_start3A_11] : memref<5x80x16xf32, #tpu.memory_space<vmem>> -> memref<1x80x16xf32, #tpu.memory_space<vmem>>
    %dma_start3A_13 = tpu.memref_squeeze %dma_start3A_12 : memref<1x80x16xf32, #tpu.memory_space<vmem>> -> memref<80x16xf32, #tpu.memory_space<vmem>>
    %dma_start3A_14 = arith.constant 0 : i32
    %dma_start3A_15 = tpu.memref_slice %arg6[%dma_start3A, %dma_start3A_14] : memref<125x80xi32, #tpu.memory_space<vmem>> -> memref<1x80xi32, #tpu.memory_space<vmem>>
    %dma_start3A_16 = tpu.memref_squeeze %dma_start3A_15 : memref<1x80xi32, #tpu.memory_space<vmem>> -> memref<80xi32, #tpu.memory_space<vmem>>
    %dma_start3A_17 = arith.constant 0 : i32
    %dma_start3A_18 = arith.constant 0 : i32
    %dma_start3A_19 = tpu.memref_slice %arg2[%dma_start3A_17, %dma_start3A_18] : memref<10000x16xf32, #tpu.memory_space<hbm>> -> memref<10000x16xf32, #tpu.memory_space<hbm>>
    tpu.enqueue_indirect_dma source(%dma_start3A_19 : memref<10000x16xf32, #tpu.memory_space<hbm>>) target(%dma_start3A_13 : memref<80x16xf32, #tpu.memory_space<vmem>>) offsets(%dma_start3A_16 : memref<80xi32, #tpu.memory_space<vmem>>) semaphore(%arg11 : memref<!tpu.dma_semaphore, #tpu.memory_space<semaphore_mem>>)
    %dma_start3A_20 = arith.constant 1 : i32
    %dma_start3A_21 = arith.constant 1 : i32
    %dma_start3A_22 = arith.constant 0 : i32
    %dma_start3A_23 = arith.constant 0 : i32
    %dma_start3A_24 = tpu.memref_slice %arg8[%dma_start3A_21, %dma_start3A_22, %dma_start3A_23] : memref<5x80x16xf32, #tpu.memory_space<vmem>> -> memref<1x80x16xf32, #tpu.memory_space<vmem>>
    %dma_start3A_25 = tpu.memref_squeeze %dma_start3A_24 : memref<1x80x16xf32, #tpu.memory_space<vmem>> -> memref<80x16xf32, #tpu.memory_space<vmem>>
    %dma_start3A_26 = arith.constant 0 : i32
    %dma_start3A_27 = tpu.memref_slice %arg6[%dma_start3A_20, %dma_start3A_26] : memref<125x80xi32, #tpu.memory_space<vmem>> -> memref<1x80xi32, #tpu.memory_space<vmem>>
    %dma_start3A_28 = tpu.memref_squeeze %dma_start3A_27 : memref<1x80xi32, #tpu.memory_space<vmem>> -> memref<80xi32, #tpu.memory_space<vmem>>
    %dma_start3A_29 = arith.constant 0 : i32
    %dma_start3A_30 = arith.constant 0 : i32
    %dma_start3A_31 = tpu.memref_slice %arg2[%dma_start3A_29, %dma_start3A_30] : memref<10000x16xf32, #tpu.memory_space<hbm>> -> memref<10000x16xf32, #tpu.memory_space<hbm>>
    tpu.enqueue_indirect_dma source(%dma_start3A_31 : memref<10000x16xf32, #tpu.memory_space<hbm>>) target(%dma_start3A_25 : memref<80x16xf32, #tpu.memory_space<vmem>>) offsets(%dma_start3A_28 : memref<80xi32, #tpu.memory_space<vmem>>) semaphore(%arg12 : memref<!tpu.dma_semaphore, #tpu.memory_space<semaphore_mem>>)
    %dma_start3A_32 = arith.constant 2 : i32
    %dma_start3A_33 = arith.constant 2 : i32
    %dma_start3A_34 = arith.constant 0 : i32
    %dma_start3A_35 = arith.constant 0 : i32
    %dma_start3A_36 = tpu.memref_slice %arg8[%dma_start3A_33, %dma_start3A_34, %dma_start3A_35] : memref<5x80x16xf32, #tpu.memory_space<vmem>> -> memref<1x80x16xf32, #tpu.memory_space<vmem>>
    %dma_start3A_37 = tpu.memref_squeeze %dma_start3A_36 : memref<1x80x16xf32, #tpu.memory_space<vmem>> -> memref<80x16xf32, #tpu.memory_space<vmem>>
    %dma_start3A_38 = arith.constant 0 : i32
    %dma_start3A_39 = tpu.memref_slice %arg6[%dma_start3A_32, %dma_start3A_38] : memref<125x80xi32, #tpu.memory_space<vmem>> -> memref<1x80xi32, #tpu.memory_space<vmem>>
    %dma_start3A_40 = tpu.memref_squeeze %dma_start3A_39 : memref<1x80xi32, #tpu.memory_space<vmem>> -> memref<80xi32, #tpu.memory_space<vmem>>
    %dma_start3A_41 = arith.constant 0 : i32
    %dma_start3A_42 = arith.constant 0 : i32
    %dma_start3A_43 = tpu.memref_slice %arg2[%dma_start3A_41, %dma_start3A_42] : memref<10000x16xf32, #tpu.memory_space<hbm>> -> memref<10000x16xf32, #tpu.memory_space<hbm>>
    tpu.enqueue_indirect_dma source(%dma_start3A_43 : memref<10000x16xf32, #tpu.memory_space<hbm>>) target(%dma_start3A_37 : memref<80x16xf32, #tpu.memory_space<vmem>>) offsets(%dma_start3A_40 : memref<80xi32, #tpu.memory_space<vmem>>) semaphore(%arg13 : memref<!tpu.dma_semaphore, #tpu.memory_space<semaphore_mem>>)
    %dma_start3A_44 = arith.constant 3 : i32
    %dma_start3A_45 = arith.constant 3 : i32
    %dma_start3A_46 = arith.constant 0 : i32
    %dma_start3A_47 = arith.constant 0 : i32
    %dma_start3A_48 = tpu.memref_slice %arg8[%dma_start3A_45, %dma_start3A_46, %dma_start3A_47] : memref<5x80x16xf32, #tpu.memory_space<vmem>> -> memref<1x80x16xf32, #tpu.memory_space<vmem>>
    %dma_start3A_49 = tpu.memref_squeeze %dma_start3A_48 : memref<1x80x16xf32, #tpu.memory_space<vmem>> -> memref<80x16xf32, #tpu.memory_space<vmem>>
    %dma_start3A_50 = arith.constant 0 : i32
    %dma_start3A_51 = tpu.memref_slice %arg6[%dma_start3A_44, %dma_start3A_50] : memref<125x80xi32, #tpu.memory_space<vmem>> -> memref<1x80xi32, #tpu.memory_space<vmem>>
    %dma_start3A_52 = tpu.memref_squeeze %dma_start3A_51 : memref<1x80xi32, #tpu.memory_space<vmem>> -> memref<80xi32, #tpu.memory_space<vmem>>
    %dma_start3A_53 = arith.constant 0 : i32
    %dma_start3A_54 = arith.constant 0 : i32
    %dma_start3A_55 = tpu.memref_slice %arg2[%dma_start3A_53, %dma_start3A_54] : memref<10000x16xf32, #tpu.memory_space<hbm>> -> memref<10000x16xf32, #tpu.memory_space<hbm>>
    tpu.enqueue_indirect_dma source(%dma_start3A_55 : memref<10000x16xf32, #tpu.memory_space<hbm>>) target(%dma_start3A_49 : memref<80x16xf32, #tpu.memory_space<vmem>>) offsets(%dma_start3A_52 : memref<80xi32, #tpu.memory_space<vmem>>) semaphore(%arg14 : memref<!tpu.dma_semaphore, #tpu.memory_space<semaphore_mem>>)
    %dma_start3A_56 = arith.constant 4 : i32
    %dma_start3A_57 = arith.constant 4 : i32
    %dma_start3A_58 = arith.constant 0 : i32
    %dma_start3A_59 = arith.constant 0 : i32
    %dma_start3A_60 = tpu.memref_slice %arg8[%dma_start3A_57, %dma_start3A_58, %dma_start3A_59] : memref<5x80x16xf32, #tpu.memory_space<vmem>> -> memref<1x80x16xf32, #tpu.memory_space<vmem>>
    %dma_start3A_61 = tpu.memref_squeeze %dma_start3A_60 : memref<1x80x16xf32, #tpu.memory_space<vmem>> -> memref<80x16xf32, #tpu.memory_space<vmem>>
    %dma_start3A_62 = arith.constant 0 : i32
    %dma_start3A_63 = tpu.memref_slice %arg6[%dma_start3A_56, %dma_start3A_62] : memref<125x80xi32, #tpu.memory_space<vmem>> -> memref<1x80xi32, #tpu.memory_space<vmem>>
    %dma_start3A_64 = tpu.memref_squeeze %dma_start3A_63 : memref<1x80xi32, #tpu.memory_space<vmem>> -> memref<80xi32, #tpu.memory_space<vmem>>
    %dma_start3A_65 = arith.constant 0 : i32
    %dma_start3A_66 = arith.constant 0 : i32
    %dma_start3A_67 = tpu.memref_slice %arg2[%dma_start3A_65, %dma_start3A_66] : memref<10000x16xf32, #tpu.memory_space<hbm>> -> memref<10000x16xf32, #tpu.memory_space<hbm>>
    tpu.enqueue_indirect_dma source(%dma_start3A_67 : memref<10000x16xf32, #tpu.memory_space<hbm>>) target(%dma_start3A_61 : memref<80x16xf32, #tpu.memory_space<vmem>>) offsets(%dma_start3A_64 : memref<80xi32, #tpu.memory_space<vmem>>) semaphore(%arg15 : memref<!tpu.dma_semaphore, #tpu.memory_space<semaphore_mem>>)
    %scan3A_68 = arith.constant 0 : i32
    %scan3A_69 = arith.constant 0 : i32
    %scan3A_70 = arith.constant 24 : i32
    %scan3A_71 = arith.addi %scan3A_69, %scan3A_70 : i32
    %scan3A_72 = arith.constant 1 : i32
    %scan3A_73 = scf.for %scan3A_163 = %scan3A_69 to %scan3A_71 step %scan3A_72 iter_args(%scan3A_164 = %scan3A_68) -> (i32)  : i32 {
      %mul3A_165 = arith.constant 5 : i32
      %mul3A_166 = arith.muli %mul3A_165, %scan3A_163 : i32
      %dma_wait3A_167 = arith.constant 0 : i32
      %dma_wait3A_168 = arith.constant 0 : i32
      %dma_wait3A_169 = arith.constant 0 : i32
      %dma_wait3A_170 = tpu.memref_slice %arg8[%dma_wait3A_167, %dma_wait3A_168, %dma_wait3A_169] : memref<5x80x16xf32, #tpu.memory_space<vmem>> -> memref<1x80x16xf32, #tpu.memory_space<vmem>>
      %dma_wait3A_171 = tpu.memref_squeeze %dma_wait3A_170 : memref<1x80x16xf32, #tpu.memory_space<vmem>> -> memref<80x16xf32, #tpu.memory_space<vmem>>
      %dma_wait3A_172 = arith.constant 0 : i32
      %dma_wait3A_173 = arith.constant 0 : i32
      %dma_wait3A_174 = tpu.memref_slice %arg2[%dma_wait3A_172, %dma_wait3A_173] : memref<10000x16xf32, #tpu.memory_space<hbm>> -> memref<80x16xf32, #tpu.memory_space<hbm>>
      %dma_wait3A_175 = arith.constant 0 : i32
      %dma_wait3A_176 = arith.constant 0 : i32
      %dma_wait3A_177 = tpu.memref_slice %arg8[%dma_wait3A_167, %dma_wait3A_175, %dma_wait3A_176] : memref<5x80x16xf32, #tpu.memory_space<vmem>> -> memref<1x80x16xf32, #tpu.memory_space<vmem>>
      %dma_wait3A_178 = tpu.memref_squeeze %dma_wait3A_177 : memref<1x80x16xf32, #tpu.memory_space<vmem>> -> memref<80x16xf32, #tpu.memory_space<vmem>>
      %dma_wait3A_179 = arith.constant 0 : i32
      %dma_wait3A_180 = arith.constant 0 : i32
      %dma_wait3A_181 = tpu.memref_slice %arg2[%dma_wait3A_179, %dma_wait3A_180] : memref<10000x16xf32, #tpu.memory_space<hbm>> -> memref<80x16xf32, #tpu.memory_space<hbm>>
      tpu.wait_dma2 semaphore(%arg11 : memref<!tpu.dma_semaphore, #tpu.memory_space<semaphore_mem>>) src(%dma_wait3A_181 : memref<80x16xf32, #tpu.memory_space<hbm>>) dst(%dma_wait3A_178 : memref<80x16xf32, #tpu.memory_space<vmem>>)
      %add3A_182 = arith.constant 0 : i32
      %add3A_183 = arith.addi %mul3A_166, %add3A_182 : i32
      %run_scoped3A_184 = arith.constant 0 : i32
      "tpu.region"() ({
        %run_scoped3A_333 = tpu.sem_alloc : memref<!tpu.dma_semaphore, #tpu.memory_space<semaphore_mem>>
        %dma_start3A_334 = arith.constant 0 : i32
        %dma_start3A_335 = arith.constant 0 : i32
        %dma_start3A_336 = tpu.memref_slice %arg8[%run_scoped3A_184, %dma_start3A_334, %dma_start3A_335] : memref<5x80x16xf32, #tpu.memory_space<vmem>> -> memref<1x80x16xf32, #tpu.memory_space<vmem>>
        %dma_start3A_337 = tpu.memref_squeeze %dma_start3A_336 : memref<1x80x16xf32, #tpu.memory_space<vmem>> -> memref<80x16xf32, #tpu.memory_space<vmem>>
        %dma_start3A_338 = arith.constant 0 : i32
        %dma_start3A_339 = tpu.memref_slice %arg7[%add3A_183, %dma_start3A_338] : memref<125x80xi32, #tpu.memory_space<vmem>> -> memref<1x80xi32, #tpu.memory_space<vmem>>
        %dma_start3A_340 = tpu.memref_squeeze %dma_start3A_339 : memref<1x80xi32, #tpu.memory_space<vmem>> -> memref<80xi32, #tpu.memory_space<vmem>>
        %dma_start3A_341 = arith.constant 0 : i32
        %dma_start3A_342 = arith.constant 0 : i32
        %dma_start3A_343 = tpu.memref_slice %arg10[%dma_start3A_341, %dma_start3A_342] : memref<10240x16xf32, #tpu.memory_space<vmem_shared>> -> memref<10240x16xf32, #tpu.memory_space<vmem_shared>>
        tpu.enqueue_indirect_dma source(%dma_start3A_337 : memref<80x16xf32, #tpu.memory_space<vmem>>) target(%dma_start3A_343 : memref<10240x16xf32, #tpu.memory_space<vmem_shared>>) offsets(%dma_start3A_340 : memref<80xi32, #tpu.memory_space<vmem>>) semaphore(%run_scoped3A_333 : memref<!tpu.dma_semaphore, #tpu.memory_space<semaphore_mem>>) {add = true}
        %dma_wait3A_344 = arith.constant 0 : i32
        %dma_wait3A_345 = arith.constant 0 : i32
        %dma_wait3A_346 = tpu.memref_slice %arg8[%run_scoped3A_184, %dma_wait3A_344, %dma_wait3A_345] : memref<5x80x16xf32, #tpu.memory_space<vmem>> -> memref<1x80x16xf32, #tpu.memory_space<vmem>>
        %dma_wait3A_347 = tpu.memref_squeeze %dma_wait3A_346 : memref<1x80x16xf32, #tpu.memory_space<vmem>> -> memref<80x16xf32, #tpu.memory_space<vmem>>
        %dma_wait3A_348 = arith.constant 0 : i32
        %dma_wait3A_349 = tpu.memref_slice %arg7[%add3A_183, %dma_wait3A_348] : memref<125x80xi32, #tpu.memory_space<vmem>> -> memref<1x80xi32, #tpu.memory_space<vmem>>
        %dma_wait3A_350 = tpu.memref_squeeze %dma_wait3A_349 : memref<1x80xi32, #tpu.memory_space<vmem>> -> memref<80xi32, #tpu.memory_space<vmem>>
        %dma_wait3A_351 = arith.constant 0 : i32
        %dma_wait3A_352 = arith.constant 0 : i32
        %dma_wait3A_353 = tpu.memref_slice %arg10[%dma_wait3A_351, %dma_wait3A_352] : memref<10240x16xf32, #tpu.memory_space<vmem_shared>> -> memref<10240x16xf32, #tpu.memory_space<vmem_shared>>
        tpu.wait_indirect_dma semaphore(%run_scoped3A_333 : memref<!tpu.dma_semaphore, #tpu.memory_space<semaphore_mem>>) src(%dma_wait3A_347 : memref<80x16xf32, #tpu.memory_space<vmem>>) dst(%dma_wait3A_353 : memref<10240x16xf32, #tpu.memory_space<vmem_shared>>)
        tpu.yield
      }) : () -> ()
      %add3A_185 = arith.constant 0 : i32
      %add3A_186 = arith.addi %mul3A_166, %add3A_185 : i32
      %add3A_187 = arith.constant 5 : i32
      %add3A_188 = arith.addi %add3A_186, %add3A_187 : i32
      %dma_start3A_189 = arith.constant 0 : i32
      %dma_start3A_190 = arith.constant 0 : i32
      %dma_start3A_191 = arith.constant 0 : i32
      %dma_start3A_192 = tpu.memref_slice %arg8[%dma_start3A_189, %dma_start3A_190, %dma_start3A_191] : memref<5x80x16xf32, #tpu.memory_space<vmem>> -> memref<1x80x16xf32, #tpu.memory_space<vmem>>
      %dma_start3A_193 = tpu.memref_squeeze %dma_start3A_192 : memref<1x80x16xf32, #tpu.memory_space<vmem>> -> memref<80x16xf32, #tpu.memory_space<vmem>>
      %dma_start3A_194 = arith.constant 0 : i32
      %dma_start3A_195 = tpu.memref_slice %arg6[%add3A_188, %dma_start3A_194] : memref<125x80xi32, #tpu.memory_space<vmem>> -> memref<1x80xi32, #tpu.memory_space<vmem>>
      %dma_start3A_196 = tpu.memref_squeeze %dma_start3A_195 : memref<1x80xi32, #tpu.memory_space<vmem>> -> memref<80xi32, #tpu.memory_space<vmem>>
      %dma_start3A_197 = arith.constant 0 : i32
      %dma_start3A_198 = arith.constant 0 : i32
      %dma_start3A_199 = tpu.memref_slice %arg2[%dma_start3A_197, %dma_start3A_198] : memref<10000x16xf32, #tpu.memory_space<hbm>> -> memref<10000x16xf32, #tpu.memory_space<hbm>>
      tpu.enqueue_indirect_dma source(%dma_start3A_199 : memref<10000x16xf32, #tpu.memory_space<hbm>>) target(%dma_start3A_193 : memref<80x16xf32, #tpu.memory_space<vmem>>) offsets(%dma_start3A_196 : memref<80xi32, #tpu.memory_space<vmem>>) semaphore(%arg11 : memref<!tpu.dma_semaphore, #tpu.memory_space<semaphore_mem>>)
      %dma_wait3A_200 = arith.constant 1 : i32
      %dma_wait3A_201 = arith.constant 0 : i32
      %dma_wait3A_202 = arith.constant 0 : i32
      %dma_wait3A_203 = tpu.memref_slice %arg8[%dma_wait3A_200, %dma_wait3A_201, %dma_wait3A_202] : memref<5x80x16xf32, #tpu.memory_space<vmem>> -> memref<1x80x16xf32, #tpu.memory_space<vmem>>
      %dma_wait3A_204 = tpu.memref_squeeze %dma_wait3A_203 : memref<1x80x16xf32, #tpu.memory_space<vmem>> -> memref<80x16xf32, #tpu.memory_space<vmem>>
      %dma_wait3A_205 = arith.constant 0 : i32
      %dma_wait3A_206 = arith.constant 0 : i32
      %dma_wait3A_207 = tpu.memref_slice %arg2[%dma_wait3A_205, %dma_wait3A_206] : memref<10000x16xf32, #tpu.memory_space<hbm>> -> memref<80x16xf32, #tpu.memory_space<hbm>>
      %dma_wait3A_208 = arith.constant 0 : i32
      %dma_wait3A_209 = arith.constant 0 : i32
      %dma_wait3A_210 = tpu.memref_slice %arg8[%dma_wait3A_200, %dma_wait3A_208, %dma_wait3A_209] : memref<5x80x16xf32, #tpu.memory_space<vmem>> -> memref<1x80x16xf32, #tpu.memory_space<vmem>>
      %dma_wait3A_211 = tpu.memref_squeeze %dma_wait3A_210 : memref<1x80x16xf32, #tpu.memory_space<vmem>> -> memref<80x16xf32, #tpu.memory_space<vmem>>
      %dma_wait3A_212 = arith.constant 0 : i32
      %dma_wait3A_213 = arith.constant 0 : i32
      %dma_wait3A_214 = tpu.memref_slice %arg2[%dma_wait3A_212, %dma_wait3A_213] : memref<10000x16xf32, #tpu.memory_space<hbm>> -> memref<80x16xf32, #tpu.memory_space<hbm>>
      tpu.wait_dma2 semaphore(%arg12 : memref<!tpu.dma_semaphore, #tpu.memory_space<semaphore_mem>>) src(%dma_wait3A_214 : memref<80x16xf32, #tpu.memory_space<hbm>>) dst(%dma_wait3A_211 : memref<80x16xf32, #tpu.memory_space<vmem>>)
      %add3A_215 = arith.constant 1 : i32
      %add3A_216 = arith.addi %mul3A_166, %add3A_215 : i32
      %run_scoped3A_217 = arith.constant 1 : i32
      "tpu.region"() ({
        %run_scoped3A_333 = tpu.sem_alloc : memref<!tpu.dma_semaphore, #tpu.memory_space<semaphore_mem>>
        %dma_start3A_334 = arith.constant 0 : i32
        %dma_start3A_335 = arith.constant 0 : i32
        %dma_start3A_336 = tpu.memref_slice %arg8[%run_scoped3A_217, %dma_start3A_334, %dma_start3A_335] : memref<5x80x16xf32, #tpu.memory_space<vmem>> -> memref<1x80x16xf32, #tpu.memory_space<vmem>>
        %dma_start3A_337 = tpu.memref_squeeze %dma_start3A_336 : memref<1x80x16xf32, #tpu.memory_space<vmem>> -> memref<80x16xf32, #tpu.memory_space<vmem>>
        %dma_start3A_338 = arith.constant 0 : i32
        %dma_start3A_339 = tpu.memref_slice %arg7[%add3A_216, %dma_start3A_338] : memref<125x80xi32, #tpu.memory_space<vmem>> -> memref<1x80xi32, #tpu.memory_space<vmem>>
        %dma_start3A_340 = tpu.memref_squeeze %dma_start3A_339 : memref<1x80xi32, #tpu.memory_space<vmem>> -> memref<80xi32, #tpu.memory_space<vmem>>
        %dma_start3A_341 = arith.constant 0 : i32
        %dma_start3A_342 = arith.constant 0 : i32
        %dma_start3A_343 = tpu.memref_slice %arg10[%dma_start3A_341, %dma_start3A_342] : memref<10240x16xf32, #tpu.memory_space<vmem_shared>> -> memref<10240x16xf32, #tpu.memory_space<vmem_shared>>
        tpu.enqueue_indirect_dma source(%dma_start3A_337 : memref<80x16xf32, #tpu.memory_space<vmem>>) target(%dma_start3A_343 : memref<10240x16xf32, #tpu.memory_space<vmem_shared>>) offsets(%dma_start3A_340 : memref<80xi32, #tpu.memory_space<vmem>>) semaphore(%run_scoped3A_333 : memref<!tpu.dma_semaphore, #tpu.memory_space<semaphore_mem>>) {add = true}
        %dma_wait3A_344 = arith.constant 0 : i32
        %dma_wait3A_345 = arith.constant 0 : i32
        %dma_wait3A_346 = tpu.memref_slice %arg8[%run_scoped3A_217, %dma_wait3A_344, %dma_wait3A_345] : memref<5x80x16xf32, #tpu.memory_space<vmem>> -> memref<1x80x16xf32, #tpu.memory_space<vmem>>
        %dma_wait3A_347 = tpu.memref_squeeze %dma_wait3A_346 : memref<1x80x16xf32, #tpu.memory_space<vmem>> -> memref<80x16xf32, #tpu.memory_space<vmem>>
        %dma_wait3A_348 = arith.constant 0 : i32
        %dma_wait3A_349 = tpu.memref_slice %arg7[%add3A_216, %dma_wait3A_348] : memref<125x80xi32, #tpu.memory_space<vmem>> -> memref<1x80xi32, #tpu.memory_space<vmem>>
        %dma_wait3A_350 = tpu.memref_squeeze %dma_wait3A_349 : memref<1x80xi32, #tpu.memory_space<vmem>> -> memref<80xi32, #tpu.memory_space<vmem>>
        %dma_wait3A_351 = arith.constant 0 : i32
        %dma_wait3A_352 = arith.constant 0 : i32
        %dma_wait3A_353 = tpu.memref_slice %arg10[%dma_wait3A_351, %dma_wait3A_352] : memref<10240x16xf32, #tpu.memory_space<vmem_shared>> -> memref<10240x16xf32, #tpu.memory_space<vmem_shared>>
        tpu.wait_indirect_dma semaphore(%run_scoped3A_333 : memref<!tpu.dma_semaphore, #tpu.memory_space<semaphore_mem>>) src(%dma_wait3A_347 : memref<80x16xf32, #tpu.memory_space<vmem>>) dst(%dma_wait3A_353 : memref<10240x16xf32, #tpu.memory_space<vmem_shared>>)
        tpu.yield
      }) : () -> ()
      %add3A_218 = arith.constant 1 : i32
      %add3A_219 = arith.addi %mul3A_166, %add3A_218 : i32
      %add3A_220 = arith.constant 5 : i32
      %add3A_221 = arith.addi %add3A_219, %add3A_220 : i32
      %dma_start3A_222 = arith.constant 1 : i32
      %dma_start3A_223 = arith.constant 0 : i32
      %dma_start3A_224 = arith.constant 0 : i32
      %dma_start3A_225 = tpu.memref_slice %arg8[%dma_start3A_222, %dma_start3A_223, %dma_start3A_224] : memref<5x80x16xf32, #tpu.memory_space<vmem>> -> memref<1x80x16xf32, #tpu.memory_space<vmem>>
      %dma_start3A_226 = tpu.memref_squeeze %dma_start3A_225 : memref<1x80x16xf32, #tpu.memory_space<vmem>> -> memref<80x16xf32, #tpu.memory_space<vmem>>
      %dma_start3A_227 = arith.constant 0 : i32
      %dma_start3A_228 = tpu.memref_slice %arg6[%add3A_221, %dma_start3A_227] : memref<125x80xi32, #tpu.memory_space<vmem>> -> memref<1x80xi32, #tpu.memory_space<vmem>>
      %dma_start3A_229 = tpu.memref_squeeze %dma_start3A_228 : memref<1x80xi32, #tpu.memory_space<vmem>> -> memref<80xi32, #tpu.memory_space<vmem>>
      %dma_start3A_230 = arith.constant 0 : i32
      %dma_start3A_231 = arith.constant 0 : i32
      %dma_start3A_232 = tpu.memref_slice %arg2[%dma_start3A_230, %dma_start3A_231] : memref<10000x16xf32, #tpu.memory_space<hbm>> -> memref<10000x16xf32, #tpu.memory_space<hbm>>
      tpu.enqueue_indirect_dma source(%dma_start3A_232 : memref<10000x16xf32, #tpu.memory_space<hbm>>) target(%dma_start3A_226 : memref<80x16xf32, #tpu.memory_space<vmem>>) offsets(%dma_start3A_229 : memref<80xi32, #tpu.memory_space<vmem>>) semaphore(%arg12 : memref<!tpu.dma_semaphore, #tpu.memory_space<semaphore_mem>>)
      %dma_wait3A_233 = arith.constant 2 : i32
      %dma_wait3A_234 = arith.constant 0 : i32
      %dma_wait3A_235 = arith.constant 0 : i32
      %dma_wait3A_236 = tpu.memref_slice %arg8[%dma_wait3A_233, %dma_wait3A_234, %dma_wait3A_235] : memref<5x80x16xf32, #tpu.memory_space<vmem>> -> memref<1x80x16xf32, #tpu.memory_space<vmem>>
      %dma_wait3A_237 = tpu.memref_squeeze %dma_wait3A_236 : memref<1x80x16xf32, #tpu.memory_space<vmem>> -> memref<80x16xf32, #tpu.memory_space<vmem>>
      %dma_wait3A_238 = arith.constant 0 : i32
      %dma_wait3A_239 = arith.constant 0 : i32
      %dma_wait3A_240 = tpu.memref_slice %arg2[%dma_wait3A_238, %dma_wait3A_239] : memref<10000x16xf32, #tpu.memory_space<hbm>> -> memref<80x16xf32, #tpu.memory_space<hbm>>
      %dma_wait3A_241 = arith.constant 0 : i32
      %dma_wait3A_242 = arith.constant 0 : i32
      %dma_wait3A_243 = tpu.memref_slice %arg8[%dma_wait3A_233, %dma_wait3A_241, %dma_wait3A_242] : memref<5x80x16xf32, #tpu.memory_space<vmem>> -> memref<1x80x16xf32, #tpu.memory_space<vmem>>
      %dma_wait3A_244 = tpu.memref_squeeze %dma_wait3A_243 : memref<1x80x16xf32, #tpu.memory_space<vmem>> -> memref<80x16xf32, #tpu.memory_space<vmem>>
      %dma_wait3A_245 = arith.constant 0 : i32
      %dma_wait3A_246 = arith.constant 0 : i32
      %dma_wait3A_247 = tpu.memref_slice %arg2[%dma_wait3A_245, %dma_wait3A_246] : memref<10000x16xf32, #tpu.memory_space<hbm>> -> memref<80x16xf32, #tpu.memory_space<hbm>>
      tpu.wait_dma2 semaphore(%arg13 : memref<!tpu.dma_semaphore, #tpu.memory_space<semaphore_mem>>) src(%dma_wait3A_247 : memref<80x16xf32, #tpu.memory_space<hbm>>) dst(%dma_wait3A_244 : memref<80x16xf32, #tpu.memory_space<vmem>>)
      %add3A_248 = arith.constant 2 : i32
      %add3A_249 = arith.addi %mul3A_166, %add3A_248 : i32
      %run_scoped3A_250 = arith.constant 2 : i32
      "tpu.region"() ({
        %run_scoped3A_333 = tpu.sem_alloc : memref<!tpu.dma_semaphore, #tpu.memory_space<semaphore_mem>>
        %dma_start3A_334 = arith.constant 0 : i32
        %dma_start3A_335 = arith.constant 0 : i32
        %dma_start3A_336 = tpu.memref_slice %arg8[%run_scoped3A_250, %dma_start3A_334, %dma_start3A_335] : memref<5x80x16xf32, #tpu.memory_space<vmem>> -> memref<1x80x16xf32, #tpu.memory_space<vmem>>
        %dma_start3A_337 = tpu.memref_squeeze %dma_start3A_336 : memref<1x80x16xf32, #tpu.memory_space<vmem>> -> memref<80x16xf32, #tpu.memory_space<vmem>>
        %dma_start3A_338 = arith.constant 0 : i32
        %dma_start3A_339 = tpu.memref_slice %arg7[%add3A_249, %dma_start3A_338] : memref<125x80xi32, #tpu.memory_space<vmem>> -> memref<1x80xi32, #tpu.memory_space<vmem>>
        %dma_start3A_340 = tpu.memref_squeeze %dma_start3A_339 : memref<1x80xi32, #tpu.memory_space<vmem>> -> memref<80xi32, #tpu.memory_space<vmem>>
        %dma_start3A_341 = arith.constant 0 : i32
        %dma_start3A_342 = arith.constant 0 : i32
        %dma_start3A_343 = tpu.memref_slice %arg10[%dma_start3A_341, %dma_start3A_342] : memref<10240x16xf32, #tpu.memory_space<vmem_shared>> -> memref<10240x16xf32, #tpu.memory_space<vmem_shared>>
        tpu.enqueue_indirect_dma source(%dma_start3A_337 : memref<80x16xf32, #tpu.memory_space<vmem>>) target(%dma_start3A_343 : memref<10240x16xf32, #tpu.memory_space<vmem_shared>>) offsets(%dma_start3A_340 : memref<80xi32, #tpu.memory_space<vmem>>) semaphore(%run_scoped3A_333 : memref<!tpu.dma_semaphore, #tpu.memory_space<semaphore_mem>>) {add = true}
        %dma_wait3A_344 = arith.constant 0 : i32
        %dma_wait3A_345 = arith.constant 0 : i32
        %dma_wait3A_346 = tpu.memref_slice %arg8[%run_scoped3A_250, %dma_wait3A_344, %dma_wait3A_345] : memref<5x80x16xf32, #tpu.memory_space<vmem>> -> memref<1x80x16xf32, #tpu.memory_space<vmem>>
        %dma_wait3A_347 = tpu.memref_squeeze %dma_wait3A_346 : memref<1x80x16xf32, #tpu.memory_space<vmem>> -> memref<80x16xf32, #tpu.memory_space<vmem>>
        %dma_wait3A_348 = arith.constant 0 : i32
        %dma_wait3A_349 = tpu.memref_slice %arg7[%add3A_249, %dma_wait3A_348] : memref<125x80xi32, #tpu.memory_space<vmem>> -> memref<1x80xi32, #tpu.memory_space<vmem>>
        %dma_wait3A_350 = tpu.memref_squeeze %dma_wait3A_349 : memref<1x80xi32, #tpu.memory_space<vmem>> -> memref<80xi32, #tpu.memory_space<vmem>>
        %dma_wait3A_351 = arith.constant 0 : i32
        %dma_wait3A_352 = arith.constant 0 : i32
        %dma_wait3A_353 = tpu.memref_slice %arg10[%dma_wait3A_351, %dma_wait3A_352] : memref<10240x16xf32, #tpu.memory_space<vmem_shared>> -> memref<10240x16xf32, #tpu.memory_space<vmem_shared>>
        tpu.wait_indirect_dma semaphore(%run_scoped3A_333 : memref<!tpu.dma_semaphore, #tpu.memory_space<semaphore_mem>>) src(%dma_wait3A_347 : memref<80x16xf32, #tpu.memory_space<vmem>>) dst(%dma_wait3A_353 : memref<10240x16xf32, #tpu.memory_space<vmem_shared>>)
        tpu.yield
      }) : () -> ()
      %add3A_251 = arith.constant 2 : i32
      %add3A_252 = arith.addi %mul3A_166, %add3A_251 : i32
      %add3A_253 = arith.constant 5 : i32
      %add3A_254 = arith.addi %add3A_252, %add3A_253 : i32
      %dma_start3A_255 = arith.constant 2 : i32
      %dma_start3A_256 = arith.constant 0 : i32
      %dma_start3A_257 = arith.constant 0 : i32
      %dma_start3A_258 = tpu.memref_slice %arg8[%dma_start3A_255, %dma_start3A_256, %dma_start3A_257] : memref<5x80x16xf32, #tpu.memory_space<vmem>> -> memref<1x80x16xf32, #tpu.memory_space<vmem>>
      %dma_start3A_259 = tpu.memref_squeeze %dma_start3A_258 : memref<1x80x16xf32, #tpu.memory_space<vmem>> -> memref<80x16xf32, #tpu.memory_space<vmem>>
      %dma_start3A_260 = arith.constant 0 : i32
      %dma_start3A_261 = tpu.memref_slice %arg6[%add3A_254, %dma_start3A_260] : memref<125x80xi32, #tpu.memory_space<vmem>> -> memref<1x80xi32, #tpu.memory_space<vmem>>
      %dma_start3A_262 = tpu.memref_squeeze %dma_start3A_261 : memref<1x80xi32, #tpu.memory_space<vmem>> -> memref<80xi32, #tpu.memory_space<vmem>>
      %dma_start3A_263 = arith.constant 0 : i32
      %dma_start3A_264 = arith.constant 0 : i32
      %dma_start3A_265 = tpu.memref_slice %arg2[%dma_start3A_263, %dma_start3A_264] : memref<10000x16xf32, #tpu.memory_space<hbm>> -> memref<10000x16xf32, #tpu.memory_space<hbm>>
      tpu.enqueue_indirect_dma source(%dma_start3A_265 : memref<10000x16xf32, #tpu.memory_space<hbm>>) target(%dma_start3A_259 : memref<80x16xf32, #tpu.memory_space<vmem>>) offsets(%dma_start3A_262 : memref<80xi32, #tpu.memory_space<vmem>>) semaphore(%arg13 : memref<!tpu.dma_semaphore, #tpu.memory_space<semaphore_mem>>)
      %dma_wait3A_266 = arith.constant 3 : i32
      %dma_wait3A_267 = arith.constant 0 : i32
      %dma_wait3A_268 = arith.constant 0 : i32
      %dma_wait3A_269 = tpu.memref_slice %arg8[%dma_wait3A_266, %dma_wait3A_267, %dma_wait3A_268] : memref<5x80x16xf32, #tpu.memory_space<vmem>> -> memref<1x80x16xf32, #tpu.memory_space<vmem>>
      %dma_wait3A_270 = tpu.memref_squeeze %dma_wait3A_269 : memref<1x80x16xf32, #tpu.memory_space<vmem>> -> memref<80x16xf32, #tpu.memory_space<vmem>>
      %dma_wait3A_271 = arith.constant 0 : i32
      %dma_wait3A_272 = arith.constant 0 : i32
      %dma_wait3A_273 = tpu.memref_slice %arg2[%dma_wait3A_271, %dma_wait3A_272] : memref<10000x16xf32, #tpu.memory_space<hbm>> -> memref<80x16xf32, #tpu.memory_space<hbm>>
      %dma_wait3A_274 = arith.constant 0 : i32
      %dma_wait3A_275 = arith.constant 0 : i32
      %dma_wait3A_276 = tpu.memref_slice %arg8[%dma_wait3A_266, %dma_wait3A_274, %dma_wait3A_275] : memref<5x80x16xf32, #tpu.memory_space<vmem>> -> memref<1x80x16xf32, #tpu.memory_space<vmem>>
      %dma_wait3A_277 = tpu.memref_squeeze %dma_wait3A_276 : memref<1x80x16xf32, #tpu.memory_space<vmem>> -> memref<80x16xf32, #tpu.memory_space<vmem>>
      %dma_wait3A_278 = arith.constant 0 : i32
      %dma_wait3A_279 = arith.constant 0 : i32
      %dma_wait3A_280 = tpu.memref_slice %arg2[%dma_wait3A_278, %dma_wait3A_279] : memref<10000x16xf32, #tpu.memory_space<hbm>> -> memref<80x16xf32, #tpu.memory_space<hbm>>
      tpu.wait_dma2 semaphore(%arg14 : memref<!tpu.dma_semaphore, #tpu.memory_space<semaphore_mem>>) src(%dma_wait3A_280 : memref<80x16xf32, #tpu.memory_space<hbm>>) dst(%dma_wait3A_277 : memref<80x16xf32, #tpu.memory_space<vmem>>)
      %add3A_281 = arith.constant 3 : i32
      %add3A_282 = arith.addi %mul3A_166, %add3A_281 : i32
      %run_scoped3A_283 = arith.constant 3 : i32
      "tpu.region"() ({
        %run_scoped3A_333 = tpu.sem_alloc : memref<!tpu.dma_semaphore, #tpu.memory_space<semaphore_mem>>
        %dma_start3A_334 = arith.constant 0 : i32
        %dma_start3A_335 = arith.constant 0 : i32
        %dma_start3A_336 = tpu.memref_slice %arg8[%run_scoped3A_283, %dma_start3A_334, %dma_start3A_335] : memref<5x80x16xf32, #tpu.memory_space<vmem>> -> memref<1x80x16xf32, #tpu.memory_space<vmem>>
        %dma_start3A_337 = tpu.memref_squeeze %dma_start3A_336 : memref<1x80x16xf32, #tpu.memory_space<vmem>> -> memref<80x16xf32, #tpu.memory_space<vmem>>
        %dma_start3A_338 = arith.constant 0 : i32
        %dma_start3A_339 = tpu.memref_slice %arg7[%add3A_282, %dma_start3A_338] : memref<125x80xi32, #tpu.memory_space<vmem>> -> memref<1x80xi32, #tpu.memory_space<vmem>>
        %dma_start3A_340 = tpu.memref_squeeze %dma_start3A_339 : memref<1x80xi32, #tpu.memory_space<vmem>> -> memref<80xi32, #tpu.memory_space<vmem>>
        %dma_start3A_341 = arith.constant 0 : i32
        %dma_start3A_342 = arith.constant 0 : i32
        %dma_start3A_343 = tpu.memref_slice %arg10[%dma_start3A_341, %dma_start3A_342] : memref<10240x16xf32, #tpu.memory_space<vmem_shared>> -> memref<10240x16xf32, #tpu.memory_space<vmem_shared>>
        tpu.enqueue_indirect_dma source(%dma_start3A_337 : memref<80x16xf32, #tpu.memory_space<vmem>>) target(%dma_start3A_343 : memref<10240x16xf32, #tpu.memory_space<vmem_shared>>) offsets(%dma_start3A_340 : memref<80xi32, #tpu.memory_space<vmem>>) semaphore(%run_scoped3A_333 : memref<!tpu.dma_semaphore, #tpu.memory_space<semaphore_mem>>) {add = true}
        %dma_wait3A_344 = arith.constant 0 : i32
        %dma_wait3A_345 = arith.constant 0 : i32
        %dma_wait3A_346 = tpu.memref_slice %arg8[%run_scoped3A_283, %dma_wait3A_344, %dma_wait3A_345] : memref<5x80x16xf32, #tpu.memory_space<vmem>> -> memref<1x80x16xf32, #tpu.memory_space<vmem>>
        %dma_wait3A_347 = tpu.memref_squeeze %dma_wait3A_346 : memref<1x80x16xf32, #tpu.memory_space<vmem>> -> memref<80x16xf32, #tpu.memory_space<vmem>>
        %dma_wait3A_348 = arith.constant 0 : i32
        %dma_wait3A_349 = tpu.memref_slice %arg7[%add3A_282, %dma_wait3A_348] : memref<125x80xi32, #tpu.memory_space<vmem>> -> memref<1x80xi32, #tpu.memory_space<vmem>>
        %dma_wait3A_350 = tpu.memref_squeeze %dma_wait3A_349 : memref<1x80xi32, #tpu.memory_space<vmem>> -> memref<80xi32, #tpu.memory_space<vmem>>
        %dma_wait3A_351 = arith.constant 0 : i32
        %dma_wait3A_352 = arith.constant 0 : i32
        %dma_wait3A_353 = tpu.memref_slice %arg10[%dma_wait3A_351, %dma_wait3A_352] : memref<10240x16xf32, #tpu.memory_space<vmem_shared>> -> memref<10240x16xf32, #tpu.memory_space<vmem_shared>>
        tpu.wait_indirect_dma semaphore(%run_scoped3A_333 : memref<!tpu.dma_semaphore, #tpu.memory_space<semaphore_mem>>) src(%dma_wait3A_347 : memref<80x16xf32, #tpu.memory_space<vmem>>) dst(%dma_wait3A_353 : memref<10240x16xf32, #tpu.memory_space<vmem_shared>>)
        tpu.yield
      }) : () -> ()
      %add3A_284 = arith.constant 3 : i32
      %add3A_285 = arith.addi %mul3A_166, %add3A_284 : i32
      %add3A_286 = arith.constant 5 : i32
      %add3A_287 = arith.addi %add3A_285, %add3A_286 : i32
      %dma_start3A_288 = arith.constant 3 : i32
      %dma_start3A_289 = arith.constant 0 : i32
      %dma_start3A_290 = arith.constant 0 : i32
      %dma_start3A_291 = tpu.memref_slice %arg8[%dma_start3A_288, %dma_start3A_289, %dma_start3A_290] : memref<5x80x16xf32, #tpu.memory_space<vmem>> -> memref<1x80x16xf32, #tpu.memory_space<vmem>>
      %dma_start3A_292 = tpu.memref_squeeze %dma_start3A_291 : memref<1x80x16xf32, #tpu.memory_space<vmem>> -> memref<80x16xf32, #tpu.memory_space<vmem>>
      %dma_start3A_293 = arith.constant 0 : i32
      %dma_start3A_294 = tpu.memref_slice %arg6[%add3A_287, %dma_start3A_293] : memref<125x80xi32, #tpu.memory_space<vmem>> -> memref<1x80xi32, #tpu.memory_space<vmem>>
      %dma_start3A_295 = tpu.memref_squeeze %dma_start3A_294 : memref<1x80xi32, #tpu.memory_space<vmem>> -> memref<80xi32, #tpu.memory_space<vmem>>
      %dma_start3A_296 = arith.constant 0 : i32
      %dma_start3A_297 = arith.constant 0 : i32
      %dma_start3A_298 = tpu.memref_slice %arg2[%dma_start3A_296, %dma_start3A_297] : memref<10000x16xf32, #tpu.memory_space<hbm>> -> memref<10000x16xf32, #tpu.memory_space<hbm>>
      tpu.enqueue_indirect_dma source(%dma_start3A_298 : memref<10000x16xf32, #tpu.memory_space<hbm>>) target(%dma_start3A_292 : memref<80x16xf32, #tpu.memory_space<vmem>>) offsets(%dma_start3A_295 : memref<80xi32, #tpu.memory_space<vmem>>) semaphore(%arg14 : memref<!tpu.dma_semaphore, #tpu.memory_space<semaphore_mem>>)
      %dma_wait3A_299 = arith.constant 4 : i32
      %dma_wait3A_300 = arith.constant 0 : i32
      %dma_wait3A_301 = arith.constant 0 : i32
      %dma_wait3A_302 = tpu.memref_slice %arg8[%dma_wait3A_299, %dma_wait3A_300, %dma_wait3A_301] : memref<5x80x16xf32, #tpu.memory_space<vmem>> -> memref<1x80x16xf32, #tpu.memory_space<vmem>>
      %dma_wait3A_303 = tpu.memref_squeeze %dma_wait3A_302 : memref<1x80x16xf32, #tpu.memory_space<vmem>> -> memref<80x16xf32, #tpu.memory_space<vmem>>
      %dma_wait3A_304 = arith.constant 0 : i32
      %dma_wait3A_305 = arith.constant 0 : i32
      %dma_wait3A_306 = tpu.memref_slice %arg2[%dma_wait3A_304, %dma_wait3A_305] : memref<10000x16xf32, #tpu.memory_space<hbm>> -> memref<80x16xf32, #tpu.memory_space<hbm>>
      %dma_wait3A_307 = arith.constant 0 : i32
      %dma_wait3A_308 = arith.constant 0 : i32
      %dma_wait3A_309 = tpu.memref_slice %arg8[%dma_wait3A_299, %dma_wait3A_307, %dma_wait3A_308] : memref<5x80x16xf32, #tpu.memory_space<vmem>> -> memref<1x80x16xf32, #tpu.memory_space<vmem>>
      %dma_wait3A_310 = tpu.memref_squeeze %dma_wait3A_309 : memref<1x80x16xf32, #tpu.memory_space<vmem>> -> memref<80x16xf32, #tpu.memory_space<vmem>>
      %dma_wait3A_311 = arith.constant 0 : i32
      %dma_wait3A_312 = arith.constant 0 : i32
      %dma_wait3A_313 = tpu.memref_slice %arg2[%dma_wait3A_311, %dma_wait3A_312] : memref<10000x16xf32, #tpu.memory_space<hbm>> -> memref<80x16xf32, #tpu.memory_space<hbm>>
      tpu.wait_dma2 semaphore(%arg15 : memref<!tpu.dma_semaphore, #tpu.memory_space<semaphore_mem>>) src(%dma_wait3A_313 : memref<80x16xf32, #tpu.memory_space<hbm>>) dst(%dma_wait3A_310 : memref<80x16xf32, #tpu.memory_space<vmem>>)
      %add3A_314 = arith.constant 4 : i32
      %add3A_315 = arith.addi %mul3A_166, %add3A_314 : i32
      %run_scoped3A_316 = arith.constant 4 : i32
      "tpu.region"() ({
        %run_scoped3A_333 = tpu.sem_alloc : memref<!tpu.dma_semaphore, #tpu.memory_space<semaphore_mem>>
        %dma_start3A_334 = arith.constant 0 : i32
        %dma_start3A_335 = arith.constant 0 : i32
        %dma_start3A_336 = tpu.memref_slice %arg8[%run_scoped3A_316, %dma_start3A_334, %dma_start3A_335] : memref<5x80x16xf32, #tpu.memory_space<vmem>> -> memref<1x80x16xf32, #tpu.memory_space<vmem>>
        %dma_start3A_337 = tpu.memref_squeeze %dma_start3A_336 : memref<1x80x16xf32, #tpu.memory_space<vmem>> -> memref<80x16xf32, #tpu.memory_space<vmem>>
        %dma_start3A_338 = arith.constant 0 : i32
        %dma_start3A_339 = tpu.memref_slice %arg7[%add3A_315, %dma_start3A_338] : memref<125x80xi32, #tpu.memory_space<vmem>> -> memref<1x80xi32, #tpu.memory_space<vmem>>
        %dma_start3A_340 = tpu.memref_squeeze %dma_start3A_339 : memref<1x80xi32, #tpu.memory_space<vmem>> -> memref<80xi32, #tpu.memory_space<vmem>>
        %dma_start3A_341 = arith.constant 0 : i32
        %dma_start3A_342 = arith.constant 0 : i32
        %dma_start3A_343 = tpu.memref_slice %arg10[%dma_start3A_341, %dma_start3A_342] : memref<10240x16xf32, #tpu.memory_space<vmem_shared>> -> memref<10240x16xf32, #tpu.memory_space<vmem_shared>>
        tpu.enqueue_indirect_dma source(%dma_start3A_337 : memref<80x16xf32, #tpu.memory_space<vmem>>) target(%dma_start3A_343 : memref<10240x16xf32, #tpu.memory_space<vmem_shared>>) offsets(%dma_start3A_340 : memref<80xi32, #tpu.memory_space<vmem>>) semaphore(%run_scoped3A_333 : memref<!tpu.dma_semaphore, #tpu.memory_space<semaphore_mem>>) {add = true}
        %dma_wait3A_344 = arith.constant 0 : i32
        %dma_wait3A_345 = arith.constant 0 : i32
        %dma_wait3A_346 = tpu.memref_slice %arg8[%run_scoped3A_316, %dma_wait3A_344, %dma_wait3A_345] : memref<5x80x16xf32, #tpu.memory_space<vmem>> -> memref<1x80x16xf32, #tpu.memory_space<vmem>>
        %dma_wait3A_347 = tpu.memref_squeeze %dma_wait3A_346 : memref<1x80x16xf32, #tpu.memory_space<vmem>> -> memref<80x16xf32, #tpu.memory_space<vmem>>
        %dma_wait3A_348 = arith.constant 0 : i32
        %dma_wait3A_349 = tpu.memref_slice %arg7[%add3A_315, %dma_wait3A_348] : memref<125x80xi32, #tpu.memory_space<vmem>> -> memref<1x80xi32, #tpu.memory_space<vmem>>
        %dma_wait3A_350 = tpu.memref_squeeze %dma_wait3A_349 : memref<1x80xi32, #tpu.memory_space<vmem>> -> memref<80xi32, #tpu.memory_space<vmem>>
        %dma_wait3A_351 = arith.constant 0 : i32
        %dma_wait3A_352 = arith.constant 0 : i32
        %dma_wait3A_353 = tpu.memref_slice %arg10[%dma_wait3A_351, %dma_wait3A_352] : memref<10240x16xf32, #tpu.memory_space<vmem_shared>> -> memref<10240x16xf32, #tpu.memory_space<vmem_shared>>
        tpu.wait_indirect_dma semaphore(%run_scoped3A_333 : memref<!tpu.dma_semaphore, #tpu.memory_space<semaphore_mem>>) src(%dma_wait3A_347 : memref<80x16xf32, #tpu.memory_space<vmem>>) dst(%dma_wait3A_353 : memref<10240x16xf32, #tpu.memory_space<vmem_shared>>)
        tpu.yield
      }) : () -> ()
      %add3A_317 = arith.constant 4 : i32
      %add3A_318 = arith.addi %mul3A_166, %add3A_317 : i32
      %add3A_319 = arith.constant 5 : i32
      %add3A_320 = arith.addi %add3A_318, %add3A_319 : i32
      %dma_start3A_321 = arith.constant 4 : i32
      %dma_start3A_322 = arith.constant 0 : i32
      %dma_start3A_323 = arith.constant 0 : i32
      %dma_start3A_324 = tpu.memref_slice %arg8[%dma_start3A_321, %dma_start3A_322, %dma_start3A_323] : memref<5x80x16xf32, #tpu.memory_space<vmem>> -> memref<1x80x16xf32, #tpu.memory_space<vmem>>
      %dma_start3A_325 = tpu.memref_squeeze %dma_start3A_324 : memref<1x80x16xf32, #tpu.memory_space<vmem>> -> memref<80x16xf32, #tpu.memory_space<vmem>>
      %dma_start3A_326 = arith.constant 0 : i32
      %dma_start3A_327 = tpu.memref_slice %arg6[%add3A_320, %dma_start3A_326] : memref<125x80xi32, #tpu.memory_space<vmem>> -> memref<1x80xi32, #tpu.memory_space<vmem>>
      %dma_start3A_328 = tpu.memref_squeeze %dma_start3A_327 : memref<1x80xi32, #tpu.memory_space<vmem>> -> memref<80xi32, #tpu.memory_space<vmem>>
      %dma_start3A_329 = arith.constant 0 : i32
      %dma_start3A_330 = arith.constant 0 : i32
      %dma_start3A_331 = tpu.memref_slice %arg2[%dma_start3A_329, %dma_start3A_330] : memref<10000x16xf32, #tpu.memory_space<hbm>> -> memref<10000x16xf32, #tpu.memory_space<hbm>>
      tpu.enqueue_indirect_dma source(%dma_start3A_331 : memref<10000x16xf32, #tpu.memory_space<hbm>>) target(%dma_start3A_325 : memref<80x16xf32, #tpu.memory_space<vmem>>) offsets(%dma_start3A_328 : memref<80xi32, #tpu.memory_space<vmem>>) semaphore(%arg15 : memref<!tpu.dma_semaphore, #tpu.memory_space<semaphore_mem>>)
      %scan3A_332 = arith.constant 0 : i32
      scf.yield %scan3A_332 : i32
    }
    %scan3A_74 = arith.constant 24 : i32
    %dma_wait3A = arith.constant 0 : i32
    %dma_wait3A_75 = arith.constant 0 : i32
    %dma_wait3A_76 = arith.constant 0 : i32
    %dma_wait3A_77 = tpu.memref_slice %arg8[%dma_wait3A, %dma_wait3A_75, %dma_wait3A_76] : memref<5x80x16xf32, #tpu.memory_space<vmem>> -> memref<1x80x16xf32, #tpu.memory_space<vmem>>
    %dma_wait3A_78 = tpu.memref_squeeze %dma_wait3A_77 : memref<1x80x16xf32, #tpu.memory_space<vmem>> -> memref<80x16xf32, #tpu.memory_space<vmem>>
    %dma_wait3A_79 = arith.constant 0 : i32
    %dma_wait3A_80 = arith.constant 0 : i32
    %dma_wait3A_81 = tpu.memref_slice %arg2[%dma_wait3A_79, %dma_wait3A_80] : memref<10000x16xf32, #tpu.memory_space<hbm>> -> memref<80x16xf32, #tpu.memory_space<hbm>>
    %dma_wait3A_82 = arith.constant 0 : i32
    %dma_wait3A_83 = arith.constant 0 : i32
    %dma_wait3A_84 = tpu.memref_slice %arg8[%dma_wait3A, %dma_wait3A_82, %dma_wait3A_83] : memref<5x80x16xf32, #tpu.memory_space<vmem>> -> memref<1x80x16xf32, #tpu.memory_space<vmem>>
    %dma_wait3A_85 = tpu.memref_squeeze %dma_wait3A_84 : memref<1x80x16xf32, #tpu.memory_space<vmem>> -> memref<80x16xf32, #tpu.memory_space<vmem>>
    %dma_wait3A_86 = arith.constant 0 : i32
    %dma_wait3A_87 = arith.constant 0 : i32
    %dma_wait3A_88 = tpu.memref_slice %arg2[%dma_wait3A_86, %dma_wait3A_87] : memref<10000x16xf32, #tpu.memory_space<hbm>> -> memref<80x16xf32, #tpu.memory_space<hbm>>
    tpu.wait_dma2 semaphore(%arg11 : memref<!tpu.dma_semaphore, #tpu.memory_space<semaphore_mem>>) src(%dma_wait3A_88 : memref<80x16xf32, #tpu.memory_space<hbm>>) dst(%dma_wait3A_85 : memref<80x16xf32, #tpu.memory_space<vmem>>)
    %run_scoped3A = arith.constant 0 : i32
    %run_scoped3A_89 = arith.constant 120 : i32
    "tpu.region"() ({
      %run_scoped3A_163 = tpu.sem_alloc : memref<!tpu.dma_semaphore, #tpu.memory_space<semaphore_mem>>
      %dma_start3A_164 = arith.constant 0 : i32
      %dma_start3A_165 = arith.constant 0 : i32
      %dma_start3A_166 = tpu.memref_slice %arg8[%run_scoped3A, %dma_start3A_164, %dma_start3A_165] : memref<5x80x16xf32, #tpu.memory_space<vmem>> -> memref<1x80x16xf32, #tpu.memory_space<vmem>>
      %dma_start3A_167 = tpu.memref_squeeze %dma_start3A_166 : memref<1x80x16xf32, #tpu.memory_space<vmem>> -> memref<80x16xf32, #tpu.memory_space<vmem>>
      %dma_start3A_168 = arith.constant 0 : i32
      %dma_start3A_169 = tpu.memref_slice %arg7[%run_scoped3A_89, %dma_start3A_168] : memref<125x80xi32, #tpu.memory_space<vmem>> -> memref<1x80xi32, #tpu.memory_space<vmem>>
      %dma_start3A_170 = tpu.memref_squeeze %dma_start3A_169 : memref<1x80xi32, #tpu.memory_space<vmem>> -> memref<80xi32, #tpu.memory_space<vmem>>
      %dma_start3A_171 = arith.constant 0 : i32
      %dma_start3A_172 = arith.constant 0 : i32
      %dma_start3A_173 = tpu.memref_slice %arg10[%dma_start3A_171, %dma_start3A_172] : memref<10240x16xf32, #tpu.memory_space<vmem_shared>> -> memref<10240x16xf32, #tpu.memory_space<vmem_shared>>
      tpu.enqueue_indirect_dma source(%dma_start3A_167 : memref<80x16xf32, #tpu.memory_space<vmem>>) target(%dma_start3A_173 : memref<10240x16xf32, #tpu.memory_space<vmem_shared>>) offsets(%dma_start3A_170 : memref<80xi32, #tpu.memory_space<vmem>>) semaphore(%run_scoped3A_163 : memref<!tpu.dma_semaphore, #tpu.memory_space<semaphore_mem>>) {add = true}
      %dma_wait3A_174 = arith.constant 0 : i32
      %dma_wait3A_175 = arith.constant 0 : i32
      %dma_wait3A_176 = tpu.memref_slice %arg8[%run_scoped3A, %dma_wait3A_174, %dma_wait3A_175] : memref<5x80x16xf32, #tpu.memory_space<vmem>> -> memref<1x80x16xf32, #tpu.memory_space<vmem>>
      %dma_wait3A_177 = tpu.memref_squeeze %dma_wait3A_176 : memref<1x80x16xf32, #tpu.memory_space<vmem>> -> memref<80x16xf32, #tpu.memory_space<vmem>>
      %dma_wait3A_178 = arith.constant 0 : i32
      %dma_wait3A_179 = tpu.memref_slice %arg7[%run_scoped3A_89, %dma_wait3A_178] : memref<125x80xi32, #tpu.memory_space<vmem>> -> memref<1x80xi32, #tpu.memory_space<vmem>>
      %dma_wait3A_180 = tpu.memref_squeeze %dma_wait3A_179 : memref<1x80xi32, #tpu.memory_space<vmem>> -> memref<80xi32, #tpu.memory_space<vmem>>
      %dma_wait3A_181 = arith.constant 0 : i32
      %dma_wait3A_182 = arith.constant 0 : i32
      %dma_wait3A_183 = tpu.memref_slice %arg10[%dma_wait3A_181, %dma_wait3A_182] : memref<10240x16xf32, #tpu.memory_space<vmem_shared>> -> memref<10240x16xf32, #tpu.memory_space<vmem_shared>>
      tpu.wait_indirect_dma semaphore(%run_scoped3A_163 : memref<!tpu.dma_semaphore, #tpu.memory_space<semaphore_mem>>) src(%dma_wait3A_177 : memref<80x16xf32, #tpu.memory_space<vmem>>) dst(%dma_wait3A_183 : memref<10240x16xf32, #tpu.memory_space<vmem_shared>>)
      tpu.yield
    }) : () -> ()
    %dma_wait3A_90 = arith.constant 1 : i32
    %dma_wait3A_91 = arith.constant 0 : i32
    %dma_wait3A_92 = arith.constant 0 : i32
    %dma_wait3A_93 = tpu.memref_slice %arg8[%dma_wait3A_90, %dma_wait3A_91, %dma_wait3A_92] : memref<5x80x16xf32, #tpu.memory_space<vmem>> -> memref<1x80x16xf32, #tpu.memory_space<vmem>>
    %dma_wait3A_94 = tpu.memref_squeeze %dma_wait3A_93 : memref<1x80x16xf32, #tpu.memory_space<vmem>> -> memref<80x16xf32, #tpu.memory_space<vmem>>
    %dma_wait3A_95 = arith.constant 0 : i32
    %dma_wait3A_96 = arith.constant 0 : i32
    %dma_wait3A_97 = tpu.memref_slice %arg2[%dma_wait3A_95, %dma_wait3A_96] : memref<10000x16xf32, #tpu.memory_space<hbm>> -> memref<80x16xf32, #tpu.memory_space<hbm>>
    %dma_wait3A_98 = arith.constant 0 : i32
    %dma_wait3A_99 = arith.constant 0 : i32
    %dma_wait3A_100 = tpu.memref_slice %arg8[%dma_wait3A_90, %dma_wait3A_98, %dma_wait3A_99] : memref<5x80x16xf32, #tpu.memory_space<vmem>> -> memref<1x80x16xf32, #tpu.memory_space<vmem>>
    %dma_wait3A_101 = tpu.memref_squeeze %dma_wait3A_100 : memref<1x80x16xf32, #tpu.memory_space<vmem>> -> memref<80x16xf32, #tpu.memory_space<vmem>>
    %dma_wait3A_102 = arith.constant 0 : i32
    %dma_wait3A_103 = arith.constant 0 : i32
    %dma_wait3A_104 = tpu.memref_slice %arg2[%dma_wait3A_102, %dma_wait3A_103] : memref<10000x16xf32, #tpu.memory_space<hbm>> -> memref<80x16xf32, #tpu.memory_space<hbm>>
    tpu.wait_dma2 semaphore(%arg12 : memref<!tpu.dma_semaphore, #tpu.memory_space<semaphore_mem>>) src(%dma_wait3A_104 : memref<80x16xf32, #tpu.memory_space<hbm>>) dst(%dma_wait3A_101 : memref<80x16xf32, #tpu.memory_space<vmem>>)
    %run_scoped3A_105 = arith.constant 1 : i32
    %run_scoped3A_106 = arith.constant 121 : i32
    "tpu.region"() ({
      %run_scoped3A_163 = tpu.sem_alloc : memref<!tpu.dma_semaphore, #tpu.memory_space<semaphore_mem>>
      %dma_start3A_164 = arith.constant 0 : i32
      %dma_start3A_165 = arith.constant 0 : i32
      %dma_start3A_166 = tpu.memref_slice %arg8[%run_scoped3A_105, %dma_start3A_164, %dma_start3A_165] : memref<5x80x16xf32, #tpu.memory_space<vmem>> -> memref<1x80x16xf32, #tpu.memory_space<vmem>>
      %dma_start3A_167 = tpu.memref_squeeze %dma_start3A_166 : memref<1x80x16xf32, #tpu.memory_space<vmem>> -> memref<80x16xf32, #tpu.memory_space<vmem>>
      %dma_start3A_168 = arith.constant 0 : i32
      %dma_start3A_169 = tpu.memref_slice %arg7[%run_scoped3A_106, %dma_start3A_168] : memref<125x80xi32, #tpu.memory_space<vmem>> -> memref<1x80xi32, #tpu.memory_space<vmem>>
      %dma_start3A_170 = tpu.memref_squeeze %dma_start3A_169 : memref<1x80xi32, #tpu.memory_space<vmem>> -> memref<80xi32, #tpu.memory_space<vmem>>
      %dma_start3A_171 = arith.constant 0 : i32
      %dma_start3A_172 = arith.constant 0 : i32
      %dma_start3A_173 = tpu.memref_slice %arg10[%dma_start3A_171, %dma_start3A_172] : memref<10240x16xf32, #tpu.memory_space<vmem_shared>> -> memref<10240x16xf32, #tpu.memory_space<vmem_shared>>
      tpu.enqueue_indirect_dma source(%dma_start3A_167 : memref<80x16xf32, #tpu.memory_space<vmem>>) target(%dma_start3A_173 : memref<10240x16xf32, #tpu.memory_space<vmem_shared>>) offsets(%dma_start3A_170 : memref<80xi32, #tpu.memory_space<vmem>>) semaphore(%run_scoped3A_163 : memref<!tpu.dma_semaphore, #tpu.memory_space<semaphore_mem>>) {add = true}
      %dma_wait3A_174 = arith.constant 0 : i32
      %dma_wait3A_175 = arith.constant 0 : i32
      %dma_wait3A_176 = tpu.memref_slice %arg8[%run_scoped3A_105, %dma_wait3A_174, %dma_wait3A_175] : memref<5x80x16xf32, #tpu.memory_space<vmem>> -> memref<1x80x16xf32, #tpu.memory_space<vmem>>
      %dma_wait3A_177 = tpu.memref_squeeze %dma_wait3A_176 : memref<1x80x16xf32, #tpu.memory_space<vmem>> -> memref<80x16xf32, #tpu.memory_space<vmem>>
      %dma_wait3A_178 = arith.constant 0 : i32
      %dma_wait3A_179 = tpu.memref_slice %arg7[%run_scoped3A_106, %dma_wait3A_178] : memref<125x80xi32, #tpu.memory_space<vmem>> -> memref<1x80xi32, #tpu.memory_space<vmem>>
      %dma_wait3A_180 = tpu.memref_squeeze %dma_wait3A_179 : memref<1x80xi32, #tpu.memory_space<vmem>> -> memref<80xi32, #tpu.memory_space<vmem>>
      %dma_wait3A_181 = arith.constant 0 : i32
      %dma_wait3A_182 = arith.constant 0 : i32
      %dma_wait3A_183 = tpu.memref_slice %arg10[%dma_wait3A_181, %dma_wait3A_182] : memref<10240x16xf32, #tpu.memory_space<vmem_shared>> -> memref<10240x16xf32, #tpu.memory_space<vmem_shared>>
      tpu.wait_indirect_dma semaphore(%run_scoped3A_163 : memref<!tpu.dma_semaphore, #tpu.memory_space<semaphore_mem>>) src(%dma_wait3A_177 : memref<80x16xf32, #tpu.memory_space<vmem>>) dst(%dma_wait3A_183 : memref<10240x16xf32, #tpu.memory_space<vmem_shared>>)
      tpu.yield
    }) : () -> ()
    %dma_wait3A_107 = arith.constant 2 : i32
    %dma_wait3A_108 = arith.constant 0 : i32
    %dma_wait3A_109 = arith.constant 0 : i32
    %dma_wait3A_110 = tpu.memref_slice %arg8[%dma_wait3A_107, %dma_wait3A_108, %dma_wait3A_109] : memref<5x80x16xf32, #tpu.memory_space<vmem>> -> memref<1x80x16xf32, #tpu.memory_space<vmem>>
    %dma_wait3A_111 = tpu.memref_squeeze %dma_wait3A_110 : memref<1x80x16xf32, #tpu.memory_space<vmem>> -> memref<80x16xf32, #tpu.memory_space<vmem>>
    %dma_wait3A_112 = arith.constant 0 : i32
    %dma_wait3A_113 = arith.constant 0 : i32
    %dma_wait3A_114 = tpu.memref_slice %arg2[%dma_wait3A_112, %dma_wait3A_113] : memref<10000x16xf32, #tpu.memory_space<hbm>> -> memref<80x16xf32, #tpu.memory_space<hbm>>
    %dma_wait3A_115 = arith.constant 0 : i32
    %dma_wait3A_116 = arith.constant 0 : i32
    %dma_wait3A_117 = tpu.memref_slice %arg8[%dma_wait3A_107, %dma_wait3A_115, %dma_wait3A_116] : memref<5x80x16xf32, #tpu.memory_space<vmem>> -> memref<1x80x16xf32, #tpu.memory_space<vmem>>
    %dma_wait3A_118 = tpu.memref_squeeze %dma_wait3A_117 : memref<1x80x16xf32, #tpu.memory_space<vmem>> -> memref<80x16xf32, #tpu.memory_space<vmem>>
    %dma_wait3A_119 = arith.constant 0 : i32
    %dma_wait3A_120 = arith.constant 0 : i32
    %dma_wait3A_121 = tpu.memref_slice %arg2[%dma_wait3A_119, %dma_wait3A_120] : memref<10000x16xf32, #tpu.memory_space<hbm>> -> memref<80x16xf32, #tpu.memory_space<hbm>>
    tpu.wait_dma2 semaphore(%arg13 : memref<!tpu.dma_semaphore, #tpu.memory_space<semaphore_mem>>) src(%dma_wait3A_121 : memref<80x16xf32, #tpu.memory_space<hbm>>) dst(%dma_wait3A_118 : memref<80x16xf32, #tpu.memory_space<vmem>>)
    %run_scoped3A_122 = arith.constant 2 : i32
    %run_scoped3A_123 = arith.constant 122 : i32
    "tpu.region"() ({
      %run_scoped3A_163 = tpu.sem_alloc : memref<!tpu.dma_semaphore, #tpu.memory_space<semaphore_mem>>
      %dma_start3A_164 = arith.constant 0 : i32
      %dma_start3A_165 = arith.constant 0 : i32
      %dma_start3A_166 = tpu.memref_slice %arg8[%run_scoped3A_122, %dma_start3A_164, %dma_start3A_165] : memref<5x80x16xf32, #tpu.memory_space<vmem>> -> memref<1x80x16xf32, #tpu.memory_space<vmem>>
      %dma_start3A_167 = tpu.memref_squeeze %dma_start3A_166 : memref<1x80x16xf32, #tpu.memory_space<vmem>> -> memref<80x16xf32, #tpu.memory_space<vmem>>
      %dma_start3A_168 = arith.constant 0 : i32
      %dma_start3A_169 = tpu.memref_slice %arg7[%run_scoped3A_123, %dma_start3A_168] : memref<125x80xi32, #tpu.memory_space<vmem>> -> memref<1x80xi32, #tpu.memory_space<vmem>>
      %dma_start3A_170 = tpu.memref_squeeze %dma_start3A_169 : memref<1x80xi32, #tpu.memory_space<vmem>> -> memref<80xi32, #tpu.memory_space<vmem>>
      %dma_start3A_171 = arith.constant 0 : i32
      %dma_start3A_172 = arith.constant 0 : i32
      %dma_start3A_173 = tpu.memref_slice %arg10[%dma_start3A_171, %dma_start3A_172] : memref<10240x16xf32, #tpu.memory_space<vmem_shared>> -> memref<10240x16xf32, #tpu.memory_space<vmem_shared>>
      tpu.enqueue_indirect_dma source(%dma_start3A_167 : memref<80x16xf32, #tpu.memory_space<vmem>>) target(%dma_start3A_173 : memref<10240x16xf32, #tpu.memory_space<vmem_shared>>) offsets(%dma_start3A_170 : memref<80xi32, #tpu.memory_space<vmem>>) semaphore(%run_scoped3A_163 : memref<!tpu.dma_semaphore, #tpu.memory_space<semaphore_mem>>) {add = true}
      %dma_wait3A_174 = arith.constant 0 : i32
      %dma_wait3A_175 = arith.constant 0 : i32
      %dma_wait3A_176 = tpu.memref_slice %arg8[%run_scoped3A_122, %dma_wait3A_174, %dma_wait3A_175] : memref<5x80x16xf32, #tpu.memory_space<vmem>> -> memref<1x80x16xf32, #tpu.memory_space<vmem>>
      %dma_wait3A_177 = tpu.memref_squeeze %dma_wait3A_176 : memref<1x80x16xf32, #tpu.memory_space<vmem>> -> memref<80x16xf32, #tpu.memory_space<vmem>>
      %dma_wait3A_178 = arith.constant 0 : i32
      %dma_wait3A_179 = tpu.memref_slice %arg7[%run_scoped3A_123, %dma_wait3A_178] : memref<125x80xi32, #tpu.memory_space<vmem>> -> memref<1x80xi32, #tpu.memory_space<vmem>>
      %dma_wait3A_180 = tpu.memref_squeeze %dma_wait3A_179 : memref<1x80xi32, #tpu.memory_space<vmem>> -> memref<80xi32, #tpu.memory_space<vmem>>
      %dma_wait3A_181 = arith.constant 0 : i32
      %dma_wait3A_182 = arith.constant 0 : i32
      %dma_wait3A_183 = tpu.memref_slice %arg10[%dma_wait3A_181, %dma_wait3A_182] : memref<10240x16xf32, #tpu.memory_space<vmem_shared>> -> memref<10240x16xf32, #tpu.memory_space<vmem_shared>>
      tpu.wait_indirect_dma semaphore(%run_scoped3A_163 : memref<!tpu.dma_semaphore, #tpu.memory_space<semaphore_mem>>) src(%dma_wait3A_177 : memref<80x16xf32, #tpu.memory_space<vmem>>) dst(%dma_wait3A_183 : memref<10240x16xf32, #tpu.memory_space<vmem_shared>>)
      tpu.yield
    }) : () -> ()
    %dma_wait3A_124 = arith.constant 3 : i32
    %dma_wait3A_125 = arith.constant 0 : i32
    %dma_wait3A_126 = arith.constant 0 : i32
    %dma_wait3A_127 = tpu.memref_slice %arg8[%dma_wait3A_124, %dma_wait3A_125, %dma_wait3A_126] : memref<5x80x16xf32, #tpu.memory_space<vmem>> -> memref<1x80x16xf32, #tpu.memory_space<vmem>>
    %dma_wait3A_128 = tpu.memref_squeeze %dma_wait3A_127 : memref<1x80x16xf32, #tpu.memory_space<vmem>> -> memref<80x16xf32, #tpu.memory_space<vmem>>
    %dma_wait3A_129 = arith.constant 0 : i32
    %dma_wait3A_130 = arith.constant 0 : i32
    %dma_wait3A_131 = tpu.memref_slice %arg2[%dma_wait3A_129, %dma_wait3A_130] : memref<10000x16xf32, #tpu.memory_space<hbm>> -> memref<80x16xf32, #tpu.memory_space<hbm>>
    %dma_wait3A_132 = arith.constant 0 : i32
    %dma_wait3A_133 = arith.constant 0 : i32
    %dma_wait3A_134 = tpu.memref_slice %arg8[%dma_wait3A_124, %dma_wait3A_132, %dma_wait3A_133] : memref<5x80x16xf32, #tpu.memory_space<vmem>> -> memref<1x80x16xf32, #tpu.memory_space<vmem>>
    %dma_wait3A_135 = tpu.memref_squeeze %dma_wait3A_134 : memref<1x80x16xf32, #tpu.memory_space<vmem>> -> memref<80x16xf32, #tpu.memory_space<vmem>>
    %dma_wait3A_136 = arith.constant 0 : i32
    %dma_wait3A_137 = arith.constant 0 : i32
    %dma_wait3A_138 = tpu.memref_slice %arg2[%dma_wait3A_136, %dma_wait3A_137] : memref<10000x16xf32, #tpu.memory_space<hbm>> -> memref<80x16xf32, #tpu.memory_space<hbm>>
    tpu.wait_dma2 semaphore(%arg14 : memref<!tpu.dma_semaphore, #tpu.memory_space<semaphore_mem>>) src(%dma_wait3A_138 : memref<80x16xf32, #tpu.memory_space<hbm>>) dst(%dma_wait3A_135 : memref<80x16xf32, #tpu.memory_space<vmem>>)
    %run_scoped3A_139 = arith.constant 3 : i32
    %run_scoped3A_140 = arith.constant 123 : i32
    "tpu.region"() ({
      %run_scoped3A_163 = tpu.sem_alloc : memref<!tpu.dma_semaphore, #tpu.memory_space<semaphore_mem>>
      %dma_start3A_164 = arith.constant 0 : i32
      %dma_start3A_165 = arith.constant 0 : i32
      %dma_start3A_166 = tpu.memref_slice %arg8[%run_scoped3A_139, %dma_start3A_164, %dma_start3A_165] : memref<5x80x16xf32, #tpu.memory_space<vmem>> -> memref<1x80x16xf32, #tpu.memory_space<vmem>>
      %dma_start3A_167 = tpu.memref_squeeze %dma_start3A_166 : memref<1x80x16xf32, #tpu.memory_space<vmem>> -> memref<80x16xf32, #tpu.memory_space<vmem>>
      %dma_start3A_168 = arith.constant 0 : i32
      %dma_start3A_169 = tpu.memref_slice %arg7[%run_scoped3A_140, %dma_start3A_168] : memref<125x80xi32, #tpu.memory_space<vmem>> -> memref<1x80xi32, #tpu.memory_space<vmem>>
      %dma_start3A_170 = tpu.memref_squeeze %dma_start3A_169 : memref<1x80xi32, #tpu.memory_space<vmem>> -> memref<80xi32, #tpu.memory_space<vmem>>
      %dma_start3A_171 = arith.constant 0 : i32
      %dma_start3A_172 = arith.constant 0 : i32
      %dma_start3A_173 = tpu.memref_slice %arg10[%dma_start3A_171, %dma_start3A_172] : memref<10240x16xf32, #tpu.memory_space<vmem_shared>> -> memref<10240x16xf32, #tpu.memory_space<vmem_shared>>
      tpu.enqueue_indirect_dma source(%dma_start3A_167 : memref<80x16xf32, #tpu.memory_space<vmem>>) target(%dma_start3A_173 : memref<10240x16xf32, #tpu.memory_space<vmem_shared>>) offsets(%dma_start3A_170 : memref<80xi32, #tpu.memory_space<vmem>>) semaphore(%run_scoped3A_163 : memref<!tpu.dma_semaphore, #tpu.memory_space<semaphore_mem>>) {add = true}
      %dma_wait3A_174 = arith.constant 0 : i32
      %dma_wait3A_175 = arith.constant 0 : i32
      %dma_wait3A_176 = tpu.memref_slice %arg8[%run_scoped3A_139, %dma_wait3A_174, %dma_wait3A_175] : memref<5x80x16xf32, #tpu.memory_space<vmem>> -> memref<1x80x16xf32, #tpu.memory_space<vmem>>
      %dma_wait3A_177 = tpu.memref_squeeze %dma_wait3A_176 : memref<1x80x16xf32, #tpu.memory_space<vmem>> -> memref<80x16xf32, #tpu.memory_space<vmem>>
      %dma_wait3A_178 = arith.constant 0 : i32
      %dma_wait3A_179 = tpu.memref_slice %arg7[%run_scoped3A_140, %dma_wait3A_178] : memref<125x80xi32, #tpu.memory_space<vmem>> -> memref<1x80xi32, #tpu.memory_space<vmem>>
      %dma_wait3A_180 = tpu.memref_squeeze %dma_wait3A_179 : memref<1x80xi32, #tpu.memory_space<vmem>> -> memref<80xi32, #tpu.memory_space<vmem>>
      %dma_wait3A_181 = arith.constant 0 : i32
      %dma_wait3A_182 = arith.constant 0 : i32
      %dma_wait3A_183 = tpu.memref_slice %arg10[%dma_wait3A_181, %dma_wait3A_182] : memref<10240x16xf32, #tpu.memory_space<vmem_shared>> -> memref<10240x16xf32, #tpu.memory_space<vmem_shared>>
      tpu.wait_indirect_dma semaphore(%run_scoped3A_163 : memref<!tpu.dma_semaphore, #tpu.memory_space<semaphore_mem>>) src(%dma_wait3A_177 : memref<80x16xf32, #tpu.memory_space<vmem>>) dst(%dma_wait3A_183 : memref<10240x16xf32, #tpu.memory_space<vmem_shared>>)
      tpu.yield
    }) : () -> ()
    %dma_wait3A_141 = arith.constant 4 : i32
    %dma_wait3A_142 = arith.constant 0 : i32
    %dma_wait3A_143 = arith.constant 0 : i32
    %dma_wait3A_144 = tpu.memref_slice %arg8[%dma_wait3A_141, %dma_wait3A_142, %dma_wait3A_143] : memref<5x80x16xf32, #tpu.memory_space<vmem>> -> memref<1x80x16xf32, #tpu.memory_space<vmem>>
    %dma_wait3A_145 = tpu.memref_squeeze %dma_wait3A_144 : memref<1x80x16xf32, #tpu.memory_space<vmem>> -> memref<80x16xf32, #tpu.memory_space<vmem>>
    %dma_wait3A_146 = arith.constant 0 : i32
    %dma_wait3A_147 = arith.constant 0 : i32
    %dma_wait3A_148 = tpu.memref_slice %arg2[%dma_wait3A_146, %dma_wait3A_147] : memref<10000x16xf32, #tpu.memory_space<hbm>> -> memref<80x16xf32, #tpu.memory_space<hbm>>
    %dma_wait3A_149 = arith.constant 0 : i32
    %dma_wait3A_150 = arith.constant 0 : i32
    %dma_wait3A_151 = tpu.memref_slice %arg8[%dma_wait3A_141, %dma_wait3A_149, %dma_wait3A_150] : memref<5x80x16xf32, #tpu.memory_space<vmem>> -> memref<1x80x16xf32, #tpu.memory_space<vmem>>
    %dma_wait3A_152 = tpu.memref_squeeze %dma_wait3A_151 : memref<1x80x16xf32, #tpu.memory_space<vmem>> -> memref<80x16xf32, #tpu.memory_space<vmem>>
    %dma_wait3A_153 = arith.constant 0 : i32
    %dma_wait3A_154 = arith.constant 0 : i32
    %dma_wait3A_155 = tpu.memref_slice %arg2[%dma_wait3A_153, %dma_wait3A_154] : memref<10000x16xf32, #tpu.memory_space<hbm>> -> memref<80x16xf32, #tpu.memory_space<hbm>>
    tpu.wait_dma2 semaphore(%arg15 : memref<!tpu.dma_semaphore, #tpu.memory_space<semaphore_mem>>) src(%dma_wait3A_155 : memref<80x16xf32, #tpu.memory_space<hbm>>) dst(%dma_wait3A_152 : memref<80x16xf32, #tpu.memory_space<vmem>>)
    %run_scoped3A_156 = arith.constant 4 : i32
    %run_scoped3A_157 = arith.constant 124 : i32
    "tpu.region"() ({
      %run_scoped3A_163 = tpu.sem_alloc : memref<!tpu.dma_semaphore, #tpu.memory_space<semaphore_mem>>
      %dma_start3A_164 = arith.constant 0 : i32
      %dma_start3A_165 = arith.constant 0 : i32
      %dma_start3A_166 = tpu.memref_slice %arg8[%run_scoped3A_156, %dma_start3A_164, %dma_start3A_165] : memref<5x80x16xf32, #tpu.memory_space<vmem>> -> memref<1x80x16xf32, #tpu.memory_space<vmem>>
      %dma_start3A_167 = tpu.memref_squeeze %dma_start3A_166 : memref<1x80x16xf32, #tpu.memory_space<vmem>> -> memref<80x16xf32, #tpu.memory_space<vmem>>
      %dma_start3A_168 = arith.constant 0 : i32
      %dma_start3A_169 = tpu.memref_slice %arg7[%run_scoped3A_157, %dma_start3A_168] : memref<125x80xi32, #tpu.memory_space<vmem>> -> memref<1x80xi32, #tpu.memory_space<vmem>>
      %dma_start3A_170 = tpu.memref_squeeze %dma_start3A_169 : memref<1x80xi32, #tpu.memory_space<vmem>> -> memref<80xi32, #tpu.memory_space<vmem>>
      %dma_start3A_171 = arith.constant 0 : i32
      %dma_start3A_172 = arith.constant 0 : i32
      %dma_start3A_173 = tpu.memref_slice %arg10[%dma_start3A_171, %dma_start3A_172] : memref<10240x16xf32, #tpu.memory_space<vmem_shared>> -> memref<10240x16xf32, #tpu.memory_space<vmem_shared>>
      tpu.enqueue_indirect_dma source(%dma_start3A_167 : memref<80x16xf32, #tpu.memory_space<vmem>>) target(%dma_start3A_173 : memref<10240x16xf32, #tpu.memory_space<vmem_shared>>) offsets(%dma_start3A_170 : memref<80xi32, #tpu.memory_space<vmem>>) semaphore(%run_scoped3A_163 : memref<!tpu.dma_semaphore, #tpu.memory_space<semaphore_mem>>) {add = true}
      %dma_wait3A_174 = arith.constant 0 : i32
      %dma_wait3A_175 = arith.constant 0 : i32
      %dma_wait3A_176 = tpu.memref_slice %arg8[%run_scoped3A_156, %dma_wait3A_174, %dma_wait3A_175] : memref<5x80x16xf32, #tpu.memory_space<vmem>> -> memref<1x80x16xf32, #tpu.memory_space<vmem>>
      %dma_wait3A_177 = tpu.memref_squeeze %dma_wait3A_176 : memref<1x80x16xf32, #tpu.memory_space<vmem>> -> memref<80x16xf32, #tpu.memory_space<vmem>>
      %dma_wait3A_178 = arith.constant 0 : i32
      %dma_wait3A_179 = tpu.memref_slice %arg7[%run_scoped3A_157, %dma_wait3A_178] : memref<125x80xi32, #tpu.memory_space<vmem>> -> memref<1x80xi32, #tpu.memory_space<vmem>>
      %dma_wait3A_180 = tpu.memref_squeeze %dma_wait3A_179 : memref<1x80xi32, #tpu.memory_space<vmem>> -> memref<80xi32, #tpu.memory_space<vmem>>
      %dma_wait3A_181 = arith.constant 0 : i32
      %dma_wait3A_182 = arith.constant 0 : i32
      %dma_wait3A_183 = tpu.memref_slice %arg10[%dma_wait3A_181, %dma_wait3A_182] : memref<10240x16xf32, #tpu.memory_space<vmem_shared>> -> memref<10240x16xf32, #tpu.memory_space<vmem_shared>>
      tpu.wait_indirect_dma semaphore(%run_scoped3A_163 : memref<!tpu.dma_semaphore, #tpu.memory_space<semaphore_mem>>) src(%dma_wait3A_177 : memref<80x16xf32, #tpu.memory_space<vmem>>) dst(%dma_wait3A_183 : memref<10240x16xf32, #tpu.memory_space<vmem_shared>>)
      tpu.yield
    }) : () -> ()
    %barrier3A_158 = arith.constant 0 : index
    tpu.barrier barrier_id(%barrier3A_158)
    %mul3A_159 = arith.constant 640 : i32
    %mul3A_160 = arith.muli %arg1, %mul3A_159 : i32
    "tpu.region"() ({
      %run_scoped3A_163 = tpu.sem_alloc : memref<!tpu.dma_semaphore, #tpu.memory_space<semaphore_mem>>
      %dma_start3A_164 = arith.constant 0 : i32
      %dma_start3A_165 = tpu.memref_slice %arg10[%mul3A_160, %dma_start3A_164] : memref<10240x16xf32, #tpu.memory_space<vmem_shared>> -> memref<640x16xf32, #tpu.memory_space<vmem_shared>>
      %dma_start3A_166 = arith.constant 0 : i32
      %dma_start3A_167 = tpu.memref_slice %arg10[%mul3A_160, %dma_start3A_166] : memref<10240x16xf32, #tpu.memory_space<vmem_shared>> -> memref<640x16xf32, #tpu.memory_space<vmem_shared>>
      tpu.enqueue_dma source(%dma_start3A_167 : memref<640x16xf32, #tpu.memory_space<vmem_shared>>) target(%arg9 : memref<640x16xf32, #tpu.memory_space<vmem>>) target_semaphore(%run_scoped3A_163 : memref<!tpu.dma_semaphore, #tpu.memory_space<semaphore_mem>>)
      %dma_wait3A_168 = arith.constant 0 : i32
      %dma_wait3A_169 = tpu.memref_slice %arg10[%mul3A_160, %dma_wait3A_168] : memref<10240x16xf32, #tpu.memory_space<vmem_shared>> -> memref<640x16xf32, #tpu.memory_space<vmem_shared>>
      %dma_wait3A_170 = arith.constant 0 : i32
      %dma_wait3A_171 = tpu.memref_slice %arg10[%mul3A_160, %dma_wait3A_170] : memref<10240x16xf32, #tpu.memory_space<vmem_shared>> -> memref<640x16xf32, #tpu.memory_space<vmem_shared>>
      tpu.wait_dma2 semaphore(%run_scoped3A_163 : memref<!tpu.dma_semaphore, #tpu.memory_space<semaphore_mem>>) src(%dma_wait3A_171 : memref<640x16xf32, #tpu.memory_space<vmem_shared>>) dst(%arg9 : memref<640x16xf32, #tpu.memory_space<vmem>>)
      tpu.yield
    }) : () -> ()
    %mul3A_161 = arith.constant 640 : i32
    %mul3A_162 = arith.muli %arg1, %mul3A_161 : i32
    "tpu.region"() ({
      %run_scoped3A_163 = tpu.sem_alloc : memref<!tpu.dma_semaphore, #tpu.memory_space<semaphore_mem>>
      %dma_start3A_164 = arith.constant 0 : i32
      %dma_start3A_165 = tpu.memref_slice %arg5[%arg0, %mul3A_162, %dma_start3A_164] : memref<2x10240x16xf32, #tpu.memory_space<hbm>> -> memref<1x640x16xf32, #tpu.memory_space<hbm>>
      %dma_start3A_166 = tpu.memref_squeeze %dma_start3A_165 : memref<1x640x16xf32, #tpu.memory_space<hbm>> -> memref<640x16xf32, #tpu.memory_space<hbm>>
      %dma_start3A_167 = arith.constant 0 : i32
      %dma_start3A_168 = tpu.memref_slice %arg5[%arg0, %mul3A_162, %dma_start3A_167] : memref<2x10240x16xf32, #tpu.memory_space<hbm>> -> memref<1x640x16xf32, #tpu.memory_space<hbm>>
      %dma_start3A_169 = tpu.memref_squeeze %dma_start3A_168 : memref<1x640x16xf32, #tpu.memory_space<hbm>> -> memref<640x16xf32, #tpu.memory_space<hbm>>
      tpu.enqueue_dma source(%arg9 : memref<640x16xf32, #tpu.memory_space<vmem>>) target(%dma_start3A_169 : memref<640x16xf32, #tpu.memory_space<hbm>>) target_semaphore(%run_scoped3A_163 : memref<!tpu.dma_semaphore, #tpu.memory_space<semaphore_mem>>)
      %dma_wait3A_170 = arith.constant 0 : i32
      %dma_wait3A_171 = tpu.memref_slice %arg5[%arg0, %mul3A_162, %dma_wait3A_170] : memref<2x10240x16xf32, #tpu.memory_space<hbm>> -> memref<1x640x16xf32, #tpu.memory_space<hbm>>
      %dma_wait3A_172 = tpu.memref_squeeze %dma_wait3A_171 : memref<1x640x16xf32, #tpu.memory_space<hbm>> -> memref<640x16xf32, #tpu.memory_space<hbm>>
      %dma_wait3A_173 = arith.constant 0 : i32
      %dma_wait3A_174 = tpu.memref_slice %arg5[%arg0, %mul3A_162, %dma_wait3A_173] : memref<2x10240x16xf32, #tpu.memory_space<hbm>> -> memref<1x640x16xf32, #tpu.memory_space<hbm>>
      %dma_wait3A_175 = tpu.memref_squeeze %dma_wait3A_174 : memref<1x640x16xf32, #tpu.memory_space<hbm>> -> memref<640x16xf32, #tpu.memory_space<hbm>>
      tpu.wait_dma2 semaphore(%run_scoped3A_163 : memref<!tpu.dma_semaphore, #tpu.memory_space<semaphore_mem>>) src(%arg9 : memref<640x16xf32, #tpu.memory_space<vmem>>) dst(%dma_wait3A_175 : memref<640x16xf32, #tpu.memory_space<hbm>>)
      tpu.yield
    }) : () -> ()
    return
  }
}

module attributes {stable_mosaic.version = 14 : i64} {
  func.func @_tc_matmul_body(%arg0: memref<1250x1024xf32, #tpu.memory_space<vmem>>, %arg1: memref<128x16xf32, #tpu.memory_space<vmem>>, %arg2: memref<1250x128xf32, #tpu.memory_space<vmem>>) attributes {dimension_semantics = [], scalar_prefetch = 0 : i64, scratch_operands = 0 : i64, tpu.core_type = #tpu.core_type<tc>} {
    %get3A = arith.constant 0 : index
    %get3A_0 = arith.constant 0 : index
    %get3A_1 = vector.load %arg1[%get3A, %get3A_0] : memref<128x16xf32, #tpu.memory_space<vmem>>, vector<128x16xf32>
    %tile3A = tpu.concatenate %get3A_1, %get3A_1, %get3A_1, %get3A_1, %get3A_1, %get3A_1, %get3A_1, %get3A_1 in 0 : vector<128x16xf32>, vector<128x16xf32>, vector<128x16xf32>, vector<128x16xf32>, vector<128x16xf32>, vector<128x16xf32>, vector<128x16xf32>, vector<128x16xf32> -> vector<1024x16xf32>
    %tile3A_2 = tpu.concatenate %tile3A, %tile3A, %tile3A, %tile3A, %tile3A, %tile3A, %tile3A, %tile3A in 1 : vector<1024x16xf32>, vector<1024x16xf32>, vector<1024x16xf32>, vector<1024x16xf32>, vector<1024x16xf32>, vector<1024x16xf32>, vector<1024x16xf32>, vector<1024x16xf32> -> vector<1024x128xf32>
    %iota3A = tpu.iota {dimensions = array<i32: 0>} : vector<1024x128xi32>
    %jit3A = arith.constant 128 : i32
    %div3A = vector.broadcast %jit3A : i32 to vector<1024x128xi32>
    %div3A_3 = arith.divsi %iota3A, %div3A : vector<1024x128xi32>
    %sign3A = arith.constant 0 : i32
    %sign3A_4 = vector.broadcast %sign3A : i32 to vector<1024x128xi32>
    %sign3A_5 = arith.cmpi sgt, %iota3A, %sign3A_4 : vector<1024x128xi32>
    %sign3A_6 = arith.extui %sign3A_5 : vector<1024x128xi1> to vector<1024x128xi32>
    %sign3A_7 = arith.constant 0 : i32
    %sign3A_8 = vector.broadcast %sign3A_7 : i32 to vector<1024x128xi32>
    %sign3A_9 = arith.cmpi slt, %iota3A, %sign3A_8 : vector<1024x128xi32>
    %sign3A_10 = arith.extui %sign3A_9 : vector<1024x128xi1> to vector<1024x128xi32>
    %sign3A_11 = arith.subi %sign3A_6, %sign3A_10 : vector<1024x128xi32>
    %sign3A_12 = arith.constant 0 : i32
    %sign3A_13 = arith.cmpi sgt, %jit3A, %sign3A_12 : i32
    %sign3A_14 = arith.extui %sign3A_13 : i1 to i32
    %sign3A_15 = arith.constant 0 : i32
    %sign3A_16 = arith.cmpi slt, %jit3A, %sign3A_15 : i32
    %sign3A_17 = arith.extui %sign3A_16 : i1 to i32
    %sign3A_18 = arith.subi %sign3A_14, %sign3A_17 : i32
    %ne3A = vector.broadcast %sign3A_18 : i32 to vector<1024x128xi32>
    %ne3A_19 = arith.cmpi ne, %sign3A_11, %ne3A : vector<1024x128xi32>
    %rem3A = vector.broadcast %jit3A : i32 to vector<1024x128xi32>
    %rem3A_20 = arith.remsi %iota3A, %rem3A : vector<1024x128xi32>
    %ne3A_21 = arith.constant 0 : i32
    %ne3A_22 = vector.broadcast %ne3A_21 : i32 to vector<1024x128xi32>
    %ne3A_23 = arith.cmpi ne, %rem3A_20, %ne3A_22 : vector<1024x128xi32>
    %and3A = arith.andi %ne3A_19, %ne3A_23 : vector<1024x128xi1>
    %sub3A = arith.constant 1 : i32
    %sub3A_24 = vector.broadcast %sub3A : i32 to vector<1024x128xi32>
    %sub3A_25 = arith.subi %div3A_3, %sub3A_24 : vector<1024x128xi32>
    %select_n3A = arith.select %and3A, %sub3A_25, %div3A_3 : vector<1024x128xi1>, vector<1024x128xi32>
    %iota3A_26 = tpu.iota {dimensions = array<i32: 1>} : vector<1024x128xi32>
    %jit3A_27 = arith.constant 16 : i32
    %div3A_28 = vector.broadcast %jit3A_27 : i32 to vector<1024x128xi32>
    %div3A_29 = arith.divsi %iota3A_26, %div3A_28 : vector<1024x128xi32>
    %sign3A_30 = arith.constant 0 : i32
    %sign3A_31 = vector.broadcast %sign3A_30 : i32 to vector<1024x128xi32>
    %sign3A_32 = arith.cmpi sgt, %iota3A_26, %sign3A_31 : vector<1024x128xi32>
    %sign3A_33 = arith.extui %sign3A_32 : vector<1024x128xi1> to vector<1024x128xi32>
    %sign3A_34 = arith.constant 0 : i32
    %sign3A_35 = vector.broadcast %sign3A_34 : i32 to vector<1024x128xi32>
    %sign3A_36 = arith.cmpi slt, %iota3A_26, %sign3A_35 : vector<1024x128xi32>
    %sign3A_37 = arith.extui %sign3A_36 : vector<1024x128xi1> to vector<1024x128xi32>
    %sign3A_38 = arith.subi %sign3A_33, %sign3A_37 : vector<1024x128xi32>
    %sign3A_39 = arith.constant 0 : i32
    %sign3A_40 = arith.cmpi sgt, %jit3A_27, %sign3A_39 : i32
    %sign3A_41 = arith.extui %sign3A_40 : i1 to i32
    %sign3A_42 = arith.constant 0 : i32
    %sign3A_43 = arith.cmpi slt, %jit3A_27, %sign3A_42 : i32
    %sign3A_44 = arith.extui %sign3A_43 : i1 to i32
    %sign3A_45 = arith.subi %sign3A_41, %sign3A_44 : i32
    %ne3A_46 = vector.broadcast %sign3A_45 : i32 to vector<1024x128xi32>
    %ne3A_47 = arith.cmpi ne, %sign3A_38, %ne3A_46 : vector<1024x128xi32>
    %rem3A_48 = vector.broadcast %jit3A_27 : i32 to vector<1024x128xi32>
    %rem3A_49 = arith.remsi %iota3A_26, %rem3A_48 : vector<1024x128xi32>
    %ne3A_50 = arith.constant 0 : i32
    %ne3A_51 = vector.broadcast %ne3A_50 : i32 to vector<1024x128xi32>
    %ne3A_52 = arith.cmpi ne, %rem3A_49, %ne3A_51 : vector<1024x128xi32>
    %and3A_53 = arith.andi %ne3A_47, %ne3A_52 : vector<1024x128xi1>
    %sub3A_54 = arith.constant 1 : i32
    %sub3A_55 = vector.broadcast %sub3A_54 : i32 to vector<1024x128xi32>
    %sub3A_56 = arith.subi %div3A_29, %sub3A_55 : vector<1024x128xi32>
    %select_n3A_57 = arith.select %and3A_53, %sub3A_56, %div3A_29 : vector<1024x128xi1>, vector<1024x128xi32>
    %eq3A = arith.cmpi eq, %select_n3A, %select_n3A_57 : vector<1024x128xi32>
    %jit3A_58 = arith.constant 0.000000e+00 : f32
    %broadcast_in_dim3A = vector.broadcast %jit3A_58 : f32 to vector<1024x128xf32>
    %select_n3A_59 = arith.select %eq3A, %tile3A_2, %broadcast_in_dim3A : vector<1024x128xi1>, vector<1024x128xf32>
    %get3A_60 = arith.constant 0 : index
    %get3A_61 = arith.constant 0 : index
    %get3A_62 = vector.load %arg0[%get3A_60, %get3A_61] : memref<1250x1024xf32, #tpu.memory_space<vmem>>, vector<1250x1024xf32>
    %dot_general3A = arith.constant dense<0.000000e+00> : vector<1250x128xf32>
    %dot_general3A_63 = tpu.matmul %get3A_62, %select_n3A_59, %dot_general3A {dimension_numbers = #tpu.dot_dimension_numbers<[1], [0], [0], [1], [0, 0, 1, 1], [], []>, transpose_lhs_hint = false} : vector<1250x1024xf32>, vector<1024x128xf32>, vector<1250x128xf32> -> vector<1250x128xf32>
    %swap3A = arith.constant 0 : index
    %swap3A_64 = arith.constant 0 : index
    %swap3A_65 = vector.load %arg2[%swap3A, %swap3A_64] : memref<1250x128xf32, #tpu.memory_space<vmem>>, vector<1250x128xf32>
    tpu.vector_store %arg2[%swap3A, %swap3A_64], %dot_general3A_63 {strides = array<i32>} : memref<1250x128xf32, #tpu.memory_space<vmem>>, vector<1250x128xf32>,
    return
  }
}

module attributes {stable_mosaic.version = 14 : i64} {
  func.func @_tc_scale_body(%arg0: memref<1250x128xf32, #tpu.memory_space<vmem>>, %arg1: memref<2x1280x128xf32, #tpu.memory_space<vmem>>, %arg2: memref<1250x128xf32, #tpu.memory_space<vmem>>, %arg3: memref<1250x128xf32, #tpu.memory_space<vmem>>) attributes {dimension_semantics = [], scalar_prefetch = 0 : i64, scratch_operands = 0 : i64, tpu.core_type = #tpu.core_type<tc>} {
    %get3A = arith.constant 0 : index
    %get3A_0 = arith.constant 0 : index
    %get3A_1 = arith.constant 0 : index
    %get3A_2 = vector.load %arg1[%get3A, %get3A_0, %get3A_1] : memref<2x1280x128xf32, #tpu.memory_space<vmem>>, vector<2x1280x128xf32>
    %slice3A = vector.extract_strided_slice %get3A_2 {offsets = [0, 0, 0], sizes = [1, 1250, 128], strides = [1, 1, 1]} : vector<2x1280x128xf32> to vector<1x1250x128xf32>
    %squeeze3A = vector.shape_cast %slice3A : vector<1x1250x128xf32> to vector<1250x128xf32>
    %slice3A_3 = vector.extract_strided_slice %get3A_2 {offsets = [1, 0, 0], sizes = [1, 1250, 128], strides = [1, 1, 1]} : vector<2x1280x128xf32> to vector<1x1250x128xf32>
    %squeeze3A_4 = vector.shape_cast %slice3A_3 : vector<1x1250x128xf32> to vector<1250x128xf32>
    %add3A = arith.addf %squeeze3A, %squeeze3A_4 : vector<1250x128xf32>
    %add3A_5 = arith.constant 1.000000e+00 : f32
    %add3A_6 = vector.broadcast %add3A_5 : f32 to vector<1250x128xf32>
    %add3A_7 = arith.addf %add3A, %add3A_6 : vector<1250x128xf32>
    %rsqrt3A = math.rsqrt %add3A_7 : vector<1250x128xf32>
    %swap3A = arith.constant 0 : index
    %swap3A_8 = arith.constant 0 : index
    %swap3A_9 = vector.load %arg3[%swap3A, %swap3A_8] : memref<1250x128xf32, #tpu.memory_space<vmem>>, vector<1250x128xf32>
    tpu.vector_store %arg3[%swap3A, %swap3A_8], %rsqrt3A {strides = array<i32>} : memref<1250x128xf32, #tpu.memory_space<vmem>>, vector<1250x128xf32>,
    %get3A_10 = arith.constant 0 : index
    %get3A_11 = arith.constant 0 : index
    %get3A_12 = vector.load %arg0[%get3A_10, %get3A_11] : memref<1250x128xf32, #tpu.memory_space<vmem>>, vector<1250x128xf32>
    %mul3A = arith.mulf %get3A_12, %rsqrt3A : vector<1250x128xf32>
    %swap3A_13 = arith.constant 0 : index
    %swap3A_14 = arith.constant 0 : index
    %swap3A_15 = vector.load %arg2[%swap3A_13, %swap3A_14] : memref<1250x128xf32, #tpu.memory_space<vmem>>, vector<1250x128xf32>
    tpu.vector_store %arg2[%swap3A_13, %swap3A_14], %mul3A {strides = array<i32>} : memref<1250x128xf32, #tpu.memory_space<vmem>>, vector<1250x128xf32>,
    return
  }
}

module attributes {stable_mosaic.version = 14 : i64} {
  func.func @_tc_relu_body(%arg0: memref<2x1280x128xf32, #tpu.memory_space<vmem>>, %arg1: memref<1250x128xf32, #tpu.memory_space<vmem>>, %arg2: memref<1250x128xf32, #tpu.memory_space<vmem>>, %arg3: memref<1x16xf32, #tpu.memory_space<vmem>>, %arg4: memref<1250x128xf32, #tpu.memory_space<vmem>>) attributes {dimension_semantics = [], scalar_prefetch = 0 : i64, scratch_operands = 0 : i64, tpu.core_type = #tpu.core_type<tc>} {
    %get3A = arith.constant 0 : index
    %get3A_0 = arith.constant 0 : index
    %get3A_1 = arith.constant 0 : index
    %get3A_2 = vector.load %arg0[%get3A, %get3A_0, %get3A_1] : memref<2x1280x128xf32, #tpu.memory_space<vmem>>, vector<1x1250x128xf32>
    %get3A_3 = vector.shape_cast %get3A_2 : vector<1x1250x128xf32> to vector<1250x128xf32>
    %get3A_4 = arith.constant 1 : index
    %get3A_5 = arith.constant 0 : index
    %get3A_6 = arith.constant 0 : index
    %get3A_7 = vector.load %arg0[%get3A_4, %get3A_5, %get3A_6] : memref<2x1280x128xf32, #tpu.memory_space<vmem>>, vector<1x1250x128xf32>
    %get3A_8 = vector.shape_cast %get3A_7 : vector<1x1250x128xf32> to vector<1250x128xf32>
    %add3A = arith.addf %get3A_3, %get3A_8 : vector<1250x128xf32>
    %get3A_9 = arith.constant 0 : index
    %get3A_10 = arith.constant 0 : index
    %get3A_11 = vector.load %arg1[%get3A_9, %get3A_10] : memref<1250x128xf32, #tpu.memory_space<vmem>>, vector<1250x128xf32>
    %add3A_12 = arith.addf %add3A, %get3A_11 : vector<1250x128xf32>
    %get3A_13 = arith.constant 0 : index
    %get3A_14 = arith.constant 0 : index
    %get3A_15 = vector.load %arg3[%get3A_13, %get3A_14] : memref<1x16xf32, #tpu.memory_space<vmem>>, vector<1x16xf32>
    %tile3A = tpu.concatenate %get3A_15, %get3A_15, %get3A_15, %get3A_15, %get3A_15, %get3A_15, %get3A_15, %get3A_15 in 1 : vector<1x16xf32>, vector<1x16xf32>, vector<1x16xf32>, vector<1x16xf32>, vector<1x16xf32>, vector<1x16xf32>, vector<1x16xf32>, vector<1x16xf32> -> vector<1x128xf32>
    %get3A_16 = arith.constant 0 : index
    %get3A_17 = arith.constant 0 : index
    %get3A_18 = vector.load %arg2[%get3A_16, %get3A_17] : memref<1250x128xf32, #tpu.memory_space<vmem>>, vector<1250x128xf32>
    %mul3A = arith.mulf %get3A_18, %add3A_12 : vector<1250x128xf32>
    %add3A_19 = vector.broadcast %tile3A : vector<1x128xf32> to vector<1250x128xf32>
    %add3A_20 = arith.addf %mul3A, %add3A_19 : vector<1250x128xf32>
    %get3A_21 = arith.constant 0 : index
    %get3A_22 = arith.constant 0 : index
    %get3A_23 = vector.load %arg2[%get3A_21, %get3A_22] : memref<1250x128xf32, #tpu.memory_space<vmem>>, vector<1250x128xf32>
    %max3A = arith.constant 0.000000e+00 : f32
    %max3A_24 = vector.broadcast %max3A : f32 to vector<1250x128xf32>
    %max3A_25 = arith.maximumf %add3A_20, %max3A_24 : vector<1250x128xf32>
    %mul3A_26 = arith.mulf %get3A_23, %max3A_25 : vector<1250x128xf32>
    %swap3A = arith.constant 0 : index
    %swap3A_27 = arith.constant 0 : index
    %swap3A_28 = vector.load %arg4[%swap3A, %swap3A_27] : memref<1250x128xf32, #tpu.memory_space<vmem>>, vector<1250x128xf32>
    tpu.vector_store %arg4[%swap3A, %swap3A_27], %mul3A_26 {strides = array<i32>} : memref<1250x128xf32, #tpu.memory_space<vmem>>, vector<1250x128xf32>,
    return
  }
}

module attributes {stable_mosaic.version = 14 : i64} {
  func.func @_tc_out_body(%arg0: memref<2x1280x128xf32, #tpu.memory_space<vmem>>, %arg1: memref<1250x128xf32, #tpu.memory_space<vmem>>, %arg2: memref<1250x128xf32, #tpu.memory_space<vmem>>, %arg3: memref<16x4xf32, #tpu.memory_space<vmem>>, %arg4: memref<1x4xf32, #tpu.memory_space<vmem>>, %arg5: memref<1250x32xf32, #tpu.memory_space<vmem>>) attributes {dimension_semantics = [], scalar_prefetch = 0 : i64, scratch_operands = 0 : i64, tpu.core_type = #tpu.core_type<tc>} {
    %get3A = arith.constant 0 : index
    %get3A_0 = arith.constant 0 : index
    %get3A_1 = vector.load %arg2[%get3A, %get3A_0] : memref<1250x128xf32, #tpu.memory_space<vmem>>, vector<1250x128xf32>
    %get3A_2 = arith.constant 0 : index
    %get3A_3 = arith.constant 0 : index
    %get3A_4 = arith.constant 0 : index
    %get3A_5 = vector.load %arg0[%get3A_2, %get3A_3, %get3A_4] : memref<2x1280x128xf32, #tpu.memory_space<vmem>>, vector<1x1250x128xf32>
    %get3A_6 = vector.shape_cast %get3A_5 : vector<1x1250x128xf32> to vector<1250x128xf32>
    %get3A_7 = arith.constant 1 : index
    %get3A_8 = arith.constant 0 : index
    %get3A_9 = arith.constant 0 : index
    %get3A_10 = vector.load %arg0[%get3A_7, %get3A_8, %get3A_9] : memref<2x1280x128xf32, #tpu.memory_space<vmem>>, vector<1x1250x128xf32>
    %get3A_11 = vector.shape_cast %get3A_10 : vector<1x1250x128xf32> to vector<1250x128xf32>
    %add3A = arith.addf %get3A_6, %get3A_11 : vector<1250x128xf32>
    %get3A_12 = arith.constant 0 : index
    %get3A_13 = arith.constant 0 : index
    %get3A_14 = vector.load %arg1[%get3A_12, %get3A_13] : memref<1250x128xf32, #tpu.memory_space<vmem>>, vector<1250x128xf32>
    %add3A_15 = arith.addf %add3A, %get3A_14 : vector<1250x128xf32>
    %mul3A = arith.mulf %get3A_1, %add3A_15 : vector<1250x128xf32>
    %get3A_16 = arith.constant 0 : index
    %get3A_17 = arith.constant 0 : index
    %get3A_18 = vector.load %arg3[%get3A_16, %get3A_17] : memref<16x4xf32, #tpu.memory_space<vmem>>, vector<16x4xf32>
    %tile3A = tpu.concatenate %get3A_18, %get3A_18, %get3A_18, %get3A_18, %get3A_18, %get3A_18, %get3A_18, %get3A_18 in 0 : vector<16x4xf32>, vector<16x4xf32>, vector<16x4xf32>, vector<16x4xf32>, vector<16x4xf32>, vector<16x4xf32>, vector<16x4xf32>, vector<16x4xf32> -> vector<128x4xf32>
    %tile3A_19 = tpu.concatenate %tile3A, %tile3A, %tile3A, %tile3A, %tile3A, %tile3A, %tile3A, %tile3A in 1 : vector<128x4xf32>, vector<128x4xf32>, vector<128x4xf32>, vector<128x4xf32>, vector<128x4xf32>, vector<128x4xf32>, vector<128x4xf32>, vector<128x4xf32> -> vector<128x32xf32>
    %iota3A = tpu.iota {dimensions = array<i32: 0>} : vector<128x32xi32>
    %jit3A = arith.constant 16 : i32
    %div3A = vector.broadcast %jit3A : i32 to vector<128x32xi32>
    %div3A_20 = arith.divsi %iota3A, %div3A : vector<128x32xi32>
    %sign3A = arith.constant 0 : i32
    %sign3A_21 = vector.broadcast %sign3A : i32 to vector<128x32xi32>
    %sign3A_22 = arith.cmpi sgt, %iota3A, %sign3A_21 : vector<128x32xi32>
    %sign3A_23 = arith.extui %sign3A_22 : vector<128x32xi1> to vector<128x32xi32>
    %sign3A_24 = arith.constant 0 : i32
    %sign3A_25 = vector.broadcast %sign3A_24 : i32 to vector<128x32xi32>
    %sign3A_26 = arith.cmpi slt, %iota3A, %sign3A_25 : vector<128x32xi32>
    %sign3A_27 = arith.extui %sign3A_26 : vector<128x32xi1> to vector<128x32xi32>
    %sign3A_28 = arith.subi %sign3A_23, %sign3A_27 : vector<128x32xi32>
    %sign3A_29 = arith.constant 0 : i32
    %sign3A_30 = arith.cmpi sgt, %jit3A, %sign3A_29 : i32
    %sign3A_31 = arith.extui %sign3A_30 : i1 to i32
    %sign3A_32 = arith.constant 0 : i32
    %sign3A_33 = arith.cmpi slt, %jit3A, %sign3A_32 : i32
    %sign3A_34 = arith.extui %sign3A_33 : i1 to i32
    %sign3A_35 = arith.subi %sign3A_31, %sign3A_34 : i32
    %ne3A = vector.broadcast %sign3A_35 : i32 to vector<128x32xi32>
    %ne3A_36 = arith.cmpi ne, %sign3A_28, %ne3A : vector<128x32xi32>
    %rem3A = vector.broadcast %jit3A : i32 to vector<128x32xi32>
    %rem3A_37 = arith.remsi %iota3A, %rem3A : vector<128x32xi32>
    %ne3A_38 = arith.constant 0 : i32
    %ne3A_39 = vector.broadcast %ne3A_38 : i32 to vector<128x32xi32>
    %ne3A_40 = arith.cmpi ne, %rem3A_37, %ne3A_39 : vector<128x32xi32>
    %and3A = arith.andi %ne3A_36, %ne3A_40 : vector<128x32xi1>
    %sub3A = arith.constant 1 : i32
    %sub3A_41 = vector.broadcast %sub3A : i32 to vector<128x32xi32>
    %sub3A_42 = arith.subi %div3A_20, %sub3A_41 : vector<128x32xi32>
    %select_n3A = arith.select %and3A, %sub3A_42, %div3A_20 : vector<128x32xi1>, vector<128x32xi32>
    %iota3A_43 = tpu.iota {dimensions = array<i32: 1>} : vector<128x32xi32>
    %jit3A_44 = arith.constant 4 : i32
    %div3A_45 = vector.broadcast %jit3A_44 : i32 to vector<128x32xi32>
    %div3A_46 = arith.divsi %iota3A_43, %div3A_45 : vector<128x32xi32>
    %sign3A_47 = arith.constant 0 : i32
    %sign3A_48 = vector.broadcast %sign3A_47 : i32 to vector<128x32xi32>
    %sign3A_49 = arith.cmpi sgt, %iota3A_43, %sign3A_48 : vector<128x32xi32>
    %sign3A_50 = arith.extui %sign3A_49 : vector<128x32xi1> to vector<128x32xi32>
    %sign3A_51 = arith.constant 0 : i32
    %sign3A_52 = vector.broadcast %sign3A_51 : i32 to vector<128x32xi32>
    %sign3A_53 = arith.cmpi slt, %iota3A_43, %sign3A_52 : vector<128x32xi32>
    %sign3A_54 = arith.extui %sign3A_53 : vector<128x32xi1> to vector<128x32xi32>
    %sign3A_55 = arith.subi %sign3A_50, %sign3A_54 : vector<128x32xi32>
    %sign3A_56 = arith.constant 0 : i32
    %sign3A_57 = arith.cmpi sgt, %jit3A_44, %sign3A_56 : i32
    %sign3A_58 = arith.extui %sign3A_57 : i1 to i32
    %sign3A_59 = arith.constant 0 : i32
    %sign3A_60 = arith.cmpi slt, %jit3A_44, %sign3A_59 : i32
    %sign3A_61 = arith.extui %sign3A_60 : i1 to i32
    %sign3A_62 = arith.subi %sign3A_58, %sign3A_61 : i32
    %ne3A_63 = vector.broadcast %sign3A_62 : i32 to vector<128x32xi32>
    %ne3A_64 = arith.cmpi ne, %sign3A_55, %ne3A_63 : vector<128x32xi32>
    %rem3A_65 = vector.broadcast %jit3A_44 : i32 to vector<128x32xi32>
    %rem3A_66 = arith.remsi %iota3A_43, %rem3A_65 : vector<128x32xi32>
    %ne3A_67 = arith.constant 0 : i32
    %ne3A_68 = vector.broadcast %ne3A_67 : i32 to vector<128x32xi32>
    %ne3A_69 = arith.cmpi ne, %rem3A_66, %ne3A_68 : vector<128x32xi32>
    %and3A_70 = arith.andi %ne3A_64, %ne3A_69 : vector<128x32xi1>
    %sub3A_71 = arith.constant 1 : i32
    %sub3A_72 = vector.broadcast %sub3A_71 : i32 to vector<128x32xi32>
    %sub3A_73 = arith.subi %div3A_46, %sub3A_72 : vector<128x32xi32>
    %select_n3A_74 = arith.select %and3A_70, %sub3A_73, %div3A_46 : vector<128x32xi1>, vector<128x32xi32>
    %eq3A = arith.cmpi eq, %select_n3A, %select_n3A_74 : vector<128x32xi32>
    %jit3A_75 = arith.constant 0.000000e+00 : f32
    %broadcast_in_dim3A = vector.broadcast %jit3A_75 : f32 to vector<128x32xf32>
    %select_n3A_76 = arith.select %eq3A, %tile3A_19, %broadcast_in_dim3A : vector<128x32xi1>, vector<128x32xf32>
    %broadcast_in_dim3A_77 = arith.constant 1.000000e+00 : f32
    %broadcast_in_dim3A_78 = vector.broadcast %broadcast_in_dim3A_77 : f32 to vector<4x4xf32>
    %tile3A_79 = tpu.concatenate %broadcast_in_dim3A_78, %broadcast_in_dim3A_78, %broadcast_in_dim3A_78, %broadcast_in_dim3A_78, %broadcast_in_dim3A_78, %broadcast_in_dim3A_78, %broadcast_in_dim3A_78, %broadcast_in_dim3A_78 in 0 : vector<4x4xf32>, vector<4x4xf32>, vector<4x4xf32>, vector<4x4xf32>, vector<4x4xf32>, vector<4x4xf32>, vector<4x4xf32>, vector<4x4xf32> -> vector<32x4xf32>
    %tile3A_80 = tpu.concatenate %tile3A_79, %tile3A_79, %tile3A_79, %tile3A_79, %tile3A_79, %tile3A_79, %tile3A_79, %tile3A_79 in 1 : vector<32x4xf32>, vector<32x4xf32>, vector<32x4xf32>, vector<32x4xf32>, vector<32x4xf32>, vector<32x4xf32>, vector<32x4xf32>, vector<32x4xf32> -> vector<32x32xf32>
    %iota3A_81 = tpu.iota {dimensions = array<i32: 0>} : vector<32x32xi32>
    %jit3A_82 = arith.constant 4 : i32
    %div3A_83 = vector.broadcast %jit3A_82 : i32 to vector<32x32xi32>
    %div3A_84 = arith.divsi %iota3A_81, %div3A_83 : vector<32x32xi32>
    %sign3A_85 = arith.constant 0 : i32
    %sign3A_86 = vector.broadcast %sign3A_85 : i32 to vector<32x32xi32>
    %sign3A_87 = arith.cmpi sgt, %iota3A_81, %sign3A_86 : vector<32x32xi32>
    %sign3A_88 = arith.extui %sign3A_87 : vector<32x32xi1> to vector<32x32xi32>
    %sign3A_89 = arith.constant 0 : i32
    %sign3A_90 = vector.broadcast %sign3A_89 : i32 to vector<32x32xi32>
    %sign3A_91 = arith.cmpi slt, %iota3A_81, %sign3A_90 : vector<32x32xi32>
    %sign3A_92 = arith.extui %sign3A_91 : vector<32x32xi1> to vector<32x32xi32>
    %sign3A_93 = arith.subi %sign3A_88, %sign3A_92 : vector<32x32xi32>
    %sign3A_94 = arith.constant 0 : i32
    %sign3A_95 = arith.cmpi sgt, %jit3A_82, %sign3A_94 : i32
    %sign3A_96 = arith.extui %sign3A_95 : i1 to i32
    %sign3A_97 = arith.constant 0 : i32
    %sign3A_98 = arith.cmpi slt, %jit3A_82, %sign3A_97 : i32
    %sign3A_99 = arith.extui %sign3A_98 : i1 to i32
    %sign3A_100 = arith.subi %sign3A_96, %sign3A_99 : i32
    %ne3A_101 = vector.broadcast %sign3A_100 : i32 to vector<32x32xi32>
    %ne3A_102 = arith.cmpi ne, %sign3A_93, %ne3A_101 : vector<32x32xi32>
    %rem3A_103 = vector.broadcast %jit3A_82 : i32 to vector<32x32xi32>
    %rem3A_104 = arith.remsi %iota3A_81, %rem3A_103 : vector<32x32xi32>
    %ne3A_105 = arith.constant 0 : i32
    %ne3A_106 = vector.broadcast %ne3A_105 : i32 to vector<32x32xi32>
    %ne3A_107 = arith.cmpi ne, %rem3A_104, %ne3A_106 : vector<32x32xi32>
    %and3A_108 = arith.andi %ne3A_102, %ne3A_107 : vector<32x32xi1>
    %sub3A_109 = arith.constant 1 : i32
    %sub3A_110 = vector.broadcast %sub3A_109 : i32 to vector<32x32xi32>
    %sub3A_111 = arith.subi %div3A_84, %sub3A_110 : vector<32x32xi32>
    %select_n3A_112 = arith.select %and3A_108, %sub3A_111, %div3A_84 : vector<32x32xi1>, vector<32x32xi32>
    %iota3A_113 = tpu.iota {dimensions = array<i32: 1>} : vector<32x32xi32>
    %jit3A_114 = arith.constant 4 : i32
    %div3A_115 = vector.broadcast %jit3A_114 : i32 to vector<32x32xi32>
    %div3A_116 = arith.divsi %iota3A_113, %div3A_115 : vector<32x32xi32>
    %sign3A_117 = arith.constant 0 : i32
    %sign3A_118 = vector.broadcast %sign3A_117 : i32 to vector<32x32xi32>
    %sign3A_119 = arith.cmpi sgt, %iota3A_113, %sign3A_118 : vector<32x32xi32>
    %sign3A_120 = arith.extui %sign3A_119 : vector<32x32xi1> to vector<32x32xi32>
    %sign3A_121 = arith.constant 0 : i32
    %sign3A_122 = vector.broadcast %sign3A_121 : i32 to vector<32x32xi32>
    %sign3A_123 = arith.cmpi slt, %iota3A_113, %sign3A_122 : vector<32x32xi32>
    %sign3A_124 = arith.extui %sign3A_123 : vector<32x32xi1> to vector<32x32xi32>
    %sign3A_125 = arith.subi %sign3A_120, %sign3A_124 : vector<32x32xi32>
    %sign3A_126 = arith.constant 0 : i32
    %sign3A_127 = arith.cmpi sgt, %jit3A_114, %sign3A_126 : i32
    %sign3A_128 = arith.extui %sign3A_127 : i1 to i32
    %sign3A_129 = arith.constant 0 : i32
    %sign3A_130 = arith.cmpi slt, %jit3A_114, %sign3A_129 : i32
    %sign3A_131 = arith.extui %sign3A_130 : i1 to i32
    %sign3A_132 = arith.subi %sign3A_128, %sign3A_131 : i32
    %ne3A_133 = vector.broadcast %sign3A_132 : i32 to vector<32x32xi32>
    %ne3A_134 = arith.cmpi ne, %sign3A_125, %ne3A_133 : vector<32x32xi32>
    %rem3A_135 = vector.broadcast %jit3A_114 : i32 to vector<32x32xi32>
    %rem3A_136 = arith.remsi %iota3A_113, %rem3A_135 : vector<32x32xi32>
    %ne3A_137 = arith.constant 0 : i32
    %ne3A_138 = vector.broadcast %ne3A_137 : i32 to vector<32x32xi32>
    %ne3A_139 = arith.cmpi ne, %rem3A_136, %ne3A_138 : vector<32x32xi32>
    %and3A_140 = arith.andi %ne3A_134, %ne3A_139 : vector<32x32xi1>
    %sub3A_141 = arith.constant 1 : i32
    %sub3A_142 = vector.broadcast %sub3A_141 : i32 to vector<32x32xi32>
    %sub3A_143 = arith.subi %div3A_116, %sub3A_142 : vector<32x32xi32>
    %select_n3A_144 = arith.select %and3A_140, %sub3A_143, %div3A_116 : vector<32x32xi1>, vector<32x32xi32>
    %eq3A_145 = arith.cmpi eq, %select_n3A_112, %select_n3A_144 : vector<32x32xi32>
    %jit3A_146 = arith.constant 0.000000e+00 : f32
    %broadcast_in_dim3A_147 = vector.broadcast %jit3A_146 : f32 to vector<32x32xf32>
    %select_n3A_148 = arith.select %eq3A_145, %tile3A_80, %broadcast_in_dim3A_147 : vector<32x32xi1>, vector<32x32xf32>
    %get3A_149 = arith.constant 0 : index
    %get3A_150 = arith.constant 0 : index
    %get3A_151 = vector.load %arg4[%get3A_149, %get3A_150] : memref<1x4xf32, #tpu.memory_space<vmem>>, vector<1x4xf32>
    %tile3A_152 = tpu.concatenate %get3A_151, %get3A_151, %get3A_151, %get3A_151, %get3A_151, %get3A_151, %get3A_151, %get3A_151 in 1 : vector<1x4xf32>, vector<1x4xf32>, vector<1x4xf32>, vector<1x4xf32>, vector<1x4xf32>, vector<1x4xf32>, vector<1x4xf32>, vector<1x4xf32> -> vector<1x32xf32>
    %dot_general3A = arith.constant dense<0.000000e+00> : vector<1250x32xf32>
    %dot_general3A_153 = tpu.matmul %mul3A, %select_n3A_76, %dot_general3A {dimension_numbers = #tpu.dot_dimension_numbers<[1], [0], [0], [1], [0, 0, 1, 1], [], []>, transpose_lhs_hint = false} : vector<1250x128xf32>, vector<128x32xf32>, vector<1250x32xf32> -> vector<1250x32xf32>
    %add3A_154 = vector.broadcast %tile3A_152 : vector<1x32xf32> to vector<1250x32xf32>
    %add3A_155 = arith.addf %dot_general3A_153, %add3A_154 : vector<1250x32xf32>
    %exp3A = math.exp %add3A_155 : vector<1250x32xf32>
    %dot_general3A_156 = arith.constant dense<0.000000e+00> : vector<1250x32xf32>
    %dot_general3A_157 = tpu.matmul %exp3A, %select_n3A_148, %dot_general3A_156 {dimension_numbers = #tpu.dot_dimension_numbers<[1], [0], [0], [1], [0, 0, 1, 1], [], []>, transpose_lhs_hint = false} : vector<1250x32xf32>, vector<32x32xf32>, vector<1250x32xf32> -> vector<1250x32xf32>
    %log3A = math.log %dot_general3A_157 : vector<1250x32xf32>
    %sub3A_158 = arith.subf %add3A_155, %log3A : vector<1250x32xf32>
    %swap3A = arith.constant 0 : index
    %swap3A_159 = arith.constant 0 : index
    %swap3A_160 = vector.load %arg5[%swap3A, %swap3A_159] : memref<1250x32xf32, #tpu.memory_space<vmem>>, vector<1250x32xf32>
    tpu.vector_store %arg5[%swap3A, %swap3A_159], %sub3A_158 {strides = array<i32>} : memref<1250x32xf32, #tpu.memory_space<vmem>>, vector<1250x32xf32>,
    return
  }
}

</mosaic_0001>

<sc_bundles>
// kernel: kernel.12.cloned.1.call-start
scs
__scs_entry_jumppad:
0x0: {  	(pc) =	sbr.rel $0x88, $3  }
0x1: {  	(tag) =	ssettag $0x0;
	lr =	simm.s32 $0x1  }
0x2: {  	[smem:$0x3F9B] =	sst lr;
	_ =	strace $0xD0000000  }
0x3: {  	_ = 	snop  }
0x4: {  	_ = 	snop  }
0x5: {  	_ = 	snop  }
0x6: {  	_ = 	snop  }
0x7: {  	_ = 	snop  }
__scs_overlays_trampoline_lowered:
0x8: {  	[smem:$0x3FAA] =	sst s0  }
0x9: {  	[smem:$0x3FAB] =	sst s1  }
0xa: {  	[smem:$0x3FAC] =	sst s2  }
0xb: {  	[smem:$0x3FAD] =	sst s3  }
0xc: {  	[smem:$0x3FAE] =	sst s4  }
0xd: {  	[smem:$0x3FAF] =	sst s5  }
0xe: {  	[smem:$0x3FB0] =	sst s6  }
0xf: {  	[smem:$0x3FB1] =	sst s7  }
0x10: {  	[smem:$0x3FB2] =	sst s8  }
0x11: {  	[smem:$0x3FB3] =	sst s9;
	s0 =	simm.s32 @!p0 $0x0  }
0x12: {  	s1 =	sld [smem:$0x3F99];
	s0 =	simm.s32 @p0 $0x1  }
0x13: {  	[smem:$0x3FB4] =	sst s0;
	s0 =	simm.s32 @!p1 $0x0  }
0x14: {  	s2 =	sld [smem:$0x3F98];
	s0 =	simm.s32 @p1 $0x1  }
0x15: {  	[smem:$0x3FB5] =	sst s0;
	s0 =	simm.s32 @!p2 $0x0  }
0x16: {  	s3 =	sld [smem:$0x3FDB];
	s0 =	simm.s32 @p2 $0x1  }
0x17: {  	s4 =	simm.s32 $0x1BF5;
	[smem:$0x3FB7] =	sst s0  }
0x18: {  	s0 =	sld [smem:$0x3F9A];
	_ =	swait.ge [sflag:s4], $0x0  }
0x19: {  	s7 =	sld [smem:$0x3F9B]  }
0x1a: {  	s8 =	sadd.s32 $0xFFFFE003, lr  }
0x1b: {  	s9 =	sadd.s32 $0xFFFFFEF7, lr;
	s5 =	simm.s32 $0xFFFFFFFF;
	p2 =	slt.u32 s8, $0xFFFFF086  }
0x1c: {  	p1 =	slt.u32 s9, $0xF7A;
	s5 =	simm.s32 @!p2 $0x0  }
0x1d: {  	s5 =	simm.s32 @p1 $0x1;
	p0 =	seq.s32 s7, s2  }
0x1e: {  	s7 =	smul.u32 @!p0 $0xF7A, s2;
	p2 =	seq.s32 @!p0 s5, $0x0  }
0x1f: {  	s9 =	smul.u32 $0xF7A, s1;
	s8 =	simm.s32 @!p0 $0x1BF5;
	p2 =	por !p2, p0  }
0x20: {  	[sflag:s8] =	ssyncset.s32 @!p0 $0xFFFFF086;
	s6 =	sadd.s32 @!p0 s3, s7;
	s7 =	simm.s32 @!p0 $0x108  }
0x21: {  	s3 =	sadd.s32 s3, s9;
	s6 =	sadd.s32 @!p0 $0x88, s6;
	s7 =	simm.s32 @p2 $0x1082  }
0x22: {  	[simem:s7], [sflag:s8] =	dma.local @!p0 [hbm:s6], $0xF7A  }
0x23: {  	s9 =	sor.u32 $0xD0000000, s2;
	s6 =	simm.s32 $0x108;
	_ =	swait.ge @!p0 [sflag:s8], $0x0  }
0x24: {  	s3 =	sadd.s32 $0x88, s3;
	s6 =	simm.s32 @!p1 $0x1082;
	[sflag:s4] =	ssyncset.s32 $0xFFFFF086  }
0x25: {  	[simem:s6], [sflag:s4] =	dma.local [hbm:s3], $0xF7A  }
0x26: {  	[smem:$0x3F9B] =	sst s1;
	(tag) =	ssettag s2;
	_ =	strace s9  }
0x27: {  	s1 =	sld [smem:$0x3FAB]  }
0x28: {  	s2 =	sld [smem:$0x3FAC]  }
0x29: {  	s4 =	sld [smem:$0x3FAE]  }
0x2a: {  	p0 =	seq.s32 s5, $0x0;
	s5 =	sld [smem:$0x3FAF]  }
0x2b: {  	s6 =	sld [smem:$0x3FB0]  }
0x2c: {  	s7 =	sld [smem:$0x3FB1]  }
0x2d: {  	s3 =	simm.s32 $0x108;
	s8 =	sld [smem:$0x3FB2]  }
0x2e: {  	s3 =	simm.s32 @!p0 $0x1082;
	s9 =	sld [smem:$0x3FB3]  }
0x2f: {  	lr =	sadd.s32 s0, s3;
	s0 =	sld [smem:$0x3FAA]  }
0x30: {  	s3 =	sld [smem:$0x3FAD]  }
0x31: {  	[smem:$0x3FB6] =	sst s10  }
0x32: {  	s10 =	sld [smem:$0x3FB4];
	_ =	sdelay $0x3  }
0x33: {  	p0 =	seq.s32 s10, $0x1;
	s10 =	sld [smem:$0x3FB6];
	_ =	sdelay $0x3  }
0x34: {  	[smem:$0x3FB6] =	sst s10  }
0x35: {  	s10 =	sld [smem:$0x3FB5];
	_ =	sdelay $0x3  }
0x36: {  	p1 =	seq.s32 s10, $0x1;
	s10 =	sld [smem:$0x3FB6];
	_ =	sdelay $0x3  }
0x37: {  	[smem:$0x3FB6] =	sst s10  }
0x38: {  	s10 =	sld [smem:$0x3FB7]  }
0x39: {  	_ = 	snop;
	(pc) =	sbr.ind lr, $3  }
0x3a: {  	_ = 	snop  }
0x3b: {  	_ = 	snop  }
0x3c: {  	p2 =	seq.s32 s10, $0x1;
	s10 =	sld [smem:$0x3FB6]  }
0x3d: {  	_ =	shalt  }
0x3e: {  	_ =	shalt  }
0x3f: {  	_ =	shalt  }
0x40: {  	_ =	shalt  }
0x41: {  	_ =	shalt  }
0x42: {  	_ =	shalt  }
0x43: {  	_ =	shalt  }
0x44: {  	_ =	shalt  }
0x45: {  	_ =	shalt  }
0x46: {  	_ =	shalt  }
0x47: {  	_ =	shalt  }
0x48: {  	_ =	shalt  }
0x49: {  	_ =	shalt  }
0x4a: {  	_ =	shalt  }
0x4b: {  	_ =	shalt  }
0x4c: {  	_ =	shalt  }
0x4d: {  	_ =	shalt  }
0x4e: {  	_ =	shalt  }
0x4f: {  	_ =	shalt  }
0x50: {  	_ =	shalt  }
0x51: {  	_ =	shalt  }
0x52: {  	_ =	shalt  }
0x53: {  	_ =	shalt  }
0x54: {  	_ =	shalt  }
0x55: {  	_ =	shalt  }
0x56: {  	_ =	shalt  }
0x57: {  	_ =	shalt  }
0x58: {  	_ =	shalt  }
0x59: {  	_ =	shalt  }
0x5a: {  	_ =	shalt  }
0x5b: {  	_ =	shalt  }
0x5c: {  	_ =	shalt  }
0x5d: {  	_ =	shalt  }
0x5e: {  	_ =	shalt  }
0x5f: {  	_ =	shalt  }
0x60: {  	_ =	shalt  }
0x61: {  	_ =	shalt  }
0x62: {  	_ =	shalt  }
0x63: {  	_ =	shalt  }
0x64: {  	_ =	shalt  }
0x65: {  	_ =	shalt  }
0x66: {  	_ =	shalt  }
0x67: {  	_ =	shalt  }
0x68: {  	_ =	shalt  }
0x69: {  	_ =	shalt  }
0x6a: {  	_ =	shalt  }
0x6b: {  	_ =	shalt  }
0x6c: {  	_ =	shalt  }
0x6d: {  	_ =	shalt  }
0x6e: {  	_ =	shalt  }
0x6f: {  	_ =	shalt  }
0x70: {  	_ =	shalt  }
0x71: {  	_ =	shalt  }
0x72: {  	_ =	shalt  }
0x73: {  	_ =	shalt  }
0x74: {  	_ =	shalt  }
0x75: {  	_ =	shalt  }
0x76: {  	_ =	shalt  }
0x77: {  	_ =	shalt  }
0x78: {  	_ =	shalt  }
0x79: {  	_ =	shalt  }
0x7a: {  	_ =	shalt  }
0x7b: {  	_ =	shalt  }
0x7c: {  	_ =	shalt  }
0x7d: {  	_ =	shalt  }
0x7e: {  	_ =	shalt  }
0x7f: {  	_ =	shalt  }
0x80: {  	_ =	shalt  }
0x81: {  	_ =	shalt  }
0x82: {  	_ =	shalt  }
0x83: {  	_ =	shalt  }
0x84: {  	_ =	shalt  }
0x85: {  	_ =	shalt  }
0x86: {  	_ =	shalt  }
0x87: {  	_ =	shalt  }
.Lfunc_end0:
.L_simem_size_0:
called_computation.1_lowered:
.L_overlay_start_0:
0x88: {  	s2 =	sld [smem:$0x3FD9]  }
0x89: {  	s3 =	sld [smem:$0x3FFE];
	_ =	sdelay $0x1  }
0x8a: {  	s1 =	srdreg.scid  }
0x8b: {  	s0 =	sand.u32 $0x1, s1  }
0x8c: {  	s16 =	sshll.u32 s0, $0xA;
	s2 =	sadd.s32 s3, s2  }
0x8d: {  	s2 =	sadd.s32 s2, s16  }
0x8e: {  	[smem:$0x3FC2] =	sst s2  }
0x8f: {  	_ = 	snop  }
0x90: {  	(tm) =	ssettm $0x1  }
0x91: {  	s17 =	sld [smem:$0x3FFB];
	_ =	sdelay $0x3  }
0x92: {  	_ =	strace s17  }
0x93: {  	s2 =	sld [smem:$0x3FFC];
	_ =	sdelay $0x3  }
0x94: {  	_ =	strace s2  }
0x95: {  	s2 =	sld [smem:$0x3FFD];
	_ =	sdelay $0x3  }
0x96: {  	_ =	strace s2  }
0x97: {  	_ =	strace $0x8FFFFFFF  }
0x98: {  	s18 =	sld [smem:$0x3FDB];
	_ =	sdelay $0x1  }
0x99: {  	s19 =	simm.s32 $_scs_section_size  }
0x9a: {  	s4 =	simm.s32 $_size__tile_overlayer_lowered;
	s5 =	simm.s32 $_tile_overlayer_lowered  }
0x9b: {  	s22 =	simm.s32 $0x1BFF;
	s21 =	sshll.u32 s5, $0x1;
	s2 =	sadd.s32 s19, s18  }
0x9c: {  	s6 =	simm.s32 $0x0;
	s20 =	sshll.u32 s4, $0x1;
	s4 =	sadd.s32 s21, s2  }
0x9d: {  	[timem:s6], [sflag:s22] =	dma.local [hbm:s4], s20  }
0x9e: {  	_ =	swait.ge [sflag:s22], s20  }
0x9f: {  	s3 =	ssub.s32 $0x0, s20;
	[sflag:s22] =	ssyncset.done $0x0  }
0xa0: {  	[sflag:s22] =	ssyncadd.s32 s3;
	_ =	sdelay $0x1  }
0xa1: {  	s23 =	simm.s32 $0x1B8B  }
0xa2: {  	_ =	swait.ge [sflag:s23], $0x1  }
0xa3: {  	[sflag:s23] =	ssyncset.done $0x0  }
0xa4: {  	s25 =	simm.s32 $0x1B8E;
	s24 =	sld [smem:$0x3FFE];
	[sflag:s23] =	ssyncadd.s32 $0xFFFFFFFF  }
0xa5: {  	s26 =	simm.s32 $execute0_lowered;
	[smem:$0x3FD2] =	sst s25  }
0xa6: {  	s4 =	sshll.u32 s26, $0x1;
	_ =	strace $0x80000049;
	[dreg:$0x1] =	wrdreg $0xFFFFFFFF  }
0xa7: {  	s28 =	simm.s32 $_size_execute0_lowered;
	s2 =	sadd.s32 s2, s4;
	[dreg:$0x0] =	wrdreg $0x0  }
0xa8: {  	s4 =	sshll.u32 s28, $0x1;
	[dreg:$0x2] =	wrdreg s2  }
0xa9: {  	[dreg:$0x3] =	wrdreg s4  }
0xaa: {  	[dreg:$0x4] =	wrdreg $0xC0  }
0xab: {  	_ =	task [dreg:s6], $0x5FFFF  }
0xac: {  	[dreg:$0x1] =	wrdreg $0xFFFFFFFF  }
0xad: {  	[dreg:$0x0] =	wrdreg $0x60  }
0xae: {  	[dreg:$0x2] =	wrdreg s24  }
0xaf: {  	[dreg:$0x3] =	wrdreg $0x8F200  }
0xb0: {  	[dreg:$0x4] =	wrdreg $0x9  }
0xb1: {  	_ =	task.clear_ibuf [dreg:s6], $0x5FFFF;
	_ =	strace $0x90000049  }
0xb2: {  	s29 =	simm.s32 $0x9;
	_ =	strace $0x8000004B  }
0xb3: {  	_ =	swait.ge [sflag:s29], $0x1  }
0xb4: {  	[sflag:s29] =	ssyncadd.s32 $0xFFFFFFFF  }
0xb5: {  	_ =	strace $0x9000004B  }
0xb6: {  	_ =	sfence  }
0xb7: {  	s30 =	sld [smem:$0x0];
	_ =	sdelay $0x2  }
0xb8: {  	s31 =	sshll.u32 s1, $0xD;
	s1 =	sshrl.u32 s1, $0x2  }
0xb9: {  	s3 =	sand.u32 $0x4000, s31;
	s1 =	sadd.s32 s1, s30  }
0xba: {  	s0 =	sor.u32 s3, s0;
	s1 =	sshll.u32 s1, $0x11  }
0xbb: {  	s0 =	sor.u32 s1, s0  }
0xbc: {  	s0 =	sadd.s32 $0x8F2B, s0  }
0xbd: {  	[sflag:s0] =	ssyncadd.remote.s32 $0x1  }
0xbe: {  	_ =	sfence.sel $0xFFFF  }
0xbf: {  	[dreg:$0x0] =	wrdreg $0xFFFFFFFF;
	(pc) =	sbr.abs _section_cstart, $3  }
0xc0: {  	[dreg:$0x1] =	wrdreg $0xFFFFFFFF  }
0xc1: {  	_ =	task.clear_ibuf [dreg:s6], $0x2FFFF;
	_ =	strace $0x9FFFFFFF  }
0xc2: {  	(tm) =	ssettm $0x7FFFFFFF  }
0xc3: {  	_ =	shalt  }
tec
execute0_lowered:
.L_overlay_start_1:
0x0: {  	(tag) =	ssettag $0x1  }
0x1: {  	s0 =	rddreg [dreg:$0x0]  }
0x2: {  	s2 =	rddreg [dreg:$0x1]  }
0x3: {  	s1 =	srdreg.scid;
	s4 =	stileid.u32;
	s6 =	simm.s32 $0x0  }
0x4: {  	s10 =	simm.s32 $0x6720;
	s11 =	simm.s32 $0x6;
	s13 =	simm.s32 $0x50  }
0x5: {  	s14 =	simm.s32 $0x4E20;
	s15 =	simm.s32 $0x5320;
	s17 =	simm.s32 $0x5820  }
0x6: {  	s18 =	simm.s32 $0xF0;
	s19 =	simm.s32 $0x5D20;
	s20 =	simm.s32 $0x140  }
0x7: {  	s21 =	simm.s32 $0x6220;
	s22 =	simm.s32 $0x1;
	s23 =	simm.s32 $0x2  }
0x8: {  	s24 =	simm.s32 $0x3;
	s25 =	simm.s32 $0x4;
	s28 =	simm.s32 $0x4C90  }
0x9: {  	s29 =	simm.s32 $0x4CE0;
	s30 =	simm.s32 $0x4D30;
	s31 =	simm.s32 $0x4D80  }
0xa: {  	s1 =	sand.u32 $0x1, s1;
	s5 =	smul.u32 $0x2800, s4;
	[smem:$0x7FF] =	sst s6  }
0xb: {  	s3 =	sshll.u32 s1, $0x4;
	s26 =	smul.u32 $0x28000, s1;
	_ =	strace $0x8000004A  }
0xc: {  	s1 =	ssub.s32 $0x2, s1;
	s3 =	sor.u32 s4, s3;
	s4 =	sadd.s32 $0x16000, s0  }
0xd: {  	s7 =	sshrl.u32 s1, $0x1;
	s3 =	smul.u32 $0x4E2, s3;
	s6 =	sadd.s32 s5, s26  }
0xe: {  	s1 =	ssub.s32 s1, s7;
	s5 =	sadd.s32 s5, s2;
	s26 =	simm.s32 $0x5  }
0xf: {  	s6 =	sshrl.u32 s6, $0x3;
	s9 =	smax.u32 s1, $0x1;
	s3 =	sadd.s32 s3, s0  }
0x10: {  	s1 =	simm.s32 $0x0;
	s0 =	sadd.s32 s6, s0;
	s6 =	sadd.s32 $0x2400, s3  }
0x11: {  	v0 =	vimm.f32 $0.0e+00;
	s7 =	sadd.s32 $0xC200, s3;
	s8 =	sadd.s32 $0x1B000, s0;
	s0 =	simm.s32 $0x4DD0  }
.LBB2_1:
0x12: {  	s3 =	simm.s32 $0x40;
	s12 =	simm.s32 $0x0  }
.LBB2_2:
0x13: {  	p0 =	sne.s32 s3, $0x9FC0;
	[tilespmem:s12+$0x6720] =	vst v0;
	s12 =	smov.u32 s3;
	s3 =	sadd.s32 $0x40, s3  }
.Ltmp0:
0x14: {  	(pc) =	sbr.rel @p0 .LBB2_2-.Ltmp0, $2  }
0x15: {  	_ =	sdelay $0x2  }
0x16: {  	s12 =	sshra.s32 s12, $0x2  }
0x17: {  	[tilespmem:s12+$0x6720] =	vst v0  }
0x18: {  	[spmem:s5] =	stream.linear.scatter [tilespmem:s10], [sflag:$0x6], $0x2800, $0x38;
	[tilespmem:$0xB720] =	vst v63  }
0x19: {  	_ =	swait.ge [sflag:s11], $0x2800  }
0x1a: {  	[sflag:s11] =	ssyncset.done $0x0  }
0x1b: {  	s3 =	simm.s32 $0x0;
	[sflag:s11] =	ssyncadd.s32 $0xFFFFD800  }
0x1c: {  	[tilespmem:s3], [sflag:$0x6] =	stream.linear.gather [hbm4b:s6+s3], $0x2710, $0x38;
	[tilespmem:$0xB720] =	vst v63  }
0x1d: {  	_ =	swait.ge [sflag:s11], $0x2710  }
0x1e: {  	[sflag:s11] =	ssyncset.done $0x0  }
0x1f: {  	s16 =	simm.s32 $0x2710;
	[sflag:s11] =	ssyncadd.s32 $0xFFFFD8F0  }
0x20: {  	[tilespmem:s16], [sflag:$0x6] =	stream.linear.gather [hbm4b:s7+s3], $0x2710, $0x38;
	[tilespmem:$0xB720] =	vst v63  }
0x21: {  	_ =	swait.ge [sflag:s11], $0x2710  }
0x22: {  	[sflag:s11] =	ssyncset.done $0x0  }
0x23: {  	[sflag:s11] =	ssyncadd.s32 $0xFFFFD8F0  }
0x24: {  	[bflag:$0x0] =	sbarrier.arrive $0xFFFF  }
0x25: {  	[tilespmem:s14], [sflag:$0x1] =	stream.indirect.gather [hbm4b:s4+s13], $0x10, s3, s13, $0xb8;
	[tilespmem:$0xB720] =	vst v63  }
0x26: {  	_ = 	snop  }
0x27: {  	[tilespmem:s15], [sflag:$0x2] =	stream.indirect.gather [hbm4b:s4+s13], $0x10, s13, s13, $0xb8;
	[tilespmem:$0xB720] =	vst v63  }
0x28: {  	s12 =	simm.s32 $0xA0  }
0x29: {  	[tilespmem:s17], [sflag:$0x3] =	stream.indirect.gather [hbm4b:s4+s13], $0x10, s12, s13, $0xb8;
	[tilespmem:$0xB720] =	vst v63  }
0x2a: {  	_ = 	snop  }
0x2b: {  	[tilespmem:s19], [sflag:$0x4] =	stream.indirect.gather [hbm4b:s4+s13], $0x10, s18, s13, $0xb8;
	[tilespmem:$0xB720] =	vst v63  }
0x2c: {  	_ = 	snop  }
0x2d: {  	[tilespmem:s21], [sflag:$0x5] =	stream.indirect.gather [hbm4b:s4+s13], $0x10, s20, s13, $0xb8;
	[tilespmem:$0xB720] =	vst v63  }
0x2e: {  	_ =	swait.ge [sflag:s22], $0x500  }
0x2f: {  	[sflag:s22] =	ssyncset.done $0x0  }
0x30: {  	s16 =	simm.s32 $0x2710;
	[sflag:s22] =	ssyncadd.s32 $0xFFFFFB00  }
0x31: {  	[spmem:s2] =	stream.indirect.scatter.add.f32 [tilespmem:s14], [sflag:$0x6], $0x10, s16, s13, $0xb8;
	[tilespmem:$0xB720] =	vst v63  }
0x32: {  	_ =	swait.ge [sflag:s11], $0x500  }
0x33: {  	[sflag:s11] =	ssyncset.done $0x0  }
0x34: {  	s12 =	simm.s32 $0x190;
	[sflag:s11] =	ssyncadd.s32 $0xFFFFFB00  }
0x35: {  	[tilespmem:s14], [sflag:$0x1] =	stream.indirect.gather [hbm4b:s4+s13], $0x10, s12, s13, $0xb8;
	[tilespmem:$0xB720] =	vst v63  }
0x36: {  	_ =	swait.ge [sflag:s23], $0x500  }
0x37: {  	[sflag:s23] =	ssyncset.done $0x0  }
0x38: {  	s16 =	simm.s32 $0x2760;
	[sflag:s23] =	ssyncadd.s32 $0xFFFFFB00  }
0x39: {  	[spmem:s2] =	stream.indirect.scatter.add.f32 [tilespmem:s15], [sflag:$0x6], $0x10, s16, s13, $0xb8;
	[tilespmem:$0xB720] =	vst v63  }
0x3a: {  	_ =	swait.ge [sflag:s11], $0x500  }
0x3b: {  	[sflag:s11] =	ssyncset.done $0x0  }
0x3c: {  	s12 =	simm.s32 $0x1E0;
	[sflag:s11] =	ssyncadd.s32 $0xFFFFFB00  }
0x3d: {  	[tilespmem:s15], [sflag:$0x2] =	stream.indirect.gather [hbm4b:s4+s13], $0x10, s12, s13, $0xb8;
	[tilespmem:$0xB720] =	vst v63  }
0x3e: {  	_ =	swait.ge [sflag:s24], $0x500  }
0x3f: {  	[sflag:s24] =	ssyncset.done $0x0  }
0x40: {  	s16 =	simm.s32 $0x27B0;
	[sflag:s24] =	ssyncadd.s32 $0xFFFFFB00  }
0x41: {  	[spmem:s2] =	stream.indirect.scatter.add.f32 [tilespmem:s17], [sflag:$0x6], $0x10, s16, s13, $0xb8;
	[tilespmem:$0xB720] =	vst v63  }
0x42: {  	_ =	swait.ge [sflag:s11], $0x500  }
0x43: {  	[sflag:s11] =	ssyncset.done $0x0  }
0x44: {  	s12 =	simm.s32 $0x230;
	[sflag:s11] =	ssyncadd.s32 $0xFFFFFB00  }
0x45: {  	[tilespmem:s17], [sflag:$0x3] =	stream.indirect.gather [hbm4b:s4+s13], $0x10, s12, s13, $0xb8;
	[tilespmem:$0xB720] =	vst v63  }
0x46: {  	_ =	swait.ge [sflag:s25], $0x500  }
0x47: {  	[sflag:s25] =	ssyncset.done $0x0  }
0x48: {  	s16 =	simm.s32 $0x2800;
	[sflag:s25] =	ssyncadd.s32 $0xFFFFFB00  }
0x49: {  	[spmem:s2] =	stream.indirect.scatter.add.f32 [tilespmem:s19], [sflag:$0x6], $0x10, s16, s13, $0xb8;
	[tilespmem:$0xB720] =	vst v63  }
0x4a: {  	_ =	swait.ge [sflag:s11], $0x500  }
0x4b: {  	[sflag:s11] =	ssyncset.done $0x0  }
0x4c: {  	s12 =	simm.s32 $0x280;
	[sflag:s11] =	ssyncadd.s32 $0xFFFFFB00  }
0x4d: {  	[tilespmem:s19], [sflag:$0x4] =	stream.indirect.gather [hbm4b:s4+s13], $0x10, s12, s13, $0xb8;
	[tilespmem:$0xB720] =	vst v63  }
0x4e: {  	_ =	swait.ge [sflag:s26], $0x500  }
0x4f: {  	[sflag:s26] =	ssyncset.done $0x0  }
0x50: {  	s16 =	simm.s32 $0x2850;
	[sflag:s26] =	ssyncadd.s32 $0xFFFFFB00  }
0x51: {  	[spmem:s2] =	stream.indirect.scatter.add.f32 [tilespmem:s21], [sflag:$0x6], $0x10, s16, s13, $0xb8;
	[tilespmem:$0xB720] =	vst v63  }
0x52: {  	_ =	swait.ge [sflag:s11], $0x500  }
0x53: {  	[sflag:s11] =	ssyncset.done $0x0  }
0x54: {  	s3 =	simm.s32 $0x640;
	s12 =	simm.s32 $0x2D0;
	[sflag:s11] =	ssyncadd.s32 $0xFFFFFB00  }
.LBB2_4:
0x55: {  	[tilespmem:s21], [sflag:$0x5] =	stream.indirect.gather [hbm4b:s4+s13], $0x10, s12, s13, $0xb8;
	[tilespmem:$0xB720] =	vst v63  }
0x56: {  	s12 =	smov.u32 s3  }
0x57: {  	p0 =	sne.s32 s3, $0x8FC0;
	s3 =	sadd.s32 $0x640, s3;
	_ =	swait.ge [sflag:s22], $0x500  }
0x58: {  	s12 =	sshra.s32 s12, $0x2;
	[sflag:s22] =	ssyncset.done $0x0  }
0x59: {  	s16 =	sadd.s32 $0x2710, s12;
	[sflag:s22] =	ssyncadd.s32 $0xFFFFFB00  }
0x5a: {  	[spmem:s2] =	stream.indirect.scatter.add.f32 [tilespmem:s14], [sflag:$0x6], $0x10, s16, s13, $0xb8;
	[tilespmem:$0xB720] =	vst v63  }
0x5b: {  	_ =	swait.ge [sflag:s11], $0x500  }
0x5c: {  	[sflag:s11] =	ssyncset.done $0x0  }
0x5d: {  	s16 =	sadd.s32 $0x190, s12;
	[sflag:s11] =	ssyncadd.s32 $0xFFFFFB00  }
0x5e: {  	[tilespmem:s14], [sflag:$0x1] =	stream.indirect.gather [hbm4b:s4+s13], $0x10, s16, s13, $0xb8;
	[tilespmem:$0xB720] =	vst v63  }
0x5f: {  	_ =	swait.ge [sflag:s23], $0x500  }
0x60: {  	[sflag:s23] =	ssyncset.done $0x0  }
0x61: {  	s16 =	sadd.s32 $0x2760, s12;
	[sflag:s23] =	ssyncadd.s32 $0xFFFFFB00  }
0x62: {  	[spmem:s2] =	stream.indirect.scatter.add.f32 [tilespmem:s15], [sflag:$0x6], $0x10, s16, s13, $0xb8;
	[tilespmem:$0xB720] =	vst v63  }
0x63: {  	_ =	swait.ge [sflag:s11], $0x500  }
0x64: {  	[sflag:s11] =	ssyncset.done $0x0  }
0x65: {  	s16 =	sadd.s32 $0x1E0, s12;
	[sflag:s11] =	ssyncadd.s32 $0xFFFFFB00  }
0x66: {  	[tilespmem:s15], [sflag:$0x2] =	stream.indirect.gather [hbm4b:s4+s13], $0x10, s16, s13, $0xb8;
	[tilespmem:$0xB720] =	vst v63  }
0x67: {  	_ =	swait.ge [sflag:s24], $0x500  }
0x68: {  	[sflag:s24] =	ssyncset.done $0x0  }
0x69: {  	s16 =	sadd.s32 $0x27B0, s12;
	[sflag:s24] =	ssyncadd.s32 $0xFFFFFB00  }
0x6a: {  	[spmem:s2] =	stream.indirect.scatter.add.f32 [tilespmem:s17], [sflag:$0x6], $0x10, s16, s13, $0xb8;
	[tilespmem:$0xB720] =	vst v63  }
0x6b: {  	_ =	swait.ge [sflag:s11], $0x500  }
0x6c: {  	[sflag:s11] =	ssyncset.done $0x0  }
0x6d: {  	s16 =	sadd.s32 $0x230, s12;
	[sflag:s11] =	ssyncadd.s32 $0xFFFFFB00  }
0x6e: {  	[tilespmem:s17], [sflag:$0x3] =	stream.indirect.gather [hbm4b:s4+s13], $0x10, s16, s13, $0xb8;
	[tilespmem:$0xB720] =	vst v63  }
0x6f: {  	_ =	swait.ge [sflag:s25], $0x500  }
0x70: {  	[sflag:s25] =	ssyncset.done $0x0  }
0x71: {  	s16 =	sadd.s32 $0x2800, s12;
	[sflag:s25] =	ssyncadd.s32 $0xFFFFFB00  }
0x72: {  	[spmem:s2] =	stream.indirect.scatter.add.f32 [tilespmem:s19], [sflag:$0x6], $0x10, s16, s13, $0xb8;
	[tilespmem:$0xB720] =	vst v63  }
0x73: {  	_ =	swait.ge [sflag:s11], $0x500  }
0x74: {  	[sflag:s11] =	ssyncset.done $0x0  }
0x75: {  	s16 =	sadd.s32 $0x280, s12;
	[sflag:s11] =	ssyncadd.s32 $0xFFFFFB00  }
0x76: {  	[tilespmem:s19], [sflag:$0x4] =	stream.indirect.gather [hbm4b:s4+s13], $0x10, s16, s13, $0xb8;
	[tilespmem:$0xB720] =	vst v63  }
0x77: {  	_ =	swait.ge [sflag:s26], $0x500  }
0x78: {  	[sflag:s26] =	ssyncset.done $0x0  }
.Ltmp1:
0x79: {  	s16 =	sadd.s32 $0x2850, s12;
	[sflag:s26] =	ssyncadd.s32 $0xFFFFFB00;
	(pc) =	sbr.rel @p0 .LBB2_4-.Ltmp1, $4  }
0x7a: {  	[spmem:s2] =	stream.indirect.scatter.add.f32 [tilespmem:s21], [sflag:$0x6], $0x10, s16, s13, $0xb8;
	[tilespmem:$0xB720] =	vst v63  }
0x7b: {  	_ =	swait.ge [sflag:s11], $0x500  }
0x7c: {  	[sflag:s11] =	ssyncset.done $0x0  }
0x7d: {  	s12 =	sadd.s32 $0x2D0, s12;
	[sflag:s11] =	ssyncadd.s32 $0xFFFFFB00  }
0x7e: {  	[tilespmem:s21], [sflag:$0x5] =	stream.indirect.gather [hbm4b:s4+s13], $0x10, s12, s13, $0xb8;
	[tilespmem:$0xB720] =	vst v63  }
0x7f: {  	_ =	swait.ge [sflag:s22], $0x500  }
0x80: {  	[sflag:s22] =	ssyncset.done $0x0  }
0x81: {  	[sflag:s22] =	ssyncadd.s32 $0xFFFFFB00  }
0x82: {  	[spmem:s2] =	stream.indirect.scatter.add.f32 [tilespmem:s14], [sflag:$0x6], $0x10, s28, s13, $0xb8;
	[tilespmem:$0xB720] =	vst v63  }
0x83: {  	_ =	swait.ge [sflag:s11], $0x500  }
0x84: {  	[sflag:s11] =	ssyncset.done $0x0  }
0x85: {  	[sflag:s11] =	ssyncadd.s32 $0xFFFFFB00  }
0x86: {  	_ =	swait.ge [sflag:s23], $0x500  }
0x87: {  	[sflag:s23] =	ssyncset.done $0x0  }
0x88: {  	[sflag:s23] =	ssyncadd.s32 $0xFFFFFB00  }
0x89: {  	[spmem:s2] =	stream.indirect.scatter.add.f32 [tilespmem:s15], [sflag:$0x6], $0x10, s29, s13, $0xb8;
	[tilespmem:$0xB720] =	vst v63  }
0x8a: {  	_ =	swait.ge [sflag:s11], $0x500  }
0x8b: {  	[sflag:s11] =	ssyncset.done $0x0  }
0x8c: {  	[sflag:s11] =	ssyncadd.s32 $0xFFFFFB00  }
0x8d: {  	_ =	swait.ge [sflag:s24], $0x500  }
0x8e: {  	[sflag:s24] =	ssyncset.done $0x0  }
0x8f: {  	[sflag:s24] =	ssyncadd.s32 $0xFFFFFB00  }
0x90: {  	[spmem:s2] =	stream.indirect.scatter.add.f32 [tilespmem:s17], [sflag:$0x6], $0x10, s30, s13, $0xb8;
	[tilespmem:$0xB720] =	vst v63  }
0x91: {  	_ =	swait.ge [sflag:s11], $0x500  }
0x92: {  	[sflag:s11] =	ssyncset.done $0x0  }
0x93: {  	[sflag:s11] =	ssyncadd.s32 $0xFFFFFB00  }
0x94: {  	_ =	swait.ge [sflag:s25], $0x500  }
0x95: {  	[sflag:s25] =	ssyncset.done $0x0  }
0x96: {  	[sflag:s25] =	ssyncadd.s32 $0xFFFFFB00  }
0x97: {  	[spmem:s2] =	stream.indirect.scatter.add.f32 [tilespmem:s19], [sflag:$0x6], $0x10, s31, s13, $0xb8;
	[tilespmem:$0xB720] =	vst v63  }
0x98: {  	_ =	swait.ge [sflag:s11], $0x500  }
0x99: {  	[sflag:s11] =	ssyncset.done $0x0  }
0x9a: {  	[sflag:s11] =	ssyncadd.s32 $0xFFFFFB00  }
0x9b: {  	_ =	swait.ge [sflag:s26], $0x500  }
0x9c: {  	[sflag:s26] =	ssyncset.done $0x0  }
0x9d: {  	[sflag:s26] =	ssyncadd.s32 $0xFFFFFB00  }
0x9e: {  	[spmem:s2] =	stream.indirect.scatter.add.f32 [tilespmem:s21], [sflag:$0x6], $0x10, s0, s13, $0xb8;
	[tilespmem:$0xB720] =	vst v63  }
0x9f: {  	_ =	swait.ge [sflag:s11], $0x500  }
0xa0: {  	[sflag:s11] =	ssyncset.done $0x0  }
0xa1: {  	[sflag:s11] =	ssyncadd.s32 $0xFFFFFB00  }
0xa2: {  	[bflag:$0x0] =	sbarrier.arrive $0xFFFF  }
0xa3: {  	[tilespmem:s10], [sflag:$0x6] =	stream.linear.gather [spmem:s5], $0x2800, $0x38;
	[tilespmem:$0xB720] =	vst v63  }
0xa4: {  	s1 =	sadd.s32 $0x1, s1;
	_ =	swait.ge [sflag:s11], $0x2800  }
0xa5: {  	p0 =	sne.s32 s1, s9;
	[sflag:s11] =	ssyncset.done $0x0  }
.Ltmp2:
0xa6: {  	s3 =	simm.s32 $0x0;
	[sflag:s11] =	ssyncadd.s32 $0xFFFFD800;
	(pc) =	sbr.rel @p0 .LBB2_1-.Ltmp2, $4  }
0xa7: {  	[hbm4b:s8+s3] =	stream.linear.scatter [tilespmem:s10], [sflag:$0x6], $0x2800, $0x38;
	[tilespmem:$0xB720] =	vst v63  }
0xa8: {  	_ =	swait.ge [sflag:s11], $0x2800  }
0xa9: {  	[sflag:s11] =	ssyncset.done $0x0  }
0xaa: {  	[sflag:s11] =	ssyncadd.s32 $0xFFFFD800  }
0xab: {  	_ =	sfence.sel $0x180000  }
0xac: {  	[bflag:$0x0] =	sbarrier.arrive $0xFFFF  }
0xad: {  	_ =	strace $0x9000004A  }
0xae: {  	s0 =	stileid.u32;
	[bflag:$0x2] =	sbarrier.arrive $0xFFFF  }
0xaf: {  	p0 =	sne.s32 s0, $0x0;
	s0 =	rddreg [dreg:$0x2]  }
0xb0: {  	s0 =	sadd.s32 @!p0 $0x100000, s0  }
0xb1: {  	[sflag:s0] =	ssyncadd.tile.s32 @!p0 $0x1;
	_ =	shalt  }
.Lfunc_end2:
_tile_overlayer_lowered:
.L_overlay_start_2:
0xb2: {  	(tag) =	ssettag $0x2  }
0xb3: {  	s0 =	rddreg [dreg:$0x0];
	s2 =	stileid.u32  }
0xb4: {  	s1 =	rddreg [dreg:$0x1];
	p0 =	sne.s32 s2, $0x0  }
0xb5: {  	s3 =	rddreg [dreg:$0x2];
	[bflag:$0x3] =	sbarrier.arrive $0xFFFF;
	s2 =	simm.s32 @!p0 $0x1C06  }
0xb6: {  	[timem:s3], [sflag:s2] =	dma.local @!p0 [hbm:s0], s1  }
0xb7: {  	s0 =	simm.s32 @!p0 $0x6  }
0xb8: {  	_ =	swait.ge @!p0 [sflag:s0], s1  }
0xb9: {  	s1 =	ssub.s32 @!p0 $0x0, s1;
	[sflag:s0] =	ssyncset.done @!p0 $0x0  }
0xba: {  	[sflag:s0] =	ssyncadd.s32 @!p0 s1  }
0xbb: {  	[bflag:$0x3] =	sbarrier.arrive $0xFFFF  }
0xbc: {  	_ =	shalt  }

// kernel: kernel.15.cloned.1.call-start
scs
__scs_entry_jumppad:
0x0: {  	(pc) =	sbr.rel $0x88, $3  }
0x1: {  	(tag) =	ssettag $0x0;
	lr =	simm.s32 $0x1  }
0x2: {  	[smem:$0x3F9B] =	sst lr;
	_ =	strace $0xD0000000  }
0x3: {  	_ = 	snop  }
0x4: {  	_ = 	snop  }
0x5: {  	_ = 	snop  }
0x6: {  	_ = 	snop  }
0x7: {  	_ = 	snop  }
__scs_overlays_trampoline_lowered:
0x8: {  	[smem:$0x3FAA] =	sst s0  }
0x9: {  	[smem:$0x3FAB] =	sst s1  }
0xa: {  	[smem:$0x3FAC] =	sst s2  }
0xb: {  	[smem:$0x3FAD] =	sst s3  }
0xc: {  	[smem:$0x3FAE] =	sst s4  }
0xd: {  	[smem:$0x3FAF] =	sst s5  }
0xe: {  	[smem:$0x3FB0] =	sst s6  }
0xf: {  	[smem:$0x3FB1] =	sst s7  }
0x10: {  	[smem:$0x3FB2] =	sst s8  }
0x11: {  	[smem:$0x3FB3] =	sst s9;
	s0 =	simm.s32 @!p0 $0x0  }
0x12: {  	s1 =	sld [smem:$0x3F99];
	s0 =	simm.s32 @p0 $0x1  }
0x13: {  	[smem:$0x3FB4] =	sst s0;
	s0 =	simm.s32 @!p1 $0x0  }
0x14: {  	s2 =	sld [smem:$0x3F98];
	s0 =	simm.s32 @p1 $0x1  }
0x15: {  	[smem:$0x3FB5] =	sst s0;
	s0 =	simm.s32 @!p2 $0x0  }
0x16: {  	s3 =	sld [smem:$0x3FDB];
	s0 =	simm.s32 @p2 $0x1  }
0x17: {  	s4 =	simm.s32 $0x1BF5;
	[smem:$0x3FB7] =	sst s0  }
0x18: {  	s0 =	sld [smem:$0x3F9A];
	_ =	swait.ge [sflag:s4], $0x0  }
0x19: {  	s7 =	sld [smem:$0x3F9B]  }
0x1a: {  	s8 =	sadd.s32 $0xFFFFE003, lr  }
0x1b: {  	s9 =	sadd.s32 $0xFFFFFEF7, lr;
	s5 =	simm.s32 $0xFFFFFFFF;
	p2 =	slt.u32 s8, $0xFFFFF086  }
0x1c: {  	p1 =	slt.u32 s9, $0xF7A;
	s5 =	simm.s32 @!p2 $0x0  }
0x1d: {  	s5 =	simm.s32 @p1 $0x1;
	p0 =	seq.s32 s7, s2  }
0x1e: {  	s7 =	smul.u32 @!p0 $0xF7A, s2;
	p2 =	seq.s32 @!p0 s5, $0x0  }
0x1f: {  	s9 =	smul.u32 $0xF7A, s1;
	s8 =	simm.s32 @!p0 $0x1BF5;
	p2 =	por !p2, p0  }
0x20: {  	[sflag:s8] =	ssyncset.s32 @!p0 $0xFFFFF086;
	s6 =	sadd.s32 @!p0 s3, s7;
	s7 =	simm.s32 @!p0 $0x108  }
0x21: {  	s3 =	sadd.s32 s3, s9;
	s6 =	sadd.s32 @!p0 $0x88, s6;
	s7 =	simm.s32 @p2 $0x1082  }
0x22: {  	[simem:s7], [sflag:s8] =	dma.local @!p0 [hbm:s6], $0xF7A  }
0x23: {  	s9 =	sor.u32 $0xD0000000, s2;
	s6 =	simm.s32 $0x108;
	_ =	swait.ge @!p0 [sflag:s8], $0x0  }
0x24: {  	s3 =	sadd.s32 $0x88, s3;
	s6 =	simm.s32 @!p1 $0x1082;
	[sflag:s4] =	ssyncset.s32 $0xFFFFF086  }
0x25: {  	[simem:s6], [sflag:s4] =	dma.local [hbm:s3], $0xF7A  }
0x26: {  	[smem:$0x3F9B] =	sst s1;
	(tag) =	ssettag s2;
	_ =	strace s9  }
0x27: {  	s1 =	sld [smem:$0x3FAB]  }
0x28: {  	s2 =	sld [smem:$0x3FAC]  }
0x29: {  	s4 =	sld [smem:$0x3FAE]  }
0x2a: {  	p0 =	seq.s32 s5, $0x0;
	s5 =	sld [smem:$0x3FAF]  }
0x2b: {  	s6 =	sld [smem:$0x3FB0]  }
0x2c: {  	s7 =	sld [smem:$0x3FB1]  }
0x2d: {  	s3 =	simm.s32 $0x108;
	s8 =	sld [smem:$0x3FB2]  }
0x2e: {  	s3 =	simm.s32 @!p0 $0x1082;
	s9 =	sld [smem:$0x3FB3]  }
0x2f: {  	lr =	sadd.s32 s0, s3;
	s0 =	sld [smem:$0x3FAA]  }
0x30: {  	s3 =	sld [smem:$0x3FAD]  }
0x31: {  	[smem:$0x3FB6] =	sst s10  }
0x32: {  	s10 =	sld [smem:$0x3FB4];
	_ =	sdelay $0x3  }
0x33: {  	p0 =	seq.s32 s10, $0x1;
	s10 =	sld [smem:$0x3FB6];
	_ =	sdelay $0x3  }
0x34: {  	[smem:$0x3FB6] =	sst s10  }
0x35: {  	s10 =	sld [smem:$0x3FB5];
	_ =	sdelay $0x3  }
0x36: {  	p1 =	seq.s32 s10, $0x1;
	s10 =	sld [smem:$0x3FB6];
	_ =	sdelay $0x3  }
0x37: {  	[smem:$0x3FB6] =	sst s10  }
0x38: {  	s10 =	sld [smem:$0x3FB7]  }
0x39: {  	_ = 	snop;
	(pc) =	sbr.ind lr, $3  }
0x3a: {  	_ = 	snop  }
0x3b: {  	_ = 	snop  }
0x3c: {  	p2 =	seq.s32 s10, $0x1;
	s10 =	sld [smem:$0x3FB6]  }
0x3d: {  	_ =	shalt  }
0x3e: {  	_ =	shalt  }
0x3f: {  	_ =	shalt  }
0x40: {  	_ =	shalt  }
0x41: {  	_ =	shalt  }
0x42: {  	_ =	shalt  }
0x43: {  	_ =	shalt  }
0x44: {  	_ =	shalt  }
0x45: {  	_ =	shalt  }
0x46: {  	_ =	shalt  }
0x47: {  	_ =	shalt  }
0x48: {  	_ =	shalt  }
0x49: {  	_ =	shalt  }
0x4a: {  	_ =	shalt  }
0x4b: {  	_ =	shalt  }
0x4c: {  	_ =	shalt  }
0x4d: {  	_ =	shalt  }
0x4e: {  	_ =	shalt  }
0x4f: {  	_ =	shalt  }
0x50: {  	_ =	shalt  }
0x51: {  	_ =	shalt  }
0x52: {  	_ =	shalt  }
0x53: {  	_ =	shalt  }
0x54: {  	_ =	shalt  }
0x55: {  	_ =	shalt  }
0x56: {  	_ =	shalt  }
0x57: {  	_ =	shalt  }
0x58: {  	_ =	shalt  }
0x59: {  	_ =	shalt  }
0x5a: {  	_ =	shalt  }
0x5b: {  	_ =	shalt  }
0x5c: {  	_ =	shalt  }
0x5d: {  	_ =	shalt  }
0x5e: {  	_ =	shalt  }
0x5f: {  	_ =	shalt  }
0x60: {  	_ =	shalt  }
0x61: {  	_ =	shalt  }
0x62: {  	_ =	shalt  }
0x63: {  	_ =	shalt  }
0x64: {  	_ =	shalt  }
0x65: {  	_ =	shalt  }
0x66: {  	_ =	shalt  }
0x67: {  	_ =	shalt  }
0x68: {  	_ =	shalt  }
0x69: {  	_ =	shalt  }
0x6a: {  	_ =	shalt  }
0x6b: {  	_ =	shalt  }
0x6c: {  	_ =	shalt  }
0x6d: {  	_ =	shalt  }
0x6e: {  	_ =	shalt  }
0x6f: {  	_ =	shalt  }
0x70: {  	_ =	shalt  }
0x71: {  	_ =	shalt  }
0x72: {  	_ =	shalt  }
0x73: {  	_ =	shalt  }
0x74: {  	_ =	shalt  }
0x75: {  	_ =	shalt  }
0x76: {  	_ =	shalt  }
0x77: {  	_ =	shalt  }
0x78: {  	_ =	shalt  }
0x79: {  	_ =	shalt  }
0x7a: {  	_ =	shalt  }
0x7b: {  	_ =	shalt  }
0x7c: {  	_ =	shalt  }
0x7d: {  	_ =	shalt  }
0x7e: {  	_ =	shalt  }
0x7f: {  	_ =	shalt  }
0x80: {  	_ =	shalt  }
0x81: {  	_ =	shalt  }
0x82: {  	_ =	shalt  }
0x83: {  	_ =	shalt  }
0x84: {  	_ =	shalt  }
0x85: {  	_ =	shalt  }
0x86: {  	_ =	shalt  }
0x87: {  	_ =	shalt  }
.Lfunc_end0:
.L_simem_size_0:
called_computation.2_lowered:
.L_overlay_start_0:
0x88: {  	s2 =	sld [smem:$0x3FD9]  }
0x89: {  	s3 =	sld [smem:$0x3FFE];
	_ =	sdelay $0x1  }
0x8a: {  	s1 =	srdreg.scid  }
0x8b: {  	s0 =	sand.u32 $0x1, s1  }
0x8c: {  	s16 =	sshll.u32 s0, $0xA;
	s2 =	sadd.s32 s3, s2  }
0x8d: {  	s2 =	sadd.s32 s2, s16  }
0x8e: {  	[smem:$0x3FC2] =	sst s2  }
0x8f: {  	_ = 	snop  }
0x90: {  	(tm) =	ssettm $0x1  }
0x91: {  	s17 =	sld [smem:$0x3FFB];
	_ =	sdelay $0x3  }
0x92: {  	_ =	strace s17  }
0x93: {  	s2 =	sld [smem:$0x3FFC];
	_ =	sdelay $0x3  }
0x94: {  	_ =	strace s2  }
0x95: {  	s2 =	sld [smem:$0x3FFD];
	_ =	sdelay $0x3  }
0x96: {  	_ =	strace s2  }
0x97: {  	_ =	strace $0x8FFFFFFF  }
0x98: {  	s18 =	sld [smem:$0x3FDB];
	_ =	sdelay $0x1  }
0x99: {  	s19 =	simm.s32 $_scs_section_size  }
0x9a: {  	s4 =	simm.s32 $_size__tile_overlayer_lowered;
	s5 =	simm.s32 $_tile_overlayer_lowered  }
0x9b: {  	s22 =	simm.s32 $0x1BFF;
	s21 =	sshll.u32 s5, $0x1;
	s2 =	sadd.s32 s19, s18  }
0x9c: {  	s6 =	simm.s32 $0x0;
	s20 =	sshll.u32 s4, $0x1;
	s4 =	sadd.s32 s21, s2  }
0x9d: {  	[timem:s6], [sflag:s22] =	dma.local [hbm:s4], s20  }
0x9e: {  	_ =	swait.ge [sflag:s22], s20  }
0x9f: {  	s3 =	ssub.s32 $0x0, s20;
	[sflag:s22] =	ssyncset.done $0x0  }
0xa0: {  	[sflag:s22] =	ssyncadd.s32 s3;
	_ =	sdelay $0x1  }
0xa1: {  	s23 =	simm.s32 $0x1B8B  }
0xa2: {  	_ =	swait.ge [sflag:s23], $0x1  }
0xa3: {  	[sflag:s23] =	ssyncset.done $0x0  }
0xa4: {  	s25 =	simm.s32 $0x1B8E;
	s24 =	sld [smem:$0x3FFE];
	[sflag:s23] =	ssyncadd.s32 $0xFFFFFFFF  }
0xa5: {  	s26 =	simm.s32 $execute0_lowered;
	[smem:$0x3FD2] =	sst s25  }
0xa6: {  	s4 =	sshll.u32 s26, $0x1;
	_ =	strace $0x8000004C;
	[dreg:$0x1] =	wrdreg $0xFFFFFFFF  }
0xa7: {  	s28 =	simm.s32 $_size_execute0_lowered;
	s2 =	sadd.s32 s2, s4;
	[dreg:$0x0] =	wrdreg $0x0  }
0xa8: {  	s4 =	sshll.u32 s28, $0x1;
	[dreg:$0x2] =	wrdreg s2  }
0xa9: {  	[dreg:$0x3] =	wrdreg s4  }
0xaa: {  	[dreg:$0x4] =	wrdreg $0xC0  }
0xab: {  	_ =	task [dreg:s6], $0x5FFFF  }
0xac: {  	[dreg:$0x1] =	wrdreg $0xFFFFFFFF  }
0xad: {  	[dreg:$0x0] =	wrdreg $0x60  }
0xae: {  	[dreg:$0x2] =	wrdreg s24  }
0xaf: {  	[dreg:$0x3] =	wrdreg $0x8F200  }
0xb0: {  	[dreg:$0x4] =	wrdreg $0x9  }
0xb1: {  	_ =	task.clear_ibuf [dreg:s6], $0x5FFFF;
	_ =	strace $0x9000004C  }
0xb2: {  	s29 =	simm.s32 $0x9;
	_ =	strace $0x8000004E  }
0xb3: {  	_ =	swait.ge [sflag:s29], $0x1  }
0xb4: {  	[sflag:s29] =	ssyncadd.s32 $0xFFFFFFFF  }
0xb5: {  	_ =	strace $0x9000004E  }
0xb6: {  	_ =	sfence  }
0xb7: {  	s30 =	sld [smem:$0x0];
	_ =	sdelay $0x2  }
0xb8: {  	s31 =	sshll.u32 s1, $0xD;
	s1 =	sshrl.u32 s1, $0x2  }
0xb9: {  	s3 =	sand.u32 $0x4000, s31;
	s1 =	sadd.s32 s1, s30  }
0xba: {  	s0 =	sor.u32 s3, s0;
	s1 =	sshll.u32 s1, $0x11  }
0xbb: {  	s0 =	sor.u32 s1, s0  }
0xbc: {  	s0 =	sadd.s32 $0x8F2B, s0  }
0xbd: {  	[sflag:s0] =	ssyncadd.remote.s32 $0x1  }
0xbe: {  	_ =	sfence.sel $0xFFFF  }
0xbf: {  	[dreg:$0x0] =	wrdreg $0xFFFFFFFF;
	(pc) =	sbr.abs _section_cstart, $3  }
0xc0: {  	[dreg:$0x1] =	wrdreg $0xFFFFFFFF  }
0xc1: {  	_ =	task.clear_ibuf [dreg:s6], $0x2FFFF;
	_ =	strace $0x9FFFFFFF  }
0xc2: {  	(tm) =	ssettm $0x7FFFFFFF  }
0xc3: {  	_ =	shalt  }
tec
execute0_lowered:
.L_overlay_start_1:
0x0: {  	(tag) =	ssettag $0x1  }
0x1: {  	s0 =	rddreg [dreg:$0x0]  }
0x2: {  	s2 =	rddreg [dreg:$0x1]  }
0x3: {  	s1 =	srdreg.scid;
	s4 =	stileid.u32;
	s6 =	simm.s32 $0x0  }
0x4: {  	s10 =	simm.s32 $0x6720;
	s11 =	simm.s32 $0x6;
	s13 =	simm.s32 $0x50  }
0x5: {  	s14 =	simm.s32 $0x4E20;
	s15 =	simm.s32 $0x5320;
	s17 =	simm.s32 $0x5820  }
0x6: {  	s18 =	simm.s32 $0xF0;
	s19 =	simm.s32 $0x5D20;
	s20 =	simm.s32 $0x140  }
0x7: {  	s21 =	simm.s32 $0x6220;
	s22 =	simm.s32 $0x1;
	s23 =	simm.s32 $0x2  }
0x8: {  	s24 =	simm.s32 $0x3;
	s25 =	simm.s32 $0x4;
	s28 =	simm.s32 $0x4C90  }
0x9: {  	s29 =	simm.s32 $0x4CE0;
	s30 =	simm.s32 $0x4D30;
	s31 =	simm.s32 $0x4D80  }
0xa: {  	s1 =	sand.u32 $0x1, s1;
	s5 =	smul.u32 $0x2800, s4;
	[smem:$0x7FF] =	sst s6  }
0xb: {  	s3 =	sshll.u32 s1, $0x4;
	s26 =	smul.u32 $0x28000, s1;
	_ =	strace $0x8000004D  }
0xc: {  	s1 =	ssub.s32 $0x2, s1;
	s3 =	sor.u32 s4, s3;
	s4 =	sadd.s32 $0x16000, s0  }
0xd: {  	s7 =	sshrl.u32 s1, $0x1;
	s3 =	smul.u32 $0x4E2, s3;
	s6 =	sadd.s32 s5, s26  }
0xe: {  	s1 =	ssub.s32 s1, s7;
	s5 =	sadd.s32 s5, s2;
	s26 =	simm.s32 $0x5  }
0xf: {  	s6 =	sshrl.u32 s6, $0x3;
	s9 =	smax.u32 s1, $0x1;
	s3 =	sadd.s32 s3, s0  }
0x10: {  	s1 =	simm.s32 $0x0;
	s0 =	sadd.s32 s6, s0;
	s6 =	sadd.s32 $0x2400, s3  }
0x11: {  	v0 =	vimm.f32 $0.0e+00;
	s7 =	sadd.s32 $0xC200, s3;
	s8 =	sadd.s32 $0x1B000, s0;
	s0 =	simm.s32 $0x4DD0  }
.LBB2_1:
0x12: {  	s3 =	simm.s32 $0x40;
	s12 =	simm.s32 $0x0  }
.LBB2_2:
0x13: {  	p0 =	sne.s32 s3, $0x9FC0;
	[tilespmem:s12+$0x6720] =	vst v0;
	s12 =	smov.u32 s3;
	s3 =	sadd.s32 $0x40, s3  }
.Ltmp0:
0x14: {  	(pc) =	sbr.rel @p0 .LBB2_2-.Ltmp0, $2  }
0x15: {  	_ =	sdelay $0x2  }
0x16: {  	s12 =	sshra.s32 s12, $0x2  }
0x17: {  	[tilespmem:s12+$0x6720] =	vst v0  }
0x18: {  	[spmem:s5] =	stream.linear.scatter [tilespmem:s10], [sflag:$0x6], $0x2800, $0x38;
	[tilespmem:$0xB720] =	vst v63  }
0x19: {  	_ =	swait.ge [sflag:s11], $0x2800  }
0x1a: {  	[sflag:s11] =	ssyncset.done $0x0  }
0x1b: {  	s3 =	simm.s32 $0x0;
	[sflag:s11] =	ssyncadd.s32 $0xFFFFD800  }
0x1c: {  	[tilespmem:s3], [sflag:$0x6] =	stream.linear.gather [hbm4b:s6+s3], $0x2710, $0x38;
	[tilespmem:$0xB720] =	vst v63  }
0x1d: {  	_ =	swait.ge [sflag:s11], $0x2710  }
0x1e: {  	[sflag:s11] =	ssyncset.done $0x0  }
0x1f: {  	s16 =	simm.s32 $0x2710;
	[sflag:s11] =	ssyncadd.s32 $0xFFFFD8F0  }
0x20: {  	[tilespmem:s16], [sflag:$0x6] =	stream.linear.gather [hbm4b:s7+s3], $0x2710, $0x38;
	[tilespmem:$0xB720] =	vst v63  }
0x21: {  	_ =	swait.ge [sflag:s11], $0x2710  }
0x22: {  	[sflag:s11] =	ssyncset.done $0x0  }
0x23: {  	[sflag:s11] =	ssyncadd.s32 $0xFFFFD8F0  }
0x24: {  	[bflag:$0x0] =	sbarrier.arrive $0xFFFF  }
0x25: {  	[tilespmem:s14], [sflag:$0x1] =	stream.indirect.gather [hbm4b:s4+s13], $0x10, s3, s13, $0xb8;
	[tilespmem:$0xB720] =	vst v63  }
0x26: {  	_ = 	snop  }
0x27: {  	[tilespmem:s15], [sflag:$0x2] =	stream.indirect.gather [hbm4b:s4+s13], $0x10, s13, s13, $0xb8;
	[tilespmem:$0xB720] =	vst v63  }
0x28: {  	s12 =	simm.s32 $0xA0  }
0x29: {  	[tilespmem:s17], [sflag:$0x3] =	stream.indirect.gather [hbm4b:s4+s13], $0x10, s12, s13, $0xb8;
	[tilespmem:$0xB720] =	vst v63  }
0x2a: {  	_ = 	snop  }
0x2b: {  	[tilespmem:s19], [sflag:$0x4] =	stream.indirect.gather [hbm4b:s4+s13], $0x10, s18, s13, $0xb8;
	[tilespmem:$0xB720] =	vst v63  }
0x2c: {  	_ = 	snop  }
0x2d: {  	[tilespmem:s21], [sflag:$0x5] =	stream.indirect.gather [hbm4b:s4+s13], $0x10, s20, s13, $0xb8;
	[tilespmem:$0xB720] =	vst v63  }
0x2e: {  	_ =	swait.ge [sflag:s22], $0x500  }
0x2f: {  	[sflag:s22] =	ssyncset.done $0x0  }
0x30: {  	s16 =	simm.s32 $0x2710;
	[sflag:s22] =	ssyncadd.s32 $0xFFFFFB00  }
0x31: {  	[spmem:s2] =	stream.indirect.scatter.add.f32 [tilespmem:s14], [sflag:$0x6], $0x10, s16, s13, $0xb8;
	[tilespmem:$0xB720] =	vst v63  }
0x32: {  	_ =	swait.ge [sflag:s11], $0x500  }
0x33: {  	[sflag:s11] =	ssyncset.done $0x0  }
0x34: {  	s12 =	simm.s32 $0x190;
	[sflag:s11] =	ssyncadd.s32 $0xFFFFFB00  }
0x35: {  	[tilespmem:s14], [sflag:$0x1] =	stream.indirect.gather [hbm4b:s4+s13], $0x10, s12, s13, $0xb8;
	[tilespmem:$0xB720] =	vst v63  }
0x36: {  	_ =	swait.ge [sflag:s23], $0x500  }
0x37: {  	[sflag:s23] =	ssyncset.done $0x0  }
0x38: {  	s16 =	simm.s32 $0x2760;
	[sflag:s23] =	ssyncadd.s32 $0xFFFFFB00  }
0x39: {  	[spmem:s2] =	stream.indirect.scatter.add.f32 [tilespmem:s15], [sflag:$0x6], $0x10, s16, s13, $0xb8;
	[tilespmem:$0xB720] =	vst v63  }
0x3a: {  	_ =	swait.ge [sflag:s11], $0x500  }
0x3b: {  	[sflag:s11] =	ssyncset.done $0x0  }
0x3c: {  	s12 =	simm.s32 $0x1E0;
	[sflag:s11] =	ssyncadd.s32 $0xFFFFFB00  }
0x3d: {  	[tilespmem:s15], [sflag:$0x2] =	stream.indirect.gather [hbm4b:s4+s13], $0x10, s12, s13, $0xb8;
	[tilespmem:$0xB720] =	vst v63  }
0x3e: {  	_ =	swait.ge [sflag:s24], $0x500  }
0x3f: {  	[sflag:s24] =	ssyncset.done $0x0  }
0x40: {  	s16 =	simm.s32 $0x27B0;
	[sflag:s24] =	ssyncadd.s32 $0xFFFFFB00  }
0x41: {  	[spmem:s2] =	stream.indirect.scatter.add.f32 [tilespmem:s17], [sflag:$0x6], $0x10, s16, s13, $0xb8;
	[tilespmem:$0xB720] =	vst v63  }
0x42: {  	_ =	swait.ge [sflag:s11], $0x500  }
0x43: {  	[sflag:s11] =	ssyncset.done $0x0  }
0x44: {  	s12 =	simm.s32 $0x230;
	[sflag:s11] =	ssyncadd.s32 $0xFFFFFB00  }
0x45: {  	[tilespmem:s17], [sflag:$0x3] =	stream.indirect.gather [hbm4b:s4+s13], $0x10, s12, s13, $0xb8;
	[tilespmem:$0xB720] =	vst v63  }
0x46: {  	_ =	swait.ge [sflag:s25], $0x500  }
0x47: {  	[sflag:s25] =	ssyncset.done $0x0  }
0x48: {  	s16 =	simm.s32 $0x2800;
	[sflag:s25] =	ssyncadd.s32 $0xFFFFFB00  }
0x49: {  	[spmem:s2] =	stream.indirect.scatter.add.f32 [tilespmem:s19], [sflag:$0x6], $0x10, s16, s13, $0xb8;
	[tilespmem:$0xB720] =	vst v63  }
0x4a: {  	_ =	swait.ge [sflag:s11], $0x500  }
0x4b: {  	[sflag:s11] =	ssyncset.done $0x0  }
0x4c: {  	s12 =	simm.s32 $0x280;
	[sflag:s11] =	ssyncadd.s32 $0xFFFFFB00  }
0x4d: {  	[tilespmem:s19], [sflag:$0x4] =	stream.indirect.gather [hbm4b:s4+s13], $0x10, s12, s13, $0xb8;
	[tilespmem:$0xB720] =	vst v63  }
0x4e: {  	_ =	swait.ge [sflag:s26], $0x500  }
0x4f: {  	[sflag:s26] =	ssyncset.done $0x0  }
0x50: {  	s16 =	simm.s32 $0x2850;
	[sflag:s26] =	ssyncadd.s32 $0xFFFFFB00  }
0x51: {  	[spmem:s2] =	stream.indirect.scatter.add.f32 [tilespmem:s21], [sflag:$0x6], $0x10, s16, s13, $0xb8;
	[tilespmem:$0xB720] =	vst v63  }
0x52: {  	_ =	swait.ge [sflag:s11], $0x500  }
0x53: {  	[sflag:s11] =	ssyncset.done $0x0  }
0x54: {  	s3 =	simm.s32 $0x640;
	s12 =	simm.s32 $0x2D0;
	[sflag:s11] =	ssyncadd.s32 $0xFFFFFB00  }
.LBB2_4:
0x55: {  	[tilespmem:s21], [sflag:$0x5] =	stream.indirect.gather [hbm4b:s4+s13], $0x10, s12, s13, $0xb8;
	[tilespmem:$0xB720] =	vst v63  }
0x56: {  	s12 =	smov.u32 s3  }
0x57: {  	p0 =	sne.s32 s3, $0x8FC0;
	s3 =	sadd.s32 $0x640, s3;
	_ =	swait.ge [sflag:s22], $0x500  }
0x58: {  	s12 =	sshra.s32 s12, $0x2;
	[sflag:s22] =	ssyncset.done $0x0  }
0x59: {  	s16 =	sadd.s32 $0x2710, s12;
	[sflag:s22] =	ssyncadd.s32 $0xFFFFFB00  }
0x5a: {  	[spmem:s2] =	stream.indirect.scatter.add.f32 [tilespmem:s14], [sflag:$0x6], $0x10, s16, s13, $0xb8;
	[tilespmem:$0xB720] =	vst v63  }
0x5b: {  	_ =	swait.ge [sflag:s11], $0x500  }
0x5c: {  	[sflag:s11] =	ssyncset.done $0x0  }
0x5d: {  	s16 =	sadd.s32 $0x190, s12;
	[sflag:s11] =	ssyncadd.s32 $0xFFFFFB00  }
0x5e: {  	[tilespmem:s14], [sflag:$0x1] =	stream.indirect.gather [hbm4b:s4+s13], $0x10, s16, s13, $0xb8;
	[tilespmem:$0xB720] =	vst v63  }
0x5f: {  	_ =	swait.ge [sflag:s23], $0x500  }
0x60: {  	[sflag:s23] =	ssyncset.done $0x0  }
0x61: {  	s16 =	sadd.s32 $0x2760, s12;
	[sflag:s23] =	ssyncadd.s32 $0xFFFFFB00  }
0x62: {  	[spmem:s2] =	stream.indirect.scatter.add.f32 [tilespmem:s15], [sflag:$0x6], $0x10, s16, s13, $0xb8;
	[tilespmem:$0xB720] =	vst v63  }
0x63: {  	_ =	swait.ge [sflag:s11], $0x500  }
0x64: {  	[sflag:s11] =	ssyncset.done $0x0  }
0x65: {  	s16 =	sadd.s32 $0x1E0, s12;
	[sflag:s11] =	ssyncadd.s32 $0xFFFFFB00  }
0x66: {  	[tilespmem:s15], [sflag:$0x2] =	stream.indirect.gather [hbm4b:s4+s13], $0x10, s16, s13, $0xb8;
	[tilespmem:$0xB720] =	vst v63  }
0x67: {  	_ =	swait.ge [sflag:s24], $0x500  }
0x68: {  	[sflag:s24] =	ssyncset.done $0x0  }
0x69: {  	s16 =	sadd.s32 $0x27B0, s12;
	[sflag:s24] =	ssyncadd.s32 $0xFFFFFB00  }
0x6a: {  	[spmem:s2] =	stream.indirect.scatter.add.f32 [tilespmem:s17], [sflag:$0x6], $0x10, s16, s13, $0xb8;
	[tilespmem:$0xB720] =	vst v63  }
0x6b: {  	_ =	swait.ge [sflag:s11], $0x500  }
0x6c: {  	[sflag:s11] =	ssyncset.done $0x0  }
0x6d: {  	s16 =	sadd.s32 $0x230, s12;
	[sflag:s11] =	ssyncadd.s32 $0xFFFFFB00  }
0x6e: {  	[tilespmem:s17], [sflag:$0x3] =	stream.indirect.gather [hbm4b:s4+s13], $0x10, s16, s13, $0xb8;
	[tilespmem:$0xB720] =	vst v63  }
0x6f: {  	_ =	swait.ge [sflag:s25], $0x500  }
0x70: {  	[sflag:s25] =	ssyncset.done $0x0  }
0x71: {  	s16 =	sadd.s32 $0x2800, s12;
	[sflag:s25] =	ssyncadd.s32 $0xFFFFFB00  }
0x72: {  	[spmem:s2] =	stream.indirect.scatter.add.f32 [tilespmem:s19], [sflag:$0x6], $0x10, s16, s13, $0xb8;
	[tilespmem:$0xB720] =	vst v63  }
0x73: {  	_ =	swait.ge [sflag:s11], $0x500  }
0x74: {  	[sflag:s11] =	ssyncset.done $0x0  }
0x75: {  	s16 =	sadd.s32 $0x280, s12;
	[sflag:s11] =	ssyncadd.s32 $0xFFFFFB00  }
0x76: {  	[tilespmem:s19], [sflag:$0x4] =	stream.indirect.gather [hbm4b:s4+s13], $0x10, s16, s13, $0xb8;
	[tilespmem:$0xB720] =	vst v63  }
0x77: {  	_ =	swait.ge [sflag:s26], $0x500  }
0x78: {  	[sflag:s26] =	ssyncset.done $0x0  }
.Ltmp1:
0x79: {  	s16 =	sadd.s32 $0x2850, s12;
	[sflag:s26] =	ssyncadd.s32 $0xFFFFFB00;
	(pc) =	sbr.rel @p0 .LBB2_4-.Ltmp1, $4  }
0x7a: {  	[spmem:s2] =	stream.indirect.scatter.add.f32 [tilespmem:s21], [sflag:$0x6], $0x10, s16, s13, $0xb8;
	[tilespmem:$0xB720] =	vst v63  }
0x7b: {  	_ =	swait.ge [sflag:s11], $0x500  }
0x7c: {  	[sflag:s11] =	ssyncset.done $0x0  }
0x7d: {  	s12 =	sadd.s32 $0x2D0, s12;
	[sflag:s11] =	ssyncadd.s32 $0xFFFFFB00  }
0x7e: {  	[tilespmem:s21], [sflag:$0x5] =	stream.indirect.gather [hbm4b:s4+s13], $0x10, s12, s13, $0xb8;
	[tilespmem:$0xB720] =	vst v63  }
0x7f: {  	_ =	swait.ge [sflag:s22], $0x500  }
0x80: {  	[sflag:s22] =	ssyncset.done $0x0  }
0x81: {  	[sflag:s22] =	ssyncadd.s32 $0xFFFFFB00  }
0x82: {  	[spmem:s2] =	stream.indirect.scatter.add.f32 [tilespmem:s14], [sflag:$0x6], $0x10, s28, s13, $0xb8;
	[tilespmem:$0xB720] =	vst v63  }
0x83: {  	_ =	swait.ge [sflag:s11], $0x500  }
0x84: {  	[sflag:s11] =	ssyncset.done $0x0  }
0x85: {  	[sflag:s11] =	ssyncadd.s32 $0xFFFFFB00  }
0x86: {  	_ =	swait.ge [sflag:s23], $0x500  }
0x87: {  	[sflag:s23] =	ssyncset.done $0x0  }
0x88: {  	[sflag:s23] =	ssyncadd.s32 $0xFFFFFB00  }
0x89: {  	[spmem:s2] =	stream.indirect.scatter.add.f32 [tilespmem:s15], [sflag:$0x6], $0x10, s29, s13, $0xb8;
	[tilespmem:$0xB720] =	vst v63  }
0x8a: {  	_ =	swait.ge [sflag:s11], $0x500  }
0x8b: {  	[sflag:s11] =	ssyncset.done $0x0  }
0x8c: {  	[sflag:s11] =	ssyncadd.s32 $0xFFFFFB00  }
0x8d: {  	_ =	swait.ge [sflag:s24], $0x500  }
0x8e: {  	[sflag:s24] =	ssyncset.done $0x0  }
0x8f: {  	[sflag:s24] =	ssyncadd.s32 $0xFFFFFB00  }
0x90: {  	[spmem:s2] =	stream.indirect.scatter.add.f32 [tilespmem:s17], [sflag:$0x6], $0x10, s30, s13, $0xb8;
	[tilespmem:$0xB720] =	vst v63  }
0x91: {  	_ =	swait.ge [sflag:s11], $0x500  }
0x92: {  	[sflag:s11] =	ssyncset.done $0x0  }
0x93: {  	[sflag:s11] =	ssyncadd.s32 $0xFFFFFB00  }
0x94: {  	_ =	swait.ge [sflag:s25], $0x500  }
0x95: {  	[sflag:s25] =	ssyncset.done $0x0  }
0x96: {  	[sflag:s25] =	ssyncadd.s32 $0xFFFFFB00  }
0x97: {  	[spmem:s2] =	stream.indirect.scatter.add.f32 [tilespmem:s19], [sflag:$0x6], $0x10, s31, s13, $0xb8;
	[tilespmem:$0xB720] =	vst v63  }
0x98: {  	_ =	swait.ge [sflag:s11], $0x500  }
0x99: {  	[sflag:s11] =	ssyncset.done $0x0  }
0x9a: {  	[sflag:s11] =	ssyncadd.s32 $0xFFFFFB00  }
0x9b: {  	_ =	swait.ge [sflag:s26], $0x500  }
0x9c: {  	[sflag:s26] =	ssyncset.done $0x0  }
0x9d: {  	[sflag:s26] =	ssyncadd.s32 $0xFFFFFB00  }
0x9e: {  	[spmem:s2] =	stream.indirect.scatter.add.f32 [tilespmem:s21], [sflag:$0x6], $0x10, s0, s13, $0xb8;
	[tilespmem:$0xB720] =	vst v63  }
0x9f: {  	_ =	swait.ge [sflag:s11], $0x500  }
0xa0: {  	[sflag:s11] =	ssyncset.done $0x0  }
0xa1: {  	[sflag:s11] =	ssyncadd.s32 $0xFFFFFB00  }
0xa2: {  	[bflag:$0x0] =	sbarrier.arrive $0xFFFF  }
0xa3: {  	[tilespmem:s10], [sflag:$0x6] =	stream.linear.gather [spmem:s5], $0x2800, $0x38;
	[tilespmem:$0xB720] =	vst v63  }
0xa4: {  	s1 =	sadd.s32 $0x1, s1;
	_ =	swait.ge [sflag:s11], $0x2800  }
0xa5: {  	p0 =	sne.s32 s1, s9;
	[sflag:s11] =	ssyncset.done $0x0  }
.Ltmp2:
0xa6: {  	s3 =	simm.s32 $0x0;
	[sflag:s11] =	ssyncadd.s32 $0xFFFFD800;
	(pc) =	sbr.rel @p0 .LBB2_1-.Ltmp2, $4  }
0xa7: {  	[hbm4b:s8+s3] =	stream.linear.scatter [tilespmem:s10], [sflag:$0x6], $0x2800, $0x38;
	[tilespmem:$0xB720] =	vst v63  }
0xa8: {  	_ =	swait.ge [sflag:s11], $0x2800  }
0xa9: {  	[sflag:s11] =	ssyncset.done $0x0  }
0xaa: {  	[sflag:s11] =	ssyncadd.s32 $0xFFFFD800  }
0xab: {  	_ =	sfence.sel $0x180000  }
0xac: {  	[bflag:$0x0] =	sbarrier.arrive $0xFFFF  }
0xad: {  	_ =	strace $0x9000004D  }
0xae: {  	s0 =	stileid.u32;
	[bflag:$0x2] =	sbarrier.arrive $0xFFFF  }
0xaf: {  	p0 =	sne.s32 s0, $0x0;
	s0 =	rddreg [dreg:$0x2]  }
0xb0: {  	s0 =	sadd.s32 @!p0 $0x100000, s0  }
0xb1: {  	[sflag:s0] =	ssyncadd.tile.s32 @!p0 $0x1;
	_ =	shalt  }
.Lfunc_end2:
_tile_overlayer_lowered:
.L_overlay_start_2:
0xb2: {  	(tag) =	ssettag $0x2  }
0xb3: {  	s0 =	rddreg [dreg:$0x0];
	s2 =	stileid.u32  }
0xb4: {  	s1 =	rddreg [dreg:$0x1];
	p0 =	sne.s32 s2, $0x0  }
0xb5: {  	s3 =	rddreg [dreg:$0x2];
	[bflag:$0x3] =	sbarrier.arrive $0xFFFF;
	s2 =	simm.s32 @!p0 $0x1C06  }
0xb6: {  	[timem:s3], [sflag:s2] =	dma.local @!p0 [hbm:s0], s1  }
0xb7: {  	s0 =	simm.s32 @!p0 $0x6  }
0xb8: {  	_ =	swait.ge @!p0 [sflag:s0], s1  }
0xb9: {  	s1 =	ssub.s32 @!p0 $0x0, s1;
	[sflag:s0] =	ssyncset.done @!p0 $0x0  }
0xba: {  	[sflag:s0] =	ssyncadd.s32 @!p0 s1  }
0xbb: {  	[bflag:$0x3] =	sbarrier.arrive $0xFFFF  }
0xbc: {  	_ =	shalt  }

// kernel: kernel.9.cloned.1.call-start
scs
__scs_entry_jumppad:
0x0: {  	(pc) =	sbr.rel $0x88, $3  }
0x1: {  	(tag) =	ssettag $0x0;
	lr =	simm.s32 $0x1  }
0x2: {  	[smem:$0x3F9B] =	sst lr;
	_ =	strace $0xD0000000  }
0x3: {  	_ = 	snop  }
0x4: {  	_ = 	snop  }
0x5: {  	_ = 	snop  }
0x6: {  	_ = 	snop  }
0x7: {  	_ = 	snop  }
__scs_overlays_trampoline_lowered:
0x8: {  	[smem:$0x3FAA] =	sst s0  }
0x9: {  	[smem:$0x3FAB] =	sst s1  }
0xa: {  	[smem:$0x3FAC] =	sst s2  }
0xb: {  	[smem:$0x3FAD] =	sst s3  }
0xc: {  	[smem:$0x3FAE] =	sst s4  }
0xd: {  	[smem:$0x3FAF] =	sst s5  }
0xe: {  	[smem:$0x3FB0] =	sst s6  }
0xf: {  	[smem:$0x3FB1] =	sst s7  }
0x10: {  	[smem:$0x3FB2] =	sst s8  }
0x11: {  	[smem:$0x3FB3] =	sst s9;
	s0 =	simm.s32 @!p0 $0x0  }
0x12: {  	s1 =	sld [smem:$0x3F99];
	s0 =	simm.s32 @p0 $0x1  }
0x13: {  	[smem:$0x3FB4] =	sst s0;
	s0 =	simm.s32 @!p1 $0x0  }
0x14: {  	s2 =	sld [smem:$0x3F98];
	s0 =	simm.s32 @p1 $0x1  }
0x15: {  	[smem:$0x3FB5] =	sst s0;
	s0 =	simm.s32 @!p2 $0x0  }
0x16: {  	s3 =	sld [smem:$0x3FDB];
	s0 =	simm.s32 @p2 $0x1  }
0x17: {  	s4 =	simm.s32 $0x1BF5;
	[smem:$0x3FB7] =	sst s0  }
0x18: {  	s0 =	sld [smem:$0x3F9A];
	_ =	swait.ge [sflag:s4], $0x0  }
0x19: {  	s7 =	sld [smem:$0x3F9B]  }
0x1a: {  	s8 =	sadd.s32 $0xFFFFE003, lr  }
0x1b: {  	s9 =	sadd.s32 $0xFFFFFEF7, lr;
	s5 =	simm.s32 $0xFFFFFFFF;
	p2 =	slt.u32 s8, $0xFFFFF086  }
0x1c: {  	p1 =	slt.u32 s9, $0xF7A;
	s5 =	simm.s32 @!p2 $0x0  }
0x1d: {  	s5 =	simm.s32 @p1 $0x1;
	p0 =	seq.s32 s7, s2  }
0x1e: {  	s7 =	smul.u32 @!p0 $0xF7A, s2;
	p2 =	seq.s32 @!p0 s5, $0x0  }
0x1f: {  	s9 =	smul.u32 $0xF7A, s1;
	s8 =	simm.s32 @!p0 $0x1BF5;
	p2 =	por !p2, p0  }
0x20: {  	[sflag:s8] =	ssyncset.s32 @!p0 $0xFFFFF086;
	s6 =	sadd.s32 @!p0 s3, s7;
	s7 =	simm.s32 @!p0 $0x108  }
0x21: {  	s3 =	sadd.s32 s3, s9;
	s6 =	sadd.s32 @!p0 $0x88, s6;
	s7 =	simm.s32 @p2 $0x1082  }
0x22: {  	[simem:s7], [sflag:s8] =	dma.local @!p0 [hbm:s6], $0xF7A  }
0x23: {  	s9 =	sor.u32 $0xD0000000, s2;
	s6 =	simm.s32 $0x108;
	_ =	swait.ge @!p0 [sflag:s8], $0x0  }
0x24: {  	s3 =	sadd.s32 $0x88, s3;
	s6 =	simm.s32 @!p1 $0x1082;
	[sflag:s4] =	ssyncset.s32 $0xFFFFF086  }
0x25: {  	[simem:s6], [sflag:s4] =	dma.local [hbm:s3], $0xF7A  }
0x26: {  	[smem:$0x3F9B] =	sst s1;
	(tag) =	ssettag s2;
	_ =	strace s9  }
0x27: {  	s1 =	sld [smem:$0x3FAB]  }
0x28: {  	s2 =	sld [smem:$0x3FAC]  }
0x29: {  	s4 =	sld [smem:$0x3FAE]  }
0x2a: {  	p0 =	seq.s32 s5, $0x0;
	s5 =	sld [smem:$0x3FAF]  }
0x2b: {  	s6 =	sld [smem:$0x3FB0]  }
0x2c: {  	s7 =	sld [smem:$0x3FB1]  }
0x2d: {  	s3 =	simm.s32 $0x108;
	s8 =	sld [smem:$0x3FB2]  }
0x2e: {  	s3 =	simm.s32 @!p0 $0x1082;
	s9 =	sld [smem:$0x3FB3]  }
0x2f: {  	lr =	sadd.s32 s0, s3;
	s0 =	sld [smem:$0x3FAA]  }
0x30: {  	s3 =	sld [smem:$0x3FAD]  }
0x31: {  	[smem:$0x3FB6] =	sst s10  }
0x32: {  	s10 =	sld [smem:$0x3FB4];
	_ =	sdelay $0x3  }
0x33: {  	p0 =	seq.s32 s10, $0x1;
	s10 =	sld [smem:$0x3FB6];
	_ =	sdelay $0x3  }
0x34: {  	[smem:$0x3FB6] =	sst s10  }
0x35: {  	s10 =	sld [smem:$0x3FB5];
	_ =	sdelay $0x3  }
0x36: {  	p1 =	seq.s32 s10, $0x1;
	s10 =	sld [smem:$0x3FB6];
	_ =	sdelay $0x3  }
0x37: {  	[smem:$0x3FB6] =	sst s10  }
0x38: {  	s10 =	sld [smem:$0x3FB7]  }
0x39: {  	_ = 	snop;
	(pc) =	sbr.ind lr, $3  }
0x3a: {  	_ = 	snop  }
0x3b: {  	_ = 	snop  }
0x3c: {  	p2 =	seq.s32 s10, $0x1;
	s10 =	sld [smem:$0x3FB6]  }
0x3d: {  	_ =	shalt  }
0x3e: {  	_ =	shalt  }
0x3f: {  	_ =	shalt  }
0x40: {  	_ =	shalt  }
0x41: {  	_ =	shalt  }
0x42: {  	_ =	shalt  }
0x43: {  	_ =	shalt  }
0x44: {  	_ =	shalt  }
0x45: {  	_ =	shalt  }
0x46: {  	_ =	shalt  }
0x47: {  	_ =	shalt  }
0x48: {  	_ =	shalt  }
0x49: {  	_ =	shalt  }
0x4a: {  	_ =	shalt  }
0x4b: {  	_ =	shalt  }
0x4c: {  	_ =	shalt  }
0x4d: {  	_ =	shalt  }
0x4e: {  	_ =	shalt  }
0x4f: {  	_ =	shalt  }
0x50: {  	_ =	shalt  }
0x51: {  	_ =	shalt  }
0x52: {  	_ =	shalt  }
0x53: {  	_ =	shalt  }
0x54: {  	_ =	shalt  }
0x55: {  	_ =	shalt  }
0x56: {  	_ =	shalt  }
0x57: {  	_ =	shalt  }
0x58: {  	_ =	shalt  }
0x59: {  	_ =	shalt  }
0x5a: {  	_ =	shalt  }
0x5b: {  	_ =	shalt  }
0x5c: {  	_ =	shalt  }
0x5d: {  	_ =	shalt  }
0x5e: {  	_ =	shalt  }
0x5f: {  	_ =	shalt  }
0x60: {  	_ =	shalt  }
0x61: {  	_ =	shalt  }
0x62: {  	_ =	shalt  }
0x63: {  	_ =	shalt  }
0x64: {  	_ =	shalt  }
0x65: {  	_ =	shalt  }
0x66: {  	_ =	shalt  }
0x67: {  	_ =	shalt  }
0x68: {  	_ =	shalt  }
0x69: {  	_ =	shalt  }
0x6a: {  	_ =	shalt  }
0x6b: {  	_ =	shalt  }
0x6c: {  	_ =	shalt  }
0x6d: {  	_ =	shalt  }
0x6e: {  	_ =	shalt  }
0x6f: {  	_ =	shalt  }
0x70: {  	_ =	shalt  }
0x71: {  	_ =	shalt  }
0x72: {  	_ =	shalt  }
0x73: {  	_ =	shalt  }
0x74: {  	_ =	shalt  }
0x75: {  	_ =	shalt  }
0x76: {  	_ =	shalt  }
0x77: {  	_ =	shalt  }
0x78: {  	_ =	shalt  }
0x79: {  	_ =	shalt  }
0x7a: {  	_ =	shalt  }
0x7b: {  	_ =	shalt  }
0x7c: {  	_ =	shalt  }
0x7d: {  	_ =	shalt  }
0x7e: {  	_ =	shalt  }
0x7f: {  	_ =	shalt  }
0x80: {  	_ =	shalt  }
0x81: {  	_ =	shalt  }
0x82: {  	_ =	shalt  }
0x83: {  	_ =	shalt  }
0x84: {  	_ =	shalt  }
0x85: {  	_ =	shalt  }
0x86: {  	_ =	shalt  }
0x87: {  	_ =	shalt  }
.Lfunc_end0:
.L_simem_size_0:
called_computation_lowered:
.L_overlay_start_0:
0x88: {  	s2 =	sld [smem:$0x3FD9]  }
0x89: {  	s3 =	sld [smem:$0x3FFE];
	_ =	sdelay $0x1  }
0x8a: {  	s1 =	srdreg.scid  }
0x8b: {  	s0 =	sand.u32 $0x1, s1  }
0x8c: {  	s16 =	sshll.u32 s0, $0xA;
	s2 =	sadd.s32 s3, s2  }
0x8d: {  	s2 =	sadd.s32 s2, s16  }
0x8e: {  	[smem:$0x3FC2] =	sst s2  }
0x8f: {  	_ = 	snop  }
0x90: {  	(tm) =	ssettm $0x1  }
0x91: {  	s17 =	sld [smem:$0x3FFB];
	_ =	sdelay $0x3  }
0x92: {  	_ =	strace s17  }
0x93: {  	s2 =	sld [smem:$0x3FFC];
	_ =	sdelay $0x3  }
0x94: {  	_ =	strace s2  }
0x95: {  	s2 =	sld [smem:$0x3FFD];
	_ =	sdelay $0x3  }
0x96: {  	_ =	strace s2  }
0x97: {  	_ =	strace $0x8FFFFFFF  }
0x98: {  	s18 =	sld [smem:$0x3FDB];
	_ =	sdelay $0x1  }
0x99: {  	s19 =	simm.s32 $_scs_section_size  }
0x9a: {  	s4 =	simm.s32 $_size__tile_overlayer_lowered;
	s5 =	simm.s32 $_tile_overlayer_lowered  }
0x9b: {  	s22 =	simm.s32 $0x1BFF;
	s21 =	sshll.u32 s5, $0x1;
	s2 =	sadd.s32 s19, s18  }
0x9c: {  	s6 =	simm.s32 $0x0;
	s20 =	sshll.u32 s4, $0x1;
	s4 =	sadd.s32 s21, s2  }
0x9d: {  	[timem:s6], [sflag:s22] =	dma.local [hbm:s4], s20  }
0x9e: {  	_ =	swait.ge [sflag:s22], s20  }
0x9f: {  	s3 =	ssub.s32 $0x0, s20;
	[sflag:s22] =	ssyncset.done $0x0  }
0xa0: {  	[sflag:s22] =	ssyncadd.s32 s3;
	_ =	sdelay $0x1  }
0xa1: {  	s23 =	simm.s32 $0x1B8B  }
0xa2: {  	_ =	swait.ge [sflag:s23], $0x1  }
0xa3: {  	[sflag:s23] =	ssyncset.done $0x0  }
0xa4: {  	s25 =	simm.s32 $0x1B8E;
	s24 =	sld [smem:$0x3FFE];
	[sflag:s23] =	ssyncadd.s32 $0xFFFFFFFF  }
0xa5: {  	s26 =	simm.s32 $execute0_lowered;
	[smem:$0x3FD2] =	sst s25  }
0xa6: {  	s4 =	sshll.u32 s26, $0x1;
	_ =	strace $0x80000046;
	[dreg:$0x1] =	wrdreg $0xFFFFFFFF  }
0xa7: {  	s28 =	simm.s32 $_size_execute0_lowered;
	s2 =	sadd.s32 s2, s4;
	[dreg:$0x0] =	wrdreg $0x0  }
0xa8: {  	s4 =	sshll.u32 s28, $0x1;
	[dreg:$0x2] =	wrdreg s2  }
0xa9: {  	[dreg:$0x3] =	wrdreg s4  }
0xaa: {  	[dreg:$0x4] =	wrdreg $0xC0  }
0xab: {  	_ =	task [dreg:s6], $0x5FFFF  }
0xac: {  	[dreg:$0x1] =	wrdreg $0xFFFFFFFF  }
0xad: {  	[dreg:$0x0] =	wrdreg $0x60  }
0xae: {  	[dreg:$0x2] =	wrdreg s24  }
0xaf: {  	[dreg:$0x3] =	wrdreg $0x54100  }
0xb0: {  	[dreg:$0x4] =	wrdreg $0x9  }
0xb1: {  	_ =	task.clear_ibuf [dreg:s6], $0x5FFFF;
	_ =	strace $0x90000046  }
0xb2: {  	s29 =	simm.s32 $0x9;
	_ =	strace $0x80000048  }
0xb3: {  	_ =	swait.ge [sflag:s29], $0x1  }
0xb4: {  	[sflag:s29] =	ssyncadd.s32 $0xFFFFFFFF  }
0xb5: {  	_ =	strace $0x90000048  }
0xb6: {  	_ =	sfence  }
0xb7: {  	s30 =	sld [smem:$0x0];
	_ =	sdelay $0x2  }
0xb8: {  	s31 =	sshll.u32 s1, $0xD;
	s1 =	sshrl.u32 s1, $0x2  }
0xb9: {  	s3 =	sand.u32 $0x4000, s31;
	s1 =	sadd.s32 s1, s30  }
0xba: {  	s0 =	sor.u32 s3, s0;
	s1 =	sshll.u32 s1, $0x11  }
0xbb: {  	s0 =	sor.u32 s1, s0  }
0xbc: {  	s0 =	sadd.s32 $0x8F2B, s0  }
0xbd: {  	[sflag:s0] =	ssyncadd.remote.s32 $0x1  }
0xbe: {  	_ =	sfence.sel $0xFFFF  }
0xbf: {  	[dreg:$0x0] =	wrdreg $0xFFFFFFFF;
	(pc) =	sbr.abs _section_cstart, $3  }
0xc0: {  	[dreg:$0x1] =	wrdreg $0xFFFFFFFF  }
0xc1: {  	_ =	task.clear_ibuf [dreg:s6], $0x2FFFF;
	_ =	strace $0x9FFFFFFF  }
0xc2: {  	(tm) =	ssettm $0x7FFFFFFF  }
0xc3: {  	_ =	shalt  }
tec
execute0_lowered:
.L_overlay_start_1:
0x0: {  	(tag) =	ssettag $0x1  }
0x1: {  	s4 =	rddreg [dreg:$0x0]  }
0x2: {  	s2 =	rddreg [dreg:$0x1];
	s3 =	srdreg.scid  }
0x3: {  	s1 =	stileid.u32;
	s0 =	rddreg [dreg:$0x2];
	s10 =	simm.s32 $0x50  }
0x4: {  	s11 =	simm.s32 $0x2710;
	s5 =	sand.u32 $0x1, s3;
	s6 =	smul.u32 $0x2800, s1  }
0x5: {  	s3 =	simm.s32 $0x0;
	s7 =	sshll.u32 s5, $0x4;
	s8 =	smul.u32 $0x28000, s5  }
0x6: {  	s12 =	simm.s32 $0x0;
	[smem:$0x7FF] =	sst s3;
	s7 =	sor.u32 s1, s7  }
0x7: {  	s5 =	ssub.s32 $0x2, s5;
	s7 =	smul.u32 $0x4E2, s7;
	s8 =	sadd.s32 s6, s8  }
0x8: {  	_ =	strace $0x80000047;
	s9 =	sshrl.u32 s5, $0x1;
	s8 =	sshrl.u32 s8, $0x3  }
0x9: {  	s9 =	ssub.s32 s5, s9;
	s7 =	sadd.s32 s7, s4;
	s8 =	sadd.s32 s8, s4  }
0xa: {  	s4 =	sadd.s32 s6, s2;
	s5 =	sadd.s32 $0xC200, s7;
	s6 =	sadd.s32 $0x16000, s8  }
0xb: {  	v0 =	vimm.f32 $0.0e+00;
	v1 =	vimm.f32 $1.000000000e+00;
	s7 =	smax.u32 s9, $0x1;
	s8 =	simm.s32 $0x2C10;
	s9 =	simm.s32 $0x1  }
.LBB2_1:
0xc: {  	s13 =	simm.s32 $0x0  }
.LBB2_2:
0xd: {  	p0 =	sne.s32 s13, $0x9FC0  }
.Ltmp0:
0xe: {  	_ = 	snop;
	(pc) =	sbr.rel @p0 .LBB2_2-.Ltmp0, $3  }
0xf: {  	_ =	sdelay $0x1  }
0x10: {  	s14 =	sshra.s32 s13, $0x2  }
0x11: {  	s13 =	sadd.s32 $0x40, s13;
	[tilespmem:s14+$0x2C10] =	vst v0  }
0x12: {  	s13 =	simm.s32 $0x40;
	s14 =	simm.s32 $0x0  }
.LBB2_4:
0x13: {  	p0 =	sne.s32 s13, $0x13C0;
	[tilespmem:s14+$0x2710] =	vst v1;
	s14 =	smov.u32 s13;
	s13 =	sadd.s32 $0x40, s13  }
.Ltmp1:
0x14: {  	(pc) =	sbr.rel @p0 .LBB2_4-.Ltmp1, $2  }
0x15: {  	_ =	sdelay $0x2  }
0x16: {  	s14 =	sshra.s32 s14, $0x2  }
0x17: {  	[tilespmem:s14+$0x2710] =	vst v1  }
0x18: {  	[spmem:s4] =	stream.linear.scatter [tilespmem:s8], [sflag:$0x1], $0x2800, $0x38;
	[tilespmem:$0x7C10] =	vst v63  }
0x19: {  	_ =	swait.ge [sflag:s9], $0x2800  }
0x1a: {  	[sflag:s9] =	ssyncset.done $0x0  }
0x1b: {  	s13 =	simm.s32 $0x0;
	[sflag:s9] =	ssyncadd.s32 $0xFFFFD800  }
0x1c: {  	[tilespmem:s13], [sflag:$0x1] =	stream.linear.gather [hbm4b:s5+s13], $0x2710, $0x38;
	[tilespmem:$0x7C10] =	vst v63  }
0x1d: {  	_ =	swait.ge [sflag:s9], $0x2710  }
0x1e: {  	[sflag:s9] =	ssyncset.done $0x0  }
0x1f: {  	[sflag:s9] =	ssyncadd.s32 $0xFFFFD8F0  }
0x20: {  	s31 =	simm.s32 $0x0;
	[bflag:$0x0] =	sbarrier.arrive $0xFFFF  }
0x21: {  	[spmem:s2] =	stream.indirect.scatter.add.f32 [tilespmem:s11], [sflag:$0x1], $0x10, s31, s10, $0xb8;
	[tilespmem:$0x7C10] =	vst v63  }
0x22: {  	_ =	swait.ge [sflag:s9], $0x500  }
0x23: {  	s13 =	simm.s32 $0x140;
	[sflag:s9] =	ssyncset.done $0x0  }
.LBB2_6:
0x24: {  	s14 =	sshra.s32 s13, $0x2;
	[sflag:s9] =	ssyncadd.s32 $0xFFFFFB00;
	p0 =	sne.s32 s13, $0x9B00  }
0x25: {  	[spmem:s2] =	stream.indirect.scatter.add.f32 [tilespmem:s11], [sflag:$0x1], $0x10, s14, s10, $0xb8;
	[tilespmem:$0x7C10] =	vst v63  }
.Ltmp2:
0x26: {  	_ = 	snop;
	(pc) =	sbr.rel @p0 .LBB2_6-.Ltmp2, $4  }
0x27: {  	_ = 	snop  }
0x28: {  	s13 =	sadd.s32 $0x140, s13  }
0x29: {  	_ =	swait.ge [sflag:s9], $0x500  }
0x2a: {  	[sflag:s9] =	ssyncset.done $0x0  }
0x2b: {  	[sflag:s9] =	ssyncadd.s32 $0xFFFFFB00  }
0x2c: {  	[bflag:$0x0] =	sbarrier.arrive $0xFFFF  }
0x2d: {  	[tilespmem:s8], [sflag:$0x1] =	stream.linear.gather [spmem:s4], $0x2800, $0x38;
	[tilespmem:$0x7C10] =	vst v63  }
0x2e: {  	s12 =	sadd.s32 $0x1, s12;
	_ =	swait.ge [sflag:s9], $0x2800  }
0x2f: {  	p0 =	sne.s32 s12, s7;
	[sflag:s9] =	ssyncset.done $0x0  }
.Ltmp3:
0x30: {  	[sflag:s9] =	ssyncadd.s32 $0xFFFFD800;
	(pc) =	sbr.rel @p0 .LBB2_1-.Ltmp3, $4  }
0x31: {  	[hbm4b:s6+s3] =	stream.linear.scatter [tilespmem:s8], [sflag:$0x1], $0x2800, $0x38;
	[tilespmem:$0x7C10] =	vst v63  }
0x32: {  	_ =	swait.ge [sflag:s9], $0x2800  }
0x33: {  	[sflag:s9] =	ssyncset.done $0x0  }
0x34: {  	[sflag:s9] =	ssyncadd.s32 $0xFFFFD800  }
0x35: {  	_ =	sfence.sel $0x180000  }
0x36: {  	[bflag:$0x0] =	sbarrier.arrive $0xFFFF  }
0x37: {  	p0 =	sne.s32 s1, $0x0;
	_ =	strace $0x90000047  }
0x38: {  	s0 =	sadd.s32 @!p0 $0x100000, s0;
	[bflag:$0x2] =	sbarrier.arrive $0xFFFF  }
0x39: {  	[sflag:s0] =	ssyncadd.tile.s32 @!p0 $0x1;
	_ =	shalt  }
.Lfunc_end2:
_tile_overlayer_lowered:
.L_overlay_start_2:
0x3a: {  	(tag) =	ssettag $0x2  }
0x3b: {  	s0 =	rddreg [dreg:$0x0];
	s2 =	stileid.u32  }
0x3c: {  	s1 =	rddreg [dreg:$0x1];
	p0 =	sne.s32 s2, $0x0  }
0x3d: {  	s3 =	rddreg [dreg:$0x2];
	[bflag:$0x3] =	sbarrier.arrive $0xFFFF;
	s2 =	simm.s32 @!p0 $0x1C01  }
0x3e: {  	[timem:s3], [sflag:s2] =	dma.local @!p0 [hbm:s0], s1  }
0x3f: {  	s0 =	simm.s32 @!p0 $0x1  }
0x40: {  	_ =	swait.ge @!p0 [sflag:s0], s1  }
0x41: {  	s1 =	ssub.s32 @!p0 $0x0, s1;
	[sflag:s0] =	ssyncset.done @!p0 $0x0  }
0x42: {  	[sflag:s0] =	ssyncadd.s32 @!p0 s1  }
0x43: {  	[bflag:$0x3] =	sbarrier.arrive $0xFFFF  }
0x44: {  	_ =	shalt  }

</sc_bundles>
